<compile_context>
chip_gen: v7x
topology: tpu7x:2x2x1
jax: 0.10.2.dev20260603
libtpu: 0.0.44.dev20260713+nightly
codegen_flags: <defaults>
</compile_context>

<pallas_src>
import jax
import jax.numpy as jnp
from jax import lax
from jax.experimental import pallas as pl
from jax.experimental.pallas import tpu as pltpu
from jax.experimental.pallas import tpu_sc as plsc

VOCAB = 150
EMBED = 32
BATCH = 16384
HIST = 5
PADV = 152
_STRIDE = EMBED + 1

_NC, _NS, _L = 2, 16, 16
_NW = _NC * _NS
_BW = BATCH // _NW
_NG = _BW // _L


def _tree_sum(vals):
    while len(vals) > 1:
        vals = [a + b for a, b in zip(vals[::2], vals[1::2])] + (
            [vals[-1]] if len(vals) % 2 else []
        )
    return vals[0]


def _sc_body(r_hbm, d_hbm, t_hbm, out_hbm, r_v, d_v, t_v, acc_v):
    wid = lax.axis_index("s") * _NC + lax.axis_index("c")
    base = wid * _BW
    pltpu.sync_copy(t_hbm, t_v)
    pltpu.sync_copy(r_hbm.at[pl.ds(base * HIST, _BW * HIST)], r_v)
    pltpu.sync_copy(d_hbm.at[pl.ds(base * HIST, _BW * HIST)], d_v)

    lane5 = lax.iota(jnp.int32, _L) * HIST

    def group(g, carry):
        ra = [
            plsc.load_gather(r_v, [lane5 + (g * _L * HIST + h)]) * _STRIDE
            for h in range(HIST)
        ]
        da = [
            plsc.load_gather(d_v, [lane5 + (g * _L * HIST + h)]) * _STRIDE
            + PADV * _STRIDE
            for h in range(HIST)
        ]
        for j in range(EMBED):
            rs = _tree_sum([plsc.load_gather(t_v, [a + j]) for a in ra])
            ds = _tree_sum([plsc.load_gather(t_v, [a + j]) for a in da])
            acc_v[j, pl.ds(g * _L, _L)] = rs
            acc_v[EMBED + j, pl.ds(g * _L, _L)] = ds
        return carry

    lax.fori_loop(0, _NG, group, 0, unroll=False)
    pltpu.sync_copy(acc_v, out_hbm.at[:, pl.ds(base, _BW)])


def _sc_gather(r_flat, d_flat, table_flat):
    mesh = plsc.VectorSubcoreMesh(core_axis_name="c", subcore_axis_name="s")
    return pl.kernel(
        _sc_body,
        out_type=jax.ShapeDtypeStruct((2 * EMBED, BATCH), jnp.float32),
        mesh=mesh,
        compiler_params=pltpu.CompilerParams(needs_layout_passes=False),
        scratch_types=[
            pltpu.VMEM((HIST * _BW,), jnp.int32),
            pltpu.VMEM((HIST * _BW,), jnp.int32),
            pltpu.VMEM((2 * PADV * _STRIDE,), jnp.float32),
            pltpu.VMEM((2 * EMBED, _BW), jnp.float32),
        ],
    )(r_flat, d_flat, table_flat)


_BN = 4096


def _mlp_body(x_ref, w1_ref, b1_ref, w2_ref, b2_ref, w3_ref, b3_ref, out_ref):
    h1 = lax.dot_general(
        w1_ref[...], x_ref[...], (((0,), (0,)), ((), ())),
        preferred_element_type=jnp.float32,
    )
    h1 = jnp.maximum(h1 + b1_ref[...], 0.0)
    h2 = lax.dot_general(
        w2_ref[...], h1, (((0,), (0,)), ((), ())),
        preferred_element_type=jnp.float32,
    )
    h2 = jnp.maximum(h2 + b2_ref[...], 0.0)
    h3 = lax.dot_general(
        w3_ref[...], h2, (((0,), (0,)), ((), ())),
        preferred_element_type=jnp.float32,
    )
    out_ref[...] = jnp.maximum(h3 + b3_ref[...], 0.0)


def _mlp(x, W1, b1, W2, b2, W3, b3):
    grid = (BATCH // _BN,)
    return pl.pallas_call(
        _mlp_body,
        grid=grid,
        in_specs=[
            pl.BlockSpec((2 * EMBED, _BN), lambda i: (0, i)),
            pl.BlockSpec(W1.shape, lambda i: (0, 0)),
            pl.BlockSpec((EMBED, 1), lambda i: (0, 0)),
            pl.BlockSpec(W2.shape, lambda i: (0, 0)),
            pl.BlockSpec((EMBED // 2, 1), lambda i: (0, 0)),
            pl.BlockSpec(W3.shape, lambda i: (0, 0)),
            pl.BlockSpec((1, 1), lambda i: (0, 0)),
        ],
        out_specs=pl.BlockSpec((1, _BN), lambda i: (0, i)),
        out_shape=jax.ShapeDtypeStruct((1, BATCH), jnp.float32),
    )(
        x, W1, b1.reshape(EMBED, 1), W2, b2.reshape(EMBED // 2, 1), W3,
        b3.reshape(1, 1),
    )


def kernel(radiant_heros, dire_heros, E_r, E_d, W1, b1, W2, b2, W3, b3):
    pad = ((0, PADV - VOCAB), (0, _STRIDE - EMBED))
    table = jnp.concatenate([jnp.pad(E_r, pad), jnp.pad(E_d, pad)]).reshape(-1)
    x = _sc_gather(radiant_heros.reshape(-1), dire_heros.reshape(-1), table)
    out = _mlp(x, W1, b1, W2, b2, W3, b3)
    return out.reshape(BATCH, 1)

# --- scband reference (transcript-rebuilt; emitter-appended) ---
"""Pipeline reference for scband-my-model-30837865185653 (READ-ONLY COPY).

The authoritative reference and input builder live on the scoring server;
editing this copy changes nothing except your own understanding.
"""

import jax, jax.numpy as jnp
import numpy as np

VOCAB = 150
EMBED = 32
BATCH = 16384
HIST = 5


def setup_inputs(seed: int = 0) -> dict:
    key = jax.random.key(seed)
    ks = jax.random.split(key, 12)
    radiant_heros = jax.random.randint(ks[0], (BATCH, HIST), 0, VOCAB, dtype=jnp.int64 if jax.config.jax_enable_x64 else jnp.int32).astype(jnp.int32)
    dire_heros = jax.random.randint(ks[1], (BATCH, HIST), 0, VOCAB, dtype=jnp.int32)
    E_r = jax.random.normal(ks[2], (VOCAB, EMBED), dtype=jnp.float32) * 0.05
    E_d = jax.random.normal(ks[3], (VOCAB, EMBED), dtype=jnp.float32) * 0.05
    W1 = jax.random.normal(ks[4], (2 * EMBED, EMBED), dtype=jnp.float32) * (1.0 / np.sqrt(2 * EMBED))
    b1 = jnp.zeros((EMBED,), dtype=jnp.float32)
    W2 = jax.random.normal(ks[5], (EMBED, EMBED // 2), dtype=jnp.float32) * (1.0 / np.sqrt(EMBED))
    b2 = jnp.zeros((EMBED // 2,), dtype=jnp.float32)
    W3 = jax.random.normal(ks[6], (EMBED // 2, 1), dtype=jnp.float32) * (1.0 / np.sqrt(EMBED // 2))
    b3 = jnp.zeros((1,), dtype=jnp.float32)
    return {
        "radiant_heros": radiant_heros,
        "dire_heros": dire_heros,
        "E_r": E_r,
        "E_d": E_d,
        "W1": W1,
        "b1": b1,
        "W2": W2,
        "b2": b2,
        "W3": W3,
        "b3": b3,
    }


def reference(radiant_heros, dire_heros, E_r, E_d, W1, b1, W2, b2, W3, b3):
    # Embedding lookup (gather) + sum over the 5-hero axis
    embed_radiant_val = jnp.sum(jnp.take(E_r, radiant_heros, axis=0), axis=1)  # [B, 32]
    embed_dire_val = jnp.sum(jnp.take(E_d, dire_heros, axis=0), axis=1)        # [B, 32]
    x = jnp.concatenate([embed_radiant_val, embed_dire_val], axis=1)           # [B, 64]
    x = jax.nn.relu(x @ W1 + b1)
    x = jax.nn.relu(x @ W2 + b2)
    x = jax.nn.relu(x @ W3 + b3)
    return x

if __name__ == "__main__":
    import jax
    _d = setup_inputs()
    print(jax.jit(kernel)(*tuple(_d.values())))

</pallas_src>

<mosaic_0001>
#map = affine_map<(d0, d1) -> (0)>
#map1 = affine_map<(d0, d1) -> (0, 0)>
module attributes {stable_mosaic.version = 14 : i64} {
  func.func @_sc_body(%arg0: i32, %arg1: i32, %arg2: memref<81920xi32, #tpu.memory_space<hbm>>, %arg3: memref<81920xi32, #tpu.memory_space<hbm>>, %arg4: memref<10032xf32, #tpu.memory_space<hbm>>, %arg5: memref<64x16384xf32, #tpu.memory_space<hbm>>, %arg6: memref<2560xi32, #tpu.memory_space<vmem>>, %arg7: memref<2560xi32, #tpu.memory_space<vmem>>, %arg8: memref<10032xf32, #tpu.memory_space<vmem>>, %arg9: memref<64x512xf32, #tpu.memory_space<vmem>>) attributes {dimension_semantics = [#tpu.dimension_semantics<core_parallel>, #tpu.dimension_semantics<subcore_parallel>], iteration_bounds = array<i64: 2, 16>, scalar_prefetch = 0 : i64, scratch_operands = 4 : i64, tpu.core_type = #tpu.core_type<sc_vector_subcore>, window_params = [{transform_indices = #map}, {transform_indices = #map}, {transform_indices = #map}, {transform_indices = #map1}]} {
    %mul3A = arith.constant 2 : i32
    %mul3A_0 = arith.muli %arg1, %mul3A : i32
    %add3A = arith.addi %mul3A_0, %arg0 : i32
    %mul3A_1 = arith.constant 512 : i32
    %mul3A_2 = arith.muli %add3A, %mul3A_1 : i32
    "tpu.region"() ({
      %run_scoped3A = tpu.sem_alloc : memref<!tpu.dma_semaphore, #tpu.memory_space<semaphore_mem>>
      tpu.enqueue_dma source(%arg4 : memref<10032xf32, #tpu.memory_space<hbm>>) target(%arg8 : memref<10032xf32, #tpu.memory_space<vmem>>) target_semaphore(%run_scoped3A : memref<!tpu.dma_semaphore, #tpu.memory_space<semaphore_mem>>)
      tpu.wait_dma2 semaphore(%run_scoped3A : memref<!tpu.dma_semaphore, #tpu.memory_space<semaphore_mem>>) src(%arg4 : memref<10032xf32, #tpu.memory_space<hbm>>) dst(%arg8 : memref<10032xf32, #tpu.memory_space<vmem>>)
      tpu.yield
    }) : () -> ()
    %mul3A_3 = arith.constant 5 : i32
    %mul3A_4 = arith.muli %mul3A_2, %mul3A_3 : i32
    "tpu.region"() ({
      %run_scoped3A = tpu.sem_alloc : memref<!tpu.dma_semaphore, #tpu.memory_space<semaphore_mem>>
      %dma_start3A = tpu.memref_slice %arg2[%mul3A_4] : memref<81920xi32, #tpu.memory_space<hbm>> -> memref<2560xi32, #tpu.memory_space<hbm>>
      %dma_start3A_15 = tpu.memref_slice %arg2[%mul3A_4] : memref<81920xi32, #tpu.memory_space<hbm>> -> memref<2560xi32, #tpu.memory_space<hbm>>
      tpu.enqueue_dma source(%dma_start3A_15 : memref<2560xi32, #tpu.memory_space<hbm>>) target(%arg6 : memref<2560xi32, #tpu.memory_space<vmem>>) target_semaphore(%run_scoped3A : memref<!tpu.dma_semaphore, #tpu.memory_space<semaphore_mem>>)
      %dma_wait3A = tpu.memref_slice %arg2[%mul3A_4] : memref<81920xi32, #tpu.memory_space<hbm>> -> memref<2560xi32, #tpu.memory_space<hbm>>
      %dma_wait3A_16 = tpu.memref_slice %arg2[%mul3A_4] : memref<81920xi32, #tpu.memory_space<hbm>> -> memref<2560xi32, #tpu.memory_space<hbm>>
      tpu.wait_dma2 semaphore(%run_scoped3A : memref<!tpu.dma_semaphore, #tpu.memory_space<semaphore_mem>>) src(%dma_wait3A_16 : memref<2560xi32, #tpu.memory_space<hbm>>) dst(%arg6 : memref<2560xi32, #tpu.memory_space<vmem>>)
      tpu.yield
    }) : () -> ()
    %mul3A_5 = arith.constant 5 : i32
    %mul3A_6 = arith.muli %mul3A_2, %mul3A_5 : i32
    "tpu.region"() ({
      %run_scoped3A = tpu.sem_alloc : memref<!tpu.dma_semaphore, #tpu.memory_space<semaphore_mem>>
      %dma_start3A = tpu.memref_slice %arg3[%mul3A_6] : memref<81920xi32, #tpu.memory_space<hbm>> -> memref<2560xi32, #tpu.memory_space<hbm>>
      %dma_start3A_15 = tpu.memref_slice %arg3[%mul3A_6] : memref<81920xi32, #tpu.memory_space<hbm>> -> memref<2560xi32, #tpu.memory_space<hbm>>
      tpu.enqueue_dma source(%dma_start3A_15 : memref<2560xi32, #tpu.memory_space<hbm>>) target(%arg7 : memref<2560xi32, #tpu.memory_space<vmem>>) target_semaphore(%run_scoped3A : memref<!tpu.dma_semaphore, #tpu.memory_space<semaphore_mem>>)
      %dma_wait3A = tpu.memref_slice %arg3[%mul3A_6] : memref<81920xi32, #tpu.memory_space<hbm>> -> memref<2560xi32, #tpu.memory_space<hbm>>
      %dma_wait3A_16 = tpu.memref_slice %arg3[%mul3A_6] : memref<81920xi32, #tpu.memory_space<hbm>> -> memref<2560xi32, #tpu.memory_space<hbm>>
      tpu.wait_dma2 semaphore(%run_scoped3A : memref<!tpu.dma_semaphore, #tpu.memory_space<semaphore_mem>>) src(%dma_wait3A_16 : memref<2560xi32, #tpu.memory_space<hbm>>) dst(%arg7 : memref<2560xi32, #tpu.memory_space<vmem>>)
      tpu.yield
    }) : () -> ()
    %iota3A = tpu.iota {dimensions = array<i32: 0>} : vector<16xi32>
    %mul3A_7 = arith.constant 5 : i32
    %mul3A_8 = vector.broadcast %mul3A_7 : i32 to vector<16xi32>
    %mul3A_9 = arith.muli %iota3A, %mul3A_8 : vector<16xi32>
    %scan3A = arith.constant 0 : i32
    %scan3A_10 = arith.constant 0 : i32
    %scan3A_11 = arith.constant 32 : i32
    %scan3A_12 = arith.addi %scan3A_10, %scan3A_11 : i32
    %scan3A_13 = arith.constant 1 : i32
    scf.for %scan3A_15 = %scan3A_10 to %scan3A_12 step %scan3A_13  : i32 {
      %mul3A_16 = arith.constant 16 : i32
      %mul3A_17 = arith.muli %scan3A_15, %mul3A_16 : i32
      %mul3A_18 = arith.constant 5 : i32
      %mul3A_19 = arith.muli %mul3A_17, %mul3A_18 : i32
      %add3A_20 = arith.constant 0 : i32
      %add3A_21 = arith.addi %mul3A_19, %add3A_20 : i32
      %add3A_22 = vector.broadcast %add3A_21 : i32 to vector<16xi32>
      %add3A_23 = arith.addi %mul3A_9, %add3A_22 : vector<16xi32>
      %gather3A = tpu.vector_load_idx %arg6[%add3A_23] : memref<2560xi32, #tpu.memory_space<vmem>>[vector<16xi32>], vector<16xi32>,
      %mul3A_24 = arith.constant 33 : i32
      %mul3A_25 = vector.broadcast %mul3A_24 : i32 to vector<16xi32>
      %mul3A_26 = arith.muli %gather3A, %mul3A_25 : vector<16xi32>
      %mul3A_27 = arith.constant 16 : i32
      %mul3A_28 = arith.muli %scan3A_15, %mul3A_27 : i32
      %mul3A_29 = arith.constant 5 : i32
      %mul3A_30 = arith.muli %mul3A_28, %mul3A_29 : i32
      %add3A_31 = arith.constant 1 : i32
      %add3A_32 = arith.addi %mul3A_30, %add3A_31 : i32
      %add3A_33 = vector.broadcast %add3A_32 : i32 to vector<16xi32>
      %add3A_34 = arith.addi %mul3A_9, %add3A_33 : vector<16xi32>
      %gather3A_35 = tpu.vector_load_idx %arg6[%add3A_34] : memref<2560xi32, #tpu.memory_space<vmem>>[vector<16xi32>], vector<16xi32>,
      %mul3A_36 = arith.constant 33 : i32
      %mul3A_37 = vector.broadcast %mul3A_36 : i32 to vector<16xi32>
      %mul3A_38 = arith.muli %gather3A_35, %mul3A_37 : vector<16xi32>
      %mul3A_39 = arith.constant 16 : i32
      %mul3A_40 = arith.muli %scan3A_15, %mul3A_39 : i32
      %mul3A_41 = arith.constant 5 : i32
      %mul3A_42 = arith.muli %mul3A_40, %mul3A_41 : i32
      %add3A_43 = arith.constant 2 : i32
      %add3A_44 = arith.addi %mul3A_42, %add3A_43 : i32
      %add3A_45 = vector.broadcast %add3A_44 : i32 to vector<16xi32>
      %add3A_46 = arith.addi %mul3A_9, %add3A_45 : vector<16xi32>
      %gather3A_47 = tpu.vector_load_idx %arg6[%add3A_46] : memref<2560xi32, #tpu.memory_space<vmem>>[vector<16xi32>], vector<16xi32>,
      %mul3A_48 = arith.constant 33 : i32
      %mul3A_49 = vector.broadcast %mul3A_48 : i32 to vector<16xi32>
      %mul3A_50 = arith.muli %gather3A_47, %mul3A_49 : vector<16xi32>
      %mul3A_51 = arith.constant 16 : i32
      %mul3A_52 = arith.muli %scan3A_15, %mul3A_51 : i32
      %mul3A_53 = arith.constant 5 : i32
      %mul3A_54 = arith.muli %mul3A_52, %mul3A_53 : i32
      %add3A_55 = arith.constant 3 : i32
      %add3A_56 = arith.addi %mul3A_54, %add3A_55 : i32
      %add3A_57 = vector.broadcast %add3A_56 : i32 to vector<16xi32>
      %add3A_58 = arith.addi %mul3A_9, %add3A_57 : vector<16xi32>
      %gather3A_59 = tpu.vector_load_idx %arg6[%add3A_58] : memref<2560xi32, #tpu.memory_space<vmem>>[vector<16xi32>], vector<16xi32>,
      %mul3A_60 = arith.constant 33 : i32
      %mul3A_61 = vector.broadcast %mul3A_60 : i32 to vector<16xi32>
      %mul3A_62 = arith.muli %gather3A_59, %mul3A_61 : vector<16xi32>
      %mul3A_63 = arith.constant 16 : i32
      %mul3A_64 = arith.muli %scan3A_15, %mul3A_63 : i32
      %mul3A_65 = arith.constant 5 : i32
      %mul3A_66 = arith.muli %mul3A_64, %mul3A_65 : i32
      %add3A_67 = arith.constant 4 : i32
      %add3A_68 = arith.addi %mul3A_66, %add3A_67 : i32
      %add3A_69 = vector.broadcast %add3A_68 : i32 to vector<16xi32>
      %add3A_70 = arith.addi %mul3A_9, %add3A_69 : vector<16xi32>
      %gather3A_71 = tpu.vector_load_idx %arg6[%add3A_70] : memref<2560xi32, #tpu.memory_space<vmem>>[vector<16xi32>], vector<16xi32>,
      %mul3A_72 = arith.constant 33 : i32
      %mul3A_73 = vector.broadcast %mul3A_72 : i32 to vector<16xi32>
      %mul3A_74 = arith.muli %gather3A_71, %mul3A_73 : vector<16xi32>
      %mul3A_75 = arith.constant 16 : i32
      %mul3A_76 = arith.muli %scan3A_15, %mul3A_75 : i32
      %mul3A_77 = arith.constant 5 : i32
      %mul3A_78 = arith.muli %mul3A_76, %mul3A_77 : i32
      %add3A_79 = arith.constant 0 : i32
      %add3A_80 = arith.addi %mul3A_78, %add3A_79 : i32
      %add3A_81 = vector.broadcast %add3A_80 : i32 to vector<16xi32>
      %add3A_82 = arith.addi %mul3A_9, %add3A_81 : vector<16xi32>
      %gather3A_83 = tpu.vector_load_idx %arg7[%add3A_82] : memref<2560xi32, #tpu.memory_space<vmem>>[vector<16xi32>], vector<16xi32>,
      %mul3A_84 = arith.constant 33 : i32
      %mul3A_85 = vector.broadcast %mul3A_84 : i32 to vector<16xi32>
      %mul3A_86 = arith.muli %gather3A_83, %mul3A_85 : vector<16xi32>
      %add3A_87 = arith.constant 5016 : i32
      %add3A_88 = vector.broadcast %add3A_87 : i32 to vector<16xi32>
      %add3A_89 = arith.addi %mul3A_86, %add3A_88 : vector<16xi32>
      %mul3A_90 = arith.constant 16 : i32
      %mul3A_91 = arith.muli %scan3A_15, %mul3A_90 : i32
      %mul3A_92 = arith.constant 5 : i32
      %mul3A_93 = arith.muli %mul3A_91, %mul3A_92 : i32
      %add3A_94 = arith.constant 1 : i32
      %add3A_95 = arith.addi %mul3A_93, %add3A_94 : i32
      %add3A_96 = vector.broadcast %add3A_95 : i32 to vector<16xi32>
      %add3A_97 = arith.addi %mul3A_9, %add3A_96 : vector<16xi32>
      %gather3A_98 = tpu.vector_load_idx %arg7[%add3A_97] : memref<2560xi32, #tpu.memory_space<vmem>>[vector<16xi32>], vector<16xi32>,
      %mul3A_99 = arith.constant 33 : i32
      %mul3A_100 = vector.broadcast %mul3A_99 : i32 to vector<16xi32>
      %mul3A_101 = arith.muli %gather3A_98, %mul3A_100 : vector<16xi32>
      %add3A_102 = arith.constant 5016 : i32
      %add3A_103 = vector.broadcast %add3A_102 : i32 to vector<16xi32>
      %add3A_104 = arith.addi %mul3A_101, %add3A_103 : vector<16xi32>
      %mul3A_105 = arith.constant 16 : i32
      %mul3A_106 = arith.muli %scan3A_15, %mul3A_105 : i32
      %mul3A_107 = arith.constant 5 : i32
      %mul3A_108 = arith.muli %mul3A_106, %mul3A_107 : i32
      %add3A_109 = arith.constant 2 : i32
      %add3A_110 = arith.addi %mul3A_108, %add3A_109 : i32
      %add3A_111 = vector.broadcast %add3A_110 : i32 to vector<16xi32>
      %add3A_112 = arith.addi %mul3A_9, %add3A_111 : vector<16xi32>
      %gather3A_113 = tpu.vector_load_idx %arg7[%add3A_112] : memref<2560xi32, #tpu.memory_space<vmem>>[vector<16xi32>], vector<16xi32>,
      %mul3A_114 = arith.constant 33 : i32
      %mul3A_115 = vector.broadcast %mul3A_114 : i32 to vector<16xi32>
      %mul3A_116 = arith.muli %gather3A_113, %mul3A_115 : vector<16xi32>
      %add3A_117 = arith.constant 5016 : i32
      %add3A_118 = vector.broadcast %add3A_117 : i32 to vector<16xi32>
      %add3A_119 = arith.addi %mul3A_116, %add3A_118 : vector<16xi32>
      %mul3A_120 = arith.constant 16 : i32
      %mul3A_121 = arith.muli %scan3A_15, %mul3A_120 : i32
      %mul3A_122 = arith.constant 5 : i32
      %mul3A_123 = arith.muli %mul3A_121, %mul3A_122 : i32
      %add3A_124 = arith.constant 3 : i32
      %add3A_125 = arith.addi %mul3A_123, %add3A_124 : i32
      %add3A_126 = vector.broadcast %add3A_125 : i32 to vector<16xi32>
      %add3A_127 = arith.addi %mul3A_9, %add3A_126 : vector<16xi32>
      %gather3A_128 = tpu.vector_load_idx %arg7[%add3A_127] : memref<2560xi32, #tpu.memory_space<vmem>>[vector<16xi32>], vector<16xi32>,
      %mul3A_129 = arith.constant 33 : i32
      %mul3A_130 = vector.broadcast %mul3A_129 : i32 to vector<16xi32>
      %mul3A_131 = arith.muli %gather3A_128, %mul3A_130 : vector<16xi32>
      %add3A_132 = arith.constant 5016 : i32
      %add3A_133 = vector.broadcast %add3A_132 : i32 to vector<16xi32>
      %add3A_134 = arith.addi %mul3A_131, %add3A_133 : vector<16xi32>
      %mul3A_135 = arith.constant 16 : i32
      %mul3A_136 = arith.muli %scan3A_15, %mul3A_135 : i32
      %mul3A_137 = arith.constant 5 : i32
      %mul3A_138 = arith.muli %mul3A_136, %mul3A_137 : i32
      %add3A_139 = arith.constant 4 : i32
      %add3A_140 = arith.addi %mul3A_138, %add3A_139 : i32
      %add3A_141 = vector.broadcast %add3A_140 : i32 to vector<16xi32>
      %add3A_142 = arith.addi %mul3A_9, %add3A_141 : vector<16xi32>
      %gather3A_143 = tpu.vector_load_idx %arg7[%add3A_142] : memref<2560xi32, #tpu.memory_space<vmem>>[vector<16xi32>], vector<16xi32>,
      %mul3A_144 = arith.constant 33 : i32
      %mul3A_145 = vector.broadcast %mul3A_144 : i32 to vector<16xi32>
      %mul3A_146 = arith.muli %gather3A_143, %mul3A_145 : vector<16xi32>
      %add3A_147 = arith.constant 5016 : i32
      %add3A_148 = vector.broadcast %add3A_147 : i32 to vector<16xi32>
      %add3A_149 = arith.addi %mul3A_146, %add3A_148 : vector<16xi32>
      %add3A_150 = arith.constant 0 : i32
      %add3A_151 = vector.broadcast %add3A_150 : i32 to vector<16xi32>
      %add3A_152 = arith.addi %mul3A_26, %add3A_151 : vector<16xi32>
      %gather3A_153 = tpu.vector_load_idx %arg8[%add3A_152] : memref<10032xf32, #tpu.memory_space<vmem>>[vector<16xi32>], vector<16xf32>,
      %add3A_154 = arith.constant 0 : i32
      %add3A_155 = vector.broadcast %add3A_154 : i32 to vector<16xi32>
      %add3A_156 = arith.addi %mul3A_38, %add3A_155 : vector<16xi32>
      %gather3A_157 = tpu.vector_load_idx %arg8[%add3A_156] : memref<10032xf32, #tpu.memory_space<vmem>>[vector<16xi32>], vector<16xf32>,
      %add3A_158 = arith.constant 0 : i32
      %add3A_159 = vector.broadcast %add3A_158 : i32 to vector<16xi32>
      %add3A_160 = arith.addi %mul3A_50, %add3A_159 : vector<16xi32>
      %gather3A_161 = tpu.vector_load_idx %arg8[%add3A_160] : memref<10032xf32, #tpu.memory_space<vmem>>[vector<16xi32>], vector<16xf32>,
      %add3A_162 = arith.constant 0 : i32
      %add3A_163 = vector.broadcast %add3A_162 : i32 to vector<16xi32>
      %add3A_164 = arith.addi %mul3A_62, %add3A_163 : vector<16xi32>
      %gather3A_165 = tpu.vector_load_idx %arg8[%add3A_164] : memref<10032xf32, #tpu.memory_space<vmem>>[vector<16xi32>], vector<16xf32>,
      %add3A_166 = arith.constant 0 : i32
      %add3A_167 = vector.broadcast %add3A_166 : i32 to vector<16xi32>
      %add3A_168 = arith.addi %mul3A_74, %add3A_167 : vector<16xi32>
      %gather3A_169 = tpu.vector_load_idx %arg8[%add3A_168] : memref<10032xf32, #tpu.memory_space<vmem>>[vector<16xi32>], vector<16xf32>,
      %add3A_170 = arith.addf %gather3A_153, %gather3A_157 : vector<16xf32>
      %add3A_171 = arith.addf %gather3A_161, %gather3A_165 : vector<16xf32>
      %add3A_172 = arith.addf %add3A_170, %add3A_171 : vector<16xf32>
      %add3A_173 = arith.addf %add3A_172, %gather3A_169 : vector<16xf32>
      %add3A_174 = arith.constant 0 : i32
      %add3A_175 = vector.broadcast %add3A_174 : i32 to vector<16xi32>
      %add3A_176 = arith.addi %add3A_89, %add3A_175 : vector<16xi32>
      %gather3A_177 = tpu.vector_load_idx %arg8[%add3A_176] : memref<10032xf32, #tpu.memory_space<vmem>>[vector<16xi32>], vector<16xf32>,
      %add3A_178 = arith.constant 0 : i32
      %add3A_179 = vector.broadcast %add3A_178 : i32 to vector<16xi32>
      %add3A_180 = arith.addi %add3A_104, %add3A_179 : vector<16xi32>
      %gather3A_181 = tpu.vector_load_idx %arg8[%add3A_180] : memref<10032xf32, #tpu.memory_space<vmem>>[vector<16xi32>], vector<16xf32>,
      %add3A_182 = arith.constant 0 : i32
      %add3A_183 = vector.broadcast %add3A_182 : i32 to vector<16xi32>
      %add3A_184 = arith.addi %add3A_119, %add3A_183 : vector<16xi32>
      %gather3A_185 = tpu.vector_load_idx %arg8[%add3A_184] : memref<10032xf32, #tpu.memory_space<vmem>>[vector<16xi32>], vector<16xf32>,
      %add3A_186 = arith.constant 0 : i32
      %add3A_187 = vector.broadcast %add3A_186 : i32 to vector<16xi32>
      %add3A_188 = arith.addi %add3A_134, %add3A_187 : vector<16xi32>
      %gather3A_189 = tpu.vector_load_idx %arg8[%add3A_188] : memref<10032xf32, #tpu.memory_space<vmem>>[vector<16xi32>], vector<16xf32>,
      %add3A_190 = arith.constant 0 : i32
      %add3A_191 = vector.broadcast %add3A_190 : i32 to vector<16xi32>
      %add3A_192 = arith.addi %add3A_149, %add3A_191 : vector<16xi32>
      %gather3A_193 = tpu.vector_load_idx %arg8[%add3A_192] : memref<10032xf32, #tpu.memory_space<vmem>>[vector<16xi32>], vector<16xf32>,
      %add3A_194 = arith.addf %gather3A_177, %gather3A_181 : vector<16xf32>
      %add3A_195 = arith.addf %gather3A_185, %gather3A_189 : vector<16xf32>
      %add3A_196 = arith.addf %add3A_194, %add3A_195 : vector<16xf32>
      %add3A_197 = arith.addf %add3A_196, %gather3A_193 : vector<16xf32>
      %mul3A_198 = arith.constant 16 : i32
      %mul3A_199 = arith.muli %scan3A_15, %mul3A_198 : i32
      %swap3A = arith.constant 0 : i32
      %swap3A_200 = arith.index_cast %swap3A : i32 to index
      %swap3A_201 = arith.index_cast %mul3A_199 : i32 to index
      %swap3A_202 = tpu.vector_load %arg9[%swap3A_200, %swap3A_201] {strides = array<i32>} : memref<64x512xf32, #tpu.memory_space<vmem>>, vector<16xf32>,
      tpu.vector_store %arg9[%swap3A_200, %swap3A_201], %add3A_173 {strides = array<i32>} : memref<64x512xf32, #tpu.memory_space<vmem>>, vector<16xf32>,
      %mul3A_203 = arith.constant 16 : i32
      %mul3A_204 = arith.muli %scan3A_15, %mul3A_203 : i32
      %swap3A_205 = arith.constant 32 : i32
      %swap3A_206 = arith.index_cast %swap3A_205 : i32 to index
      %swap3A_207 = arith.index_cast %mul3A_204 : i32 to index
      %swap3A_208 = tpu.vector_load %arg9[%swap3A_206, %swap3A_207] {strides = array<i32>} : memref<64x512xf32, #tpu.memory_space<vmem>>, vector<16xf32>,
      tpu.vector_store %arg9[%swap3A_206, %swap3A_207], %add3A_197 {strides = array<i32>} : memref<64x512xf32, #tpu.memory_space<vmem>>, vector<16xf32>,
      %add3A_209 = arith.constant 1 : i32
      %add3A_210 = vector.broadcast %add3A_209 : i32 to vector<16xi32>
      %add3A_211 = arith.addi %mul3A_26, %add3A_210 : vector<16xi32>
      %gather3A_212 = tpu.vector_load_idx %arg8[%add3A_211] : memref<10032xf32, #tpu.memory_space<vmem>>[vector<16xi32>], vector<16xf32>,
      %add3A_213 = arith.constant 1 : i32
      %add3A_214 = vector.broadcast %add3A_213 : i32 to vector<16xi32>
      %add3A_215 = arith.addi %mul3A_38, %add3A_214 : vector<16xi32>
      %gather3A_216 = tpu.vector_load_idx %arg8[%add3A_215] : memref<10032xf32, #tpu.memory_space<vmem>>[vector<16xi32>], vector<16xf32>,
      %add3A_217 = arith.constant 1 : i32
      %add3A_218 = vector.broadcast %add3A_217 : i32 to vector<16xi32>
      %add3A_219 = arith.addi %mul3A_50, %add3A_218 : vector<16xi32>
      %gather3A_220 = tpu.vector_load_idx %arg8[%add3A_219] : memref<10032xf32, #tpu.memory_space<vmem>>[vector<16xi32>], vector<16xf32>,
      %add3A_221 = arith.constant 1 : i32
      %add3A_222 = vector.broadcast %add3A_221 : i32 to vector<16xi32>
      %add3A_223 = arith.addi %mul3A_62, %add3A_222 : vector<16xi32>
      %gather3A_224 = tpu.vector_load_idx %arg8[%add3A_223] : memref<10032xf32, #tpu.memory_space<vmem>>[vector<16xi32>], vector<16xf32>,
      %add3A_225 = arith.constant 1 : i32
      %add3A_226 = vector.broadcast %add3A_225 : i32 to vector<16xi32>
      %add3A_227 = arith.addi %mul3A_74, %add3A_226 : vector<16xi32>
      %gather3A_228 = tpu.vector_load_idx %arg8[%add3A_227] : memref<10032xf32, #tpu.memory_space<vmem>>[vector<16xi32>], vector<16xf32>,
      %add3A_229 = arith.addf %gather3A_212, %gather3A_216 : vector<16xf32>
      %add3A_230 = arith.addf %gather3A_220, %gather3A_224 : vector<16xf32>
      %add3A_231 = arith.addf %add3A_229, %add3A_230 : vector<16xf32>
      %add3A_232 = arith.addf %add3A_231, %gather3A_228 : vector<16xf32>
      %add3A_233 = arith.constant 1 : i32
      %add3A_234 = vector.broadcast %add3A_233 : i32 to vector<16xi32>
      %add3A_235 = arith.addi %add3A_89, %add3A_234 : vector<16xi32>
      %gather3A_236 = tpu.vector_load_idx %arg8[%add3A_235] : memref<10032xf32, #tpu.memory_space<vmem>>[vector<16xi32>], vector<16xf32>,
      %add3A_237 = arith.constant 1 : i32
      %add3A_238 = vector.broadcast %add3A_237 : i32 to vector<16xi32>
      %add3A_239 = arith.addi %add3A_104, %add3A_238 : vector<16xi32>
      %gather3A_240 = tpu.vector_load_idx %arg8[%add3A_239] : memref<10032xf32, #tpu.memory_space<vmem>>[vector<16xi32>], vector<16xf32>,
      %add3A_241 = arith.constant 1 : i32
      %add3A_242 = vector.broadcast %add3A_241 : i32 to vector<16xi32>
      %add3A_243 = arith.addi %add3A_119, %add3A_242 : vector<16xi32>
      %gather3A_244 = tpu.vector_load_idx %arg8[%add3A_243] : memref<10032xf32, #tpu.memory_space<vmem>>[vector<16xi32>], vector<16xf32>,
      %add3A_245 = arith.constant 1 : i32
      %add3A_246 = vector.broadcast %add3A_245 : i32 to vector<16xi32>
      %add3A_247 = arith.addi %add3A_134, %add3A_246 : vector<16xi32>
      %gather3A_248 = tpu.vector_load_idx %arg8[%add3A_247] : memref<10032xf32, #tpu.memory_space<vmem>>[vector<16xi32>], vector<16xf32>,
      %add3A_249 = arith.constant 1 : i32
      %add3A_250 = vector.broadcast %add3A_249 : i32 to vector<16xi32>
      %add3A_251 = arith.addi %add3A_149, %add3A_250 : vector<16xi32>
      %gather3A_252 = tpu.vector_load_idx %arg8[%add3A_251] : memref<10032xf32, #tpu.memory_space<vmem>>[vector<16xi32>], vector<16xf32>,
      %add3A_253 = arith.addf %gather3A_236, %gather3A_240 : vector<16xf32>
      %add3A_254 = arith.addf %gather3A_244, %gather3A_248 : vector<16xf32>
      %add3A_255 = arith.addf %add3A_253, %add3A_254 : vector<16xf32>
      %add3A_256 = arith.addf %add3A_255, %gather3A_252 : vector<16xf32>
      %mul3A_257 = arith.constant 16 : i32
      %mul3A_258 = arith.muli %scan3A_15, %mul3A_257 : i32
      %swap3A_259 = arith.constant 1 : i32
      %swap3A_260 = arith.index_cast %swap3A_259 : i32 to index
      %swap3A_261 = arith.index_cast %mul3A_258 : i32 to index
      %swap3A_262 = tpu.vector_load %arg9[%swap3A_260, %swap3A_261] {strides = array<i32>} : memref<64x512xf32, #tpu.memory_space<vmem>>, vector<16xf32>,
      tpu.vector_store %arg9[%swap3A_260, %swap3A_261], %add3A_232 {strides = array<i32>} : memref<64x512xf32, #tpu.memory_space<vmem>>, vector<16xf32>,
      %mul3A_263 = arith.constant 16 : i32
      %mul3A_264 = arith.muli %scan3A_15, %mul3A_263 : i32
      %swap3A_265 = arith.constant 33 : i32
      %swap3A_266 = arith.index_cast %swap3A_265 : i32 to index
      %swap3A_267 = arith.index_cast %mul3A_264 : i32 to index
      %swap3A_268 = tpu.vector_load %arg9[%swap3A_266, %swap3A_267] {strides = array<i32>} : memref<64x512xf32, #tpu.memory_space<vmem>>, vector<16xf32>,
      tpu.vector_store %arg9[%swap3A_266, %swap3A_267], %add3A_256 {strides = array<i32>} : memref<64x512xf32, #tpu.memory_space<vmem>>, vector<16xf32>,
      %add3A_269 = arith.constant 2 : i32
      %add3A_270 = vector.broadcast %add3A_269 : i32 to vector<16xi32>
      %add3A_271 = arith.addi %mul3A_26, %add3A_270 : vector<16xi32>
      %gather3A_272 = tpu.vector_load_idx %arg8[%add3A_271] : memref<10032xf32, #tpu.memory_space<vmem>>[vector<16xi32>], vector<16xf32>,
      %add3A_273 = arith.constant 2 : i32
      %add3A_274 = vector.broadcast %add3A_273 : i32 to vector<16xi32>
      %add3A_275 = arith.addi %mul3A_38, %add3A_274 : vector<16xi32>
      %gather3A_276 = tpu.vector_load_idx %arg8[%add3A_275] : memref<10032xf32, #tpu.memory_space<vmem>>[vector<16xi32>], vector<16xf32>,
      %add3A_277 = arith.constant 2 : i32
      %add3A_278 = vector.broadcast %add3A_277 : i32 to vector<16xi32>
      %add3A_279 = arith.addi %mul3A_50, %add3A_278 : vector<16xi32>
      %gather3A_280 = tpu.vector_load_idx %arg8[%add3A_279] : memref<10032xf32, #tpu.memory_space<vmem>>[vector<16xi32>], vector<16xf32>,
      %add3A_281 = arith.constant 2 : i32
      %add3A_282 = vector.broadcast %add3A_281 : i32 to vector<16xi32>
      %add3A_283 = arith.addi %mul3A_62, %add3A_282 : vector<16xi32>
      %gather3A_284 = tpu.vector_load_idx %arg8[%add3A_283] : memref<10032xf32, #tpu.memory_space<vmem>>[vector<16xi32>], vector<16xf32>,
      %add3A_285 = arith.constant 2 : i32
      %add3A_286 = vector.broadcast %add3A_285 : i32 to vector<16xi32>
      %add3A_287 = arith.addi %mul3A_74, %add3A_286 : vector<16xi32>
      %gather3A_288 = tpu.vector_load_idx %arg8[%add3A_287] : memref<10032xf32, #tpu.memory_space<vmem>>[vector<16xi32>], vector<16xf32>,
      %add3A_289 = arith.addf %gather3A_272, %gather3A_276 : vector<16xf32>
      %add3A_290 = arith.addf %gather3A_280, %gather3A_284 : vector<16xf32>
      %add3A_291 = arith.addf %add3A_289, %add3A_290 : vector<16xf32>
      %add3A_292 = arith.addf %add3A_291, %gather3A_288 : vector<16xf32>
      %add3A_293 = arith.constant 2 : i32
      %add3A_294 = vector.broadcast %add3A_293 : i32 to vector<16xi32>
      %add3A_295 = arith.addi %add3A_89, %add3A_294 : vector<16xi32>
      %gather3A_296 = tpu.vector_load_idx %arg8[%add3A_295] : memref<10032xf32, #tpu.memory_space<vmem>>[vector<16xi32>], vector<16xf32>,
      %add3A_297 = arith.constant 2 : i32
      %add3A_298 = vector.broadcast %add3A_297 : i32 to vector<16xi32>
      %add3A_299 = arith.addi %add3A_104, %add3A_298 : vector<16xi32>
      %gather3A_300 = tpu.vector_load_idx %arg8[%add3A_299] : memref<10032xf32, #tpu.memory_space<vmem>>[vector<16xi32>], vector<16xf32>,
      %add3A_301 = arith.constant 2 : i32
      %add3A_302 = vector.broadcast %add3A_301 : i32 to vector<16xi32>
      %add3A_303 = arith.addi %add3A_119, %add3A_302 : vector<16xi32>
      %gather3A_304 = tpu.vector_load_idx %arg8[%add3A_303] : memref<10032xf32, #tpu.memory_space<vmem>>[vector<16xi32>], vector<16xf32>,
      %add3A_305 = arith.constant 2 : i32
      %add3A_306 = vector.broadcast %add3A_305 : i32 to vector<16xi32>
      %add3A_307 = arith.addi %add3A_134, %add3A_306 : vector<16xi32>
      %gather3A_308 = tpu.vector_load_idx %arg8[%add3A_307] : memref<10032xf32, #tpu.memory_space<vmem>>[vector<16xi32>], vector<16xf32>,
      %add3A_309 = arith.constant 2 : i32
      %add3A_310 = vector.broadcast %add3A_309 : i32 to vector<16xi32>
      %add3A_311 = arith.addi %add3A_149, %add3A_310 : vector<16xi32>
      %gather3A_312 = tpu.vector_load_idx %arg8[%add3A_311] : memref<10032xf32, #tpu.memory_space<vmem>>[vector<16xi32>], vector<16xf32>,
      %add3A_313 = arith.addf %gather3A_296, %gather3A_300 : vector<16xf32>
      %add3A_314 = arith.addf %gather3A_304, %gather3A_308 : vector<16xf32>
      %add3A_315 = arith.addf %add3A_313, %add3A_314 : vector<16xf32>
      %add3A_316 = arith.addf %add3A_315, %gather3A_312 : vector<16xf32>
      %mul3A_317 = arith.constant 16 : i32
      %mul3A_318 = arith.muli %scan3A_15, %mul3A_317 : i32
      %swap3A_319 = arith.constant 2 : i32
      %swap3A_320 = arith.index_cast %swap3A_319 : i32 to index
      %swap3A_321 = arith.index_cast %mul3A_318 : i32 to index
      %swap3A_322 = tpu.vector_load %arg9[%swap3A_320, %swap3A_321] {strides = array<i32>} : memref<64x512xf32, #tpu.memory_space<vmem>>, vector<16xf32>,
      tpu.vector_store %arg9[%swap3A_320, %swap3A_321], %add3A_292 {strides = array<i32>} : memref<64x512xf32, #tpu.memory_space<vmem>>, vector<16xf32>,
      %mul3A_323 = arith.constant 16 : i32
      %mul3A_324 = arith.muli %scan3A_15, %mul3A_323 : i32
      %swap3A_325 = arith.constant 34 : i32
      %swap3A_326 = arith.index_cast %swap3A_325 : i32 to index
      %swap3A_327 = arith.index_cast %mul3A_324 : i32 to index
      %swap3A_328 = tpu.vector_load %arg9[%swap3A_326, %swap3A_327] {strides = array<i32>} : memref<64x512xf32, #tpu.memory_space<vmem>>, vector<16xf32>,
      tpu.vector_store %arg9[%swap3A_326, %swap3A_327], %add3A_316 {strides = array<i32>} : memref<64x512xf32, #tpu.memory_space<vmem>>, vector<16xf32>,
      %add3A_329 = arith.constant 3 : i32
      %add3A_330 = vector.broadcast %add3A_329 : i32 to vector<16xi32>
      %add3A_331 = arith.addi %mul3A_26, %add3A_330 : vector<16xi32>
      %gather3A_332 = tpu.vector_load_idx %arg8[%add3A_331] : memref<10032xf32, #tpu.memory_space<vmem>>[vector<16xi32>], vector<16xf32>,
      %add3A_333 = arith.constant 3 : i32
      %add3A_334 = vector.broadcast %add3A_333 : i32 to vector<16xi32>
      %add3A_335 = arith.addi %mul3A_38, %add3A_334 : vector<16xi32>
      %gather3A_336 = tpu.vector_load_idx %arg8[%add3A_335] : memref<10032xf32, #tpu.memory_space<vmem>>[vector<16xi32>], vector<16xf32>,
      %add3A_337 = arith.constant 3 : i32
      %add3A_338 = vector.broadcast %add3A_337 : i32 to vector<16xi32>
      %add3A_339 = arith.addi %mul3A_50, %add3A_338 : vector<16xi32>
      %gather3A_340 = tpu.vector_load_idx %arg8[%add3A_339] : memref<10032xf32, #tpu.memory_space<vmem>>[vector<16xi32>], vector<16xf32>,
      %add3A_341 = arith.constant 3 : i32
      %add3A_342 = vector.broadcast %add3A_341 : i32 to vector<16xi32>
      %add3A_343 = arith.addi %mul3A_62, %add3A_342 : vector<16xi32>
      %gather3A_344 = tpu.vector_load_idx %arg8[%add3A_343] : memref<10032xf32, #tpu.memory_space<vmem>>[vector<16xi32>], vector<16xf32>,
      %add3A_345 = arith.constant 3 : i32
      %add3A_346 = vector.broadcast %add3A_345 : i32 to vector<16xi32>
      %add3A_347 = arith.addi %mul3A_74, %add3A_346 : vector<16xi32>
      %gather3A_348 = tpu.vector_load_idx %arg8[%add3A_347] : memref<10032xf32, #tpu.memory_space<vmem>>[vector<16xi32>], vector<16xf32>,
      %add3A_349 = arith.addf %gather3A_332, %gather3A_336 : vector<16xf32>
      %add3A_350 = arith.addf %gather3A_340, %gather3A_344 : vector<16xf32>
      %add3A_351 = arith.addf %add3A_349, %add3A_350 : vector<16xf32>
      %add3A_352 = arith.addf %add3A_351, %gather3A_348 : vector<16xf32>
      %add3A_353 = arith.constant 3 : i32
      %add3A_354 = vector.broadcast %add3A_353 : i32 to vector<16xi32>
      %add3A_355 = arith.addi %add3A_89, %add3A_354 : vector<16xi32>
      %gather3A_356 = tpu.vector_load_idx %arg8[%add3A_355] : memref<10032xf32, #tpu.memory_space<vmem>>[vector<16xi32>], vector<16xf32>,
      %add3A_357 = arith.constant 3 : i32
      %add3A_358 = vector.broadcast %add3A_357 : i32 to vector<16xi32>
      %add3A_359 = arith.addi %add3A_104, %add3A_358 : vector<16xi32>
      %gather3A_360 = tpu.vector_load_idx %arg8[%add3A_359] : memref<10032xf32, #tpu.memory_space<vmem>>[vector<16xi32>], vector<16xf32>,
      %add3A_361 = arith.constant 3 : i32
      %add3A_362 = vector.broadcast %add3A_361 : i32 to vector<16xi32>
      %add3A_363 = arith.addi %add3A_119, %add3A_362 : vector<16xi32>
      %gather3A_364 = tpu.vector_load_idx %arg8[%add3A_363] : memref<10032xf32, #tpu.memory_space<vmem>>[vector<16xi32>], vector<16xf32>,
      %add3A_365 = arith.constant 3 : i32
      %add3A_366 = vector.broadcast %add3A_365 : i32 to vector<16xi32>
      %add3A_367 = arith.addi %add3A_134, %add3A_366 : vector<16xi32>
      %gather3A_368 = tpu.vector_load_idx %arg8[%add3A_367] : memref<10032xf32, #tpu.memory_space<vmem>>[vector<16xi32>], vector<16xf32>,
      %add3A_369 = arith.constant 3 : i32
      %add3A_370 = vector.broadcast %add3A_369 : i32 to vector<16xi32>
      %add3A_371 = arith.addi %add3A_149, %add3A_370 : vector<16xi32>
      %gather3A_372 = tpu.vector_load_idx %arg8[%add3A_371] : memref<10032xf32, #tpu.memory_space<vmem>>[vector<16xi32>], vector<16xf32>,
      %add3A_373 = arith.addf %gather3A_356, %gather3A_360 : vector<16xf32>
      %add3A_374 = arith.addf %gather3A_364, %gather3A_368 : vector<16xf32>
      %add3A_375 = arith.addf %add3A_373, %add3A_374 : vector<16xf32>
      %add3A_376 = arith.addf %add3A_375, %gather3A_372 : vector<16xf32>
      %mul3A_377 = arith.constant 16 : i32
      %mul3A_378 = arith.muli %scan3A_15, %mul3A_377 : i32
      %swap3A_379 = arith.constant 3 : i32
      %swap3A_380 = arith.index_cast %swap3A_379 : i32 to index
      %swap3A_381 = arith.index_cast %mul3A_378 : i32 to index
      %swap3A_382 = tpu.vector_load %arg9[%swap3A_380, %swap3A_381] {strides = array<i32>} : memref<64x512xf32, #tpu.memory_space<vmem>>, vector<16xf32>,
      tpu.vector_store %arg9[%swap3A_380, %swap3A_381], %add3A_352 {strides = array<i32>} : memref<64x512xf32, #tpu.memory_space<vmem>>, vector<16xf32>,
      %mul3A_383 = arith.constant 16 : i32
      %mul3A_384 = arith.muli %scan3A_15, %mul3A_383 : i32
      %swap3A_385 = arith.constant 35 : i32
      %swap3A_386 = arith.index_cast %swap3A_385 : i32 to index
      %swap3A_387 = arith.index_cast %mul3A_384 : i32 to index
      %swap3A_388 = tpu.vector_load %arg9[%swap3A_386, %swap3A_387] {strides = array<i32>} : memref<64x512xf32, #tpu.memory_space<vmem>>, vector<16xf32>,
      tpu.vector_store %arg9[%swap3A_386, %swap3A_387], %add3A_376 {strides = array<i32>} : memref<64x512xf32, #tpu.memory_space<vmem>>, vector<16xf32>,
      %add3A_389 = arith.constant 4 : i32
      %add3A_390 = vector.broadcast %add3A_389 : i32 to vector<16xi32>
      %add3A_391 = arith.addi %mul3A_26, %add3A_390 : vector<16xi32>
      %gather3A_392 = tpu.vector_load_idx %arg8[%add3A_391] : memref<10032xf32, #tpu.memory_space<vmem>>[vector<16xi32>], vector<16xf32>,
      %add3A_393 = arith.constant 4 : i32
      %add3A_394 = vector.broadcast %add3A_393 : i32 to vector<16xi32>
      %add3A_395 = arith.addi %mul3A_38, %add3A_394 : vector<16xi32>
      %gather3A_396 = tpu.vector_load_idx %arg8[%add3A_395] : memref<10032xf32, #tpu.memory_space<vmem>>[vector<16xi32>], vector<16xf32>,
      %add3A_397 = arith.constant 4 : i32
      %add3A_398 = vector.broadcast %add3A_397 : i32 to vector<16xi32>
      %add3A_399 = arith.addi %mul3A_50, %add3A_398 : vector<16xi32>
      %gather3A_400 = tpu.vector_load_idx %arg8[%add3A_399] : memref<10032xf32, #tpu.memory_space<vmem>>[vector<16xi32>], vector<16xf32>,
      %add3A_401 = arith.constant 4 : i32
      %add3A_402 = vector.broadcast %add3A_401 : i32 to vector<16xi32>
      %add3A_403 = arith.addi %mul3A_62, %add3A_402 : vector<16xi32>
      %gather3A_404 = tpu.vector_load_idx %arg8[%add3A_403] : memref<10032xf32, #tpu.memory_space<vmem>>[vector<16xi32>], vector<16xf32>,
      %add3A_405 = arith.constant 4 : i32
      %add3A_406 = vector.broadcast %add3A_405 : i32 to vector<16xi32>
      %add3A_407 = arith.addi %mul3A_74, %add3A_406 : vector<16xi32>
      %gather3A_408 = tpu.vector_load_idx %arg8[%add3A_407] : memref<10032xf32, #tpu.memory_space<vmem>>[vector<16xi32>], vector<16xf32>,
      %add3A_409 = arith.addf %gather3A_392, %gather3A_396 : vector<16xf32>
      %add3A_410 = arith.addf %gather3A_400, %gather3A_404 : vector<16xf32>
      %add3A_411 = arith.addf %add3A_409, %add3A_410 : vector<16xf32>
      %add3A_412 = arith.addf %add3A_411, %gather3A_408 : vector<16xf32>
      %add3A_413 = arith.constant 4 : i32
      %add3A_414 = vector.broadcast %add3A_413 : i32 to vector<16xi32>
      %add3A_415 = arith.addi %add3A_89, %add3A_414 : vector<16xi32>
      %gather3A_416 = tpu.vector_load_idx %arg8[%add3A_415] : memref<10032xf32, #tpu.memory_space<vmem>>[vector<16xi32>], vector<16xf32>,
      %add3A_417 = arith.constant 4 : i32
      %add3A_418 = vector.broadcast %add3A_417 : i32 to vector<16xi32>
      %add3A_419 = arith.addi %add3A_104, %add3A_418 : vector<16xi32>
      %gather3A_420 = tpu.vector_load_idx %arg8[%add3A_419] : memref<10032xf32, #tpu.memory_space<vmem>>[vector<16xi32>], vector<16xf32>,
      %add3A_421 = arith.constant 4 : i32
      %add3A_422 = vector.broadcast %add3A_421 : i32 to vector<16xi32>
      %add3A_423 = arith.addi %add3A_119, %add3A_422 : vector<16xi32>
      %gather3A_424 = tpu.vector_load_idx %arg8[%add3A_423] : memref<10032xf32, #tpu.memory_space<vmem>>[vector<16xi32>], vector<16xf32>,
      %add3A_425 = arith.constant 4 : i32
      %add3A_426 = vector.broadcast %add3A_425 : i32 to vector<16xi32>
      %add3A_427 = arith.addi %add3A_134, %add3A_426 : vector<16xi32>
      %gather3A_428 = tpu.vector_load_idx %arg8[%add3A_427] : memref<10032xf32, #tpu.memory_space<vmem>>[vector<16xi32>], vector<16xf32>,
      %add3A_429 = arith.constant 4 : i32
      %add3A_430 = vector.broadcast %add3A_429 : i32 to vector<16xi32>
      %add3A_431 = arith.addi %add3A_149, %add3A_430 : vector<16xi32>
      %gather3A_432 = tpu.vector_load_idx %arg8[%add3A_431] : memref<10032xf32, #tpu.memory_space<vmem>>[vector<16xi32>], vector<16xf32>,
      %add3A_433 = arith.addf %gather3A_416, %gather3A_420 : vector<16xf32>
      %add3A_434 = arith.addf %gather3A_424, %gather3A_428 : vector<16xf32>
      %add3A_435 = arith.addf %add3A_433, %add3A_434 : vector<16xf32>
      %add3A_436 = arith.addf %add3A_435, %gather3A_432 : vector<16xf32>
      %mul3A_437 = arith.constant 16 : i32
      %mul3A_438 = arith.muli %scan3A_15, %mul3A_437 : i32
      %swap3A_439 = arith.constant 4 : i32
      %swap3A_440 = arith.index_cast %swap3A_439 : i32 to index
      %swap3A_441 = arith.index_cast %mul3A_438 : i32 to index
      %swap3A_442 = tpu.vector_load %arg9[%swap3A_440, %swap3A_441] {strides = array<i32>} : memref<64x512xf32, #tpu.memory_space<vmem>>, vector<16xf32>,
      tpu.vector_store %arg9[%swap3A_440, %swap3A_441], %add3A_412 {strides = array<i32>} : memref<64x512xf32, #tpu.memory_space<vmem>>, vector<16xf32>,
      %mul3A_443 = arith.constant 16 : i32
      %mul3A_444 = arith.muli %scan3A_15, %mul3A_443 : i32
      %swap3A_445 = arith.constant 36 : i32
      %swap3A_446 = arith.index_cast %swap3A_445 : i32 to index
      %swap3A_447 = arith.index_cast %mul3A_444 : i32 to index
      %swap3A_448 = tpu.vector_load %arg9[%swap3A_446, %swap3A_447] {strides = array<i32>} : memref<64x512xf32, #tpu.memory_space<vmem>>, vector<16xf32>,
      tpu.vector_store %arg9[%swap3A_446, %swap3A_447], %add3A_436 {strides = array<i32>} : memref<64x512xf32, #tpu.memory_space<vmem>>, vector<16xf32>,
      %add3A_449 = arith.constant 5 : i32
      %add3A_450 = vector.broadcast %add3A_449 : i32 to vector<16xi32>
      %add3A_451 = arith.addi %mul3A_26, %add3A_450 : vector<16xi32>
      %gather3A_452 = tpu.vector_load_idx %arg8[%add3A_451] : memref<10032xf32, #tpu.memory_space<vmem>>[vector<16xi32>], vector<16xf32>,
      %add3A_453 = arith.constant 5 : i32
      %add3A_454 = vector.broadcast %add3A_453 : i32 to vector<16xi32>
      %add3A_455 = arith.addi %mul3A_38, %add3A_454 : vector<16xi32>
      %gather3A_456 = tpu.vector_load_idx %arg8[%add3A_455] : memref<10032xf32, #tpu.memory_space<vmem>>[vector<16xi32>], vector<16xf32>,
      %add3A_457 = arith.constant 5 : i32
      %add3A_458 = vector.broadcast %add3A_457 : i32 to vector<16xi32>
      %add3A_459 = arith.addi %mul3A_50, %add3A_458 : vector<16xi32>
      %gather3A_460 = tpu.vector_load_idx %arg8[%add3A_459] : memref<10032xf32, #tpu.memory_space<vmem>>[vector<16xi32>], vector<16xf32>,
      %add3A_461 = arith.constant 5 : i32
      %add3A_462 = vector.broadcast %add3A_461 : i32 to vector<16xi32>
      %add3A_463 = arith.addi %mul3A_62, %add3A_462 : vector<16xi32>
      %gather3A_464 = tpu.vector_load_idx %arg8[%add3A_463] : memref<10032xf32, #tpu.memory_space<vmem>>[vector<16xi32>], vector<16xf32>,
      %add3A_465 = arith.constant 5 : i32
      %add3A_466 = vector.broadcast %add3A_465 : i32 to vector<16xi32>
      %add3A_467 = arith.addi %mul3A_74, %add3A_466 : vector<16xi32>
      %gather3A_468 = tpu.vector_load_idx %arg8[%add3A_467] : memref<10032xf32, #tpu.memory_space<vmem>>[vector<16xi32>], vector<16xf32>,
      %add3A_469 = arith.addf %gather3A_452, %gather3A_456 : vector<16xf32>
      %add3A_470 = arith.addf %gather3A_460, %gather3A_464 : vector<16xf32>
      %add3A_471 = arith.addf %add3A_469, %add3A_470 : vector<16xf32>
      %add3A_472 = arith.addf %add3A_471, %gather3A_468 : vector<16xf32>
      %add3A_473 = arith.constant 5 : i32
      %add3A_474 = vector.broadcast %add3A_473 : i32 to vector<16xi32>
      %add3A_475 = arith.addi %add3A_89, %add3A_474 : vector<16xi32>
      %gather3A_476 = tpu.vector_load_idx %arg8[%add3A_475] : memref<10032xf32, #tpu.memory_space<vmem>>[vector<16xi32>], vector<16xf32>,
      %add3A_477 = arith.constant 5 : i32
      %add3A_478 = vector.broadcast %add3A_477 : i32 to vector<16xi32>
      %add3A_479 = arith.addi %add3A_104, %add3A_478 : vector<16xi32>
      %gather3A_480 = tpu.vector_load_idx %arg8[%add3A_479] : memref<10032xf32, #tpu.memory_space<vmem>>[vector<16xi32>], vector<16xf32>,
      %add3A_481 = arith.constant 5 : i32
      %add3A_482 = vector.broadcast %add3A_481 : i32 to vector<16xi32>
      %add3A_483 = arith.addi %add3A_119, %add3A_482 : vector<16xi32>
      %gather3A_484 = tpu.vector_load_idx %arg8[%add3A_483] : memref<10032xf32, #tpu.memory_space<vmem>>[vector<16xi32>], vector<16xf32>,
      %add3A_485 = arith.constant 5 : i32
      %add3A_486 = vector.broadcast %add3A_485 : i32 to vector<16xi32>
      %add3A_487 = arith.addi %add3A_134, %add3A_486 : vector<16xi32>
      %gather3A_488 = tpu.vector_load_idx %arg8[%add3A_487] : memref<10032xf32, #tpu.memory_space<vmem>>[vector<16xi32>], vector<16xf32>,
      %add3A_489 = arith.constant 5 : i32
      %add3A_490 = vector.broadcast %add3A_489 : i32 to vector<16xi32>
      %add3A_491 = arith.addi %add3A_149, %add3A_490 : vector<16xi32>
      %gather3A_492 = tpu.vector_load_idx %arg8[%add3A_491] : memref<10032xf32, #tpu.memory_space<vmem>>[vector<16xi32>], vector<16xf32>,
      %add3A_493 = arith.addf %gather3A_476, %gather3A_480 : vector<16xf32>
      %add3A_494 = arith.addf %gather3A_484, %gather3A_488 : vector<16xf32>
      %add3A_495 = arith.addf %add3A_493, %add3A_494 : vector<16xf32>
      %add3A_496 = arith.addf %add3A_495, %gather3A_492 : vector<16xf32>
      %mul3A_497 = arith.constant 16 : i32
      %mul3A_498 = arith.muli %scan3A_15, %mul3A_497 : i32
      %swap3A_499 = arith.constant 5 : i32
      %swap3A_500 = arith.index_cast %swap3A_499 : i32 to index
      %swap3A_501 = arith.index_cast %mul3A_498 : i32 to index
      %swap3A_502 = tpu.vector_load %arg9[%swap3A_500, %swap3A_501] {strides = array<i32>} : memref<64x512xf32, #tpu.memory_space<vmem>>, vector<16xf32>,
      tpu.vector_store %arg9[%swap3A_500, %swap3A_501], %add3A_472 {strides = array<i32>} : memref<64x512xf32, #tpu.memory_space<vmem>>, vector<16xf32>,
      %mul3A_503 = arith.constant 16 : i32
      %mul3A_504 = arith.muli %scan3A_15, %mul3A_503 : i32
      %swap3A_505 = arith.constant 37 : i32
      %swap3A_506 = arith.index_cast %swap3A_505 : i32 to index
      %swap3A_507 = arith.index_cast %mul3A_504 : i32 to index
      %swap3A_508 = tpu.vector_load %arg9[%swap3A_506, %swap3A_507] {strides = array<i32>} : memref<64x512xf32, #tpu.memory_space<vmem>>, vector<16xf32>,
      tpu.vector_store %arg9[%swap3A_506, %swap3A_507], %add3A_496 {strides = array<i32>} : memref<64x512xf32, #tpu.memory_space<vmem>>, vector<16xf32>,
      %add3A_509 = arith.constant 6 : i32
      %add3A_510 = vector.broadcast %add3A_509 : i32 to vector<16xi32>
      %add3A_511 = arith.addi %mul3A_26, %add3A_510 : vector<16xi32>
      %gather3A_512 = tpu.vector_load_idx %arg8[%add3A_511] : memref<10032xf32, #tpu.memory_space<vmem>>[vector<16xi32>], vector<16xf32>,
      %add3A_513 = arith.constant 6 : i32
      %add3A_514 = vector.broadcast %add3A_513 : i32 to vector<16xi32>
      %add3A_515 = arith.addi %mul3A_38, %add3A_514 : vector<16xi32>
      %gather3A_516 = tpu.vector_load_idx %arg8[%add3A_515] : memref<10032xf32, #tpu.memory_space<vmem>>[vector<16xi32>], vector<16xf32>,
      %add3A_517 = arith.constant 6 : i32
      %add3A_518 = vector.broadcast %add3A_517 : i32 to vector<16xi32>
      %add3A_519 = arith.addi %mul3A_50, %add3A_518 : vector<16xi32>
      %gather3A_520 = tpu.vector_load_idx %arg8[%add3A_519] : memref<10032xf32, #tpu.memory_space<vmem>>[vector<16xi32>], vector<16xf32>,
      %add3A_521 = arith.constant 6 : i32
      %add3A_522 = vector.broadcast %add3A_521 : i32 to vector<16xi32>
      %add3A_523 = arith.addi %mul3A_62, %add3A_522 : vector<16xi32>
      %gather3A_524 = tpu.vector_load_idx %arg8[%add3A_523] : memref<10032xf32, #tpu.memory_space<vmem>>[vector<16xi32>], vector<16xf32>,
      %add3A_525 = arith.constant 6 : i32
      %add3A_526 = vector.broadcast %add3A_525 : i32 to vector<16xi32>
      %add3A_527 = arith.addi %mul3A_74, %add3A_526 : vector<16xi32>
      %gather3A_528 = tpu.vector_load_idx %arg8[%add3A_527] : memref<10032xf32, #tpu.memory_space<vmem>>[vector<16xi32>], vector<16xf32>,
      %add3A_529 = arith.addf %gather3A_512, %gather3A_516 : vector<16xf32>
      %add3A_530 = arith.addf %gather3A_520, %gather3A_524 : vector<16xf32>
      %add3A_531 = arith.addf %add3A_529, %add3A_530 : vector<16xf32>
      %add3A_532 = arith.addf %add3A_531, %gather3A_528 : vector<16xf32>
      %add3A_533 = arith.constant 6 : i32
      %add3A_534 = vector.broadcast %add3A_533 : i32 to vector<16xi32>
      %add3A_535 = arith.addi %add3A_89, %add3A_534 : vector<16xi32>
      %gather3A_536 = tpu.vector_load_idx %arg8[%add3A_535] : memref<10032xf32, #tpu.memory_space<vmem>>[vector<16xi32>], vector<16xf32>,
      %add3A_537 = arith.constant 6 : i32
      %add3A_538 = vector.broadcast %add3A_537 : i32 to vector<16xi32>
      %add3A_539 = arith.addi %add3A_104, %add3A_538 : vector<16xi32>
      %gather3A_540 = tpu.vector_load_idx %arg8[%add3A_539] : memref<10032xf32, #tpu.memory_space<vmem>>[vector<16xi32>], vector<16xf32>,
      %add3A_541 = arith.constant 6 : i32
      %add3A_542 = vector.broadcast %add3A_541 : i32 to vector<16xi32>
      %add3A_543 = arith.addi %add3A_119, %add3A_542 : vector<16xi32>
      %gather3A_544 = tpu.vector_load_idx %arg8[%add3A_543] : memref<10032xf32, #tpu.memory_space<vmem>>[vector<16xi32>], vector<16xf32>,
      %add3A_545 = arith.constant 6 : i32
      %add3A_546 = vector.broadcast %add3A_545 : i32 to vector<16xi32>
      %add3A_547 = arith.addi %add3A_134, %add3A_546 : vector<16xi32>
      %gather3A_548 = tpu.vector_load_idx %arg8[%add3A_547] : memref<10032xf32, #tpu.memory_space<vmem>>[vector<16xi32>], vector<16xf32>,
      %add3A_549 = arith.constant 6 : i32
      %add3A_550 = vector.broadcast %add3A_549 : i32 to vector<16xi32>
      %add3A_551 = arith.addi %add3A_149, %add3A_550 : vector<16xi32>
      %gather3A_552 = tpu.vector_load_idx %arg8[%add3A_551] : memref<10032xf32, #tpu.memory_space<vmem>>[vector<16xi32>], vector<16xf32>,
      %add3A_553 = arith.addf %gather3A_536, %gather3A_540 : vector<16xf32>
      %add3A_554 = arith.addf %gather3A_544, %gather3A_548 : vector<16xf32>
      %add3A_555 = arith.addf %add3A_553, %add3A_554 : vector<16xf32>
      %add3A_556 = arith.addf %add3A_555, %gather3A_552 : vector<16xf32>
      %mul3A_557 = arith.constant 16 : i32
      %mul3A_558 = arith.muli %scan3A_15, %mul3A_557 : i32
      %swap3A_559 = arith.constant 6 : i32
      %swap3A_560 = arith.index_cast %swap3A_559 : i32 to index
      %swap3A_561 = arith.index_cast %mul3A_558 : i32 to index
      %swap3A_562 = tpu.vector_load %arg9[%swap3A_560, %swap3A_561] {strides = array<i32>} : memref<64x512xf32, #tpu.memory_space<vmem>>, vector<16xf32>,
      tpu.vector_store %arg9[%swap3A_560, %swap3A_561], %add3A_532 {strides = array<i32>} : memref<64x512xf32, #tpu.memory_space<vmem>>, vector<16xf32>,
      %mul3A_563 = arith.constant 16 : i32
      %mul3A_564 = arith.muli %scan3A_15, %mul3A_563 : i32
      %swap3A_565 = arith.constant 38 : i32
      %swap3A_566 = arith.index_cast %swap3A_565 : i32 to index
      %swap3A_567 = arith.index_cast %mul3A_564 : i32 to index
      %swap3A_568 = tpu.vector_load %arg9[%swap3A_566, %swap3A_567] {strides = array<i32>} : memref<64x512xf32, #tpu.memory_space<vmem>>, vector<16xf32>,
      tpu.vector_store %arg9[%swap3A_566, %swap3A_567], %add3A_556 {strides = array<i32>} : memref<64x512xf32, #tpu.memory_space<vmem>>, vector<16xf32>,
      %add3A_569 = arith.constant 7 : i32
      %add3A_570 = vector.broadcast %add3A_569 : i32 to vector<16xi32>
      %add3A_571 = arith.addi %mul3A_26, %add3A_570 : vector<16xi32>
      %gather3A_572 = tpu.vector_load_idx %arg8[%add3A_571] : memref<10032xf32, #tpu.memory_space<vmem>>[vector<16xi32>], vector<16xf32>,
      %add3A_573 = arith.constant 7 : i32
      %add3A_574 = vector.broadcast %add3A_573 : i32 to vector<16xi32>
      %add3A_575 = arith.addi %mul3A_38, %add3A_574 : vector<16xi32>
      %gather3A_576 = tpu.vector_load_idx %arg8[%add3A_575] : memref<10032xf32, #tpu.memory_space<vmem>>[vector<16xi32>], vector<16xf32>,
      %add3A_577 = arith.constant 7 : i32
      %add3A_578 = vector.broadcast %add3A_577 : i32 to vector<16xi32>
      %add3A_579 = arith.addi %mul3A_50, %add3A_578 : vector<16xi32>
      %gather3A_580 = tpu.vector_load_idx %arg8[%add3A_579] : memref<10032xf32, #tpu.memory_space<vmem>>[vector<16xi32>], vector<16xf32>,
      %add3A_581 = arith.constant 7 : i32
      %add3A_582 = vector.broadcast %add3A_581 : i32 to vector<16xi32>
      %add3A_583 = arith.addi %mul3A_62, %add3A_582 : vector<16xi32>
      %gather3A_584 = tpu.vector_load_idx %arg8[%add3A_583] : memref<10032xf32, #tpu.memory_space<vmem>>[vector<16xi32>], vector<16xf32>,
      %add3A_585 = arith.constant 7 : i32
      %add3A_586 = vector.broadcast %add3A_585 : i32 to vector<16xi32>
      %add3A_587 = arith.addi %mul3A_74, %add3A_586 : vector<16xi32>
      %gather3A_588 = tpu.vector_load_idx %arg8[%add3A_587] : memref<10032xf32, #tpu.memory_space<vmem>>[vector<16xi32>], vector<16xf32>,
      %add3A_589 = arith.addf %gather3A_572, %gather3A_576 : vector<16xf32>
      %add3A_590 = arith.addf %gather3A_580, %gather3A_584 : vector<16xf32>
      %add3A_591 = arith.addf %add3A_589, %add3A_590 : vector<16xf32>
      %add3A_592 = arith.addf %add3A_591, %gather3A_588 : vector<16xf32>
      %add3A_593 = arith.constant 7 : i32
      %add3A_594 = vector.broadcast %add3A_593 : i32 to vector<16xi32>
      %add3A_595 = arith.addi %add3A_89, %add3A_594 : vector<16xi32>
      %gather3A_596 = tpu.vector_load_idx %arg8[%add3A_595] : memref<10032xf32, #tpu.memory_space<vmem>>[vector<16xi32>], vector<16xf32>,
      %add3A_597 = arith.constant 7 : i32
      %add3A_598 = vector.broadcast %add3A_597 : i32 to vector<16xi32>
      %add3A_599 = arith.addi %add3A_104, %add3A_598 : vector<16xi32>
      %gather3A_600 = tpu.vector_load_idx %arg8[%add3A_599] : memref<10032xf32, #tpu.memory_space<vmem>>[vector<16xi32>], vector<16xf32>,
      %add3A_601 = arith.constant 7 : i32
      %add3A_602 = vector.broadcast %add3A_601 : i32 to vector<16xi32>
      %add3A_603 = arith.addi %add3A_119, %add3A_602 : vector<16xi32>
      %gather3A_604 = tpu.vector_load_idx %arg8[%add3A_603] : memref<10032xf32, #tpu.memory_space<vmem>>[vector<16xi32>], vector<16xf32>,
      %add3A_605 = arith.constant 7 : i32
      %add3A_606 = vector.broadcast %add3A_605 : i32 to vector<16xi32>
      %add3A_607 = arith.addi %add3A_134, %add3A_606 : vector<16xi32>
      %gather3A_608 = tpu.vector_load_idx %arg8[%add3A_607] : memref<10032xf32, #tpu.memory_space<vmem>>[vector<16xi32>], vector<16xf32>,
      %add3A_609 = arith.constant 7 : i32
      %add3A_610 = vector.broadcast %add3A_609 : i32 to vector<16xi32>
      %add3A_611 = arith.addi %add3A_149, %add3A_610 : vector<16xi32>
      %gather3A_612 = tpu.vector_load_idx %arg8[%add3A_611] : memref<10032xf32, #tpu.memory_space<vmem>>[vector<16xi32>], vector<16xf32>,
      %add3A_613 = arith.addf %gather3A_596, %gather3A_600 : vector<16xf32>
      %add3A_614 = arith.addf %gather3A_604, %gather3A_608 : vector<16xf32>
      %add3A_615 = arith.addf %add3A_613, %add3A_614 : vector<16xf32>
      %add3A_616 = arith.addf %add3A_615, %gather3A_612 : vector<16xf32>
      %mul3A_617 = arith.constant 16 : i32
      %mul3A_618 = arith.muli %scan3A_15, %mul3A_617 : i32
      %swap3A_619 = arith.constant 7 : i32
      %swap3A_620 = arith.index_cast %swap3A_619 : i32 to index
      %swap3A_621 = arith.index_cast %mul3A_618 : i32 to index
      %swap3A_622 = tpu.vector_load %arg9[%swap3A_620, %swap3A_621] {strides = array<i32>} : memref<64x512xf32, #tpu.memory_space<vmem>>, vector<16xf32>,
      tpu.vector_store %arg9[%swap3A_620, %swap3A_621], %add3A_592 {strides = array<i32>} : memref<64x512xf32, #tpu.memory_space<vmem>>, vector<16xf32>,
      %mul3A_623 = arith.constant 16 : i32
      %mul3A_624 = arith.muli %scan3A_15, %mul3A_623 : i32
      %swap3A_625 = arith.constant 39 : i32
      %swap3A_626 = arith.index_cast %swap3A_625 : i32 to index
      %swap3A_627 = arith.index_cast %mul3A_624 : i32 to index
      %swap3A_628 = tpu.vector_load %arg9[%swap3A_626, %swap3A_627] {strides = array<i32>} : memref<64x512xf32, #tpu.memory_space<vmem>>, vector<16xf32>,
      tpu.vector_store %arg9[%swap3A_626, %swap3A_627], %add3A_616 {strides = array<i32>} : memref<64x512xf32, #tpu.memory_space<vmem>>, vector<16xf32>,
      %add3A_629 = arith.constant 8 : i32
      %add3A_630 = vector.broadcast %add3A_629 : i32 to vector<16xi32>
      %add3A_631 = arith.addi %mul3A_26, %add3A_630 : vector<16xi32>
      %gather3A_632 = tpu.vector_load_idx %arg8[%add3A_631] : memref<10032xf32, #tpu.memory_space<vmem>>[vector<16xi32>], vector<16xf32>,
      %add3A_633 = arith.constant 8 : i32
      %add3A_634 = vector.broadcast %add3A_633 : i32 to vector<16xi32>
      %add3A_635 = arith.addi %mul3A_38, %add3A_634 : vector<16xi32>
      %gather3A_636 = tpu.vector_load_idx %arg8[%add3A_635] : memref<10032xf32, #tpu.memory_space<vmem>>[vector<16xi32>], vector<16xf32>,
      %add3A_637 = arith.constant 8 : i32
      %add3A_638 = vector.broadcast %add3A_637 : i32 to vector<16xi32>
      %add3A_639 = arith.addi %mul3A_50, %add3A_638 : vector<16xi32>
      %gather3A_640 = tpu.vector_load_idx %arg8[%add3A_639] : memref<10032xf32, #tpu.memory_space<vmem>>[vector<16xi32>], vector<16xf32>,
      %add3A_641 = arith.constant 8 : i32
      %add3A_642 = vector.broadcast %add3A_641 : i32 to vector<16xi32>
      %add3A_643 = arith.addi %mul3A_62, %add3A_642 : vector<16xi32>
      %gather3A_644 = tpu.vector_load_idx %arg8[%add3A_643] : memref<10032xf32, #tpu.memory_space<vmem>>[vector<16xi32>], vector<16xf32>,
      %add3A_645 = arith.constant 8 : i32
      %add3A_646 = vector.broadcast %add3A_645 : i32 to vector<16xi32>
      %add3A_647 = arith.addi %mul3A_74, %add3A_646 : vector<16xi32>
      %gather3A_648 = tpu.vector_load_idx %arg8[%add3A_647] : memref<10032xf32, #tpu.memory_space<vmem>>[vector<16xi32>], vector<16xf32>,
      %add3A_649 = arith.addf %gather3A_632, %gather3A_636 : vector<16xf32>
      %add3A_650 = arith.addf %gather3A_640, %gather3A_644 : vector<16xf32>
      %add3A_651 = arith.addf %add3A_649, %add3A_650 : vector<16xf32>
      %add3A_652 = arith.addf %add3A_651, %gather3A_648 : vector<16xf32>
      %add3A_653 = arith.constant 8 : i32
      %add3A_654 = vector.broadcast %add3A_653 : i32 to vector<16xi32>
      %add3A_655 = arith.addi %add3A_89, %add3A_654 : vector<16xi32>
      %gather3A_656 = tpu.vector_load_idx %arg8[%add3A_655] : memref<10032xf32, #tpu.memory_space<vmem>>[vector<16xi32>], vector<16xf32>,
      %add3A_657 = arith.constant 8 : i32
      %add3A_658 = vector.broadcast %add3A_657 : i32 to vector<16xi32>
      %add3A_659 = arith.addi %add3A_104, %add3A_658 : vector<16xi32>
      %gather3A_660 = tpu.vector_load_idx %arg8[%add3A_659] : memref<10032xf32, #tpu.memory_space<vmem>>[vector<16xi32>], vector<16xf32>,
      %add3A_661 = arith.constant 8 : i32
      %add3A_662 = vector.broadcast %add3A_661 : i32 to vector<16xi32>
      %add3A_663 = arith.addi %add3A_119, %add3A_662 : vector<16xi32>
      %gather3A_664 = tpu.vector_load_idx %arg8[%add3A_663] : memref<10032xf32, #tpu.memory_space<vmem>>[vector<16xi32>], vector<16xf32>,
      %add3A_665 = arith.constant 8 : i32
      %add3A_666 = vector.broadcast %add3A_665 : i32 to vector<16xi32>
      %add3A_667 = arith.addi %add3A_134, %add3A_666 : vector<16xi32>
      %gather3A_668 = tpu.vector_load_idx %arg8[%add3A_667] : memref<10032xf32, #tpu.memory_space<vmem>>[vector<16xi32>], vector<16xf32>,
      %add3A_669 = arith.constant 8 : i32
      %add3A_670 = vector.broadcast %add3A_669 : i32 to vector<16xi32>
      %add3A_671 = arith.addi %add3A_149, %add3A_670 : vector<16xi32>
      %gather3A_672 = tpu.vector_load_idx %arg8[%add3A_671] : memref<10032xf32, #tpu.memory_space<vmem>>[vector<16xi32>], vector<16xf32>,
      %add3A_673 = arith.addf %gather3A_656, %gather3A_660 : vector<16xf32>
      %add3A_674 = arith.addf %gather3A_664, %gather3A_668 : vector<16xf32>
      %add3A_675 = arith.addf %add3A_673, %add3A_674 : vector<16xf32>
      %add3A_676 = arith.addf %add3A_675, %gather3A_672 : vector<16xf32>
      %mul3A_677 = arith.constant 16 : i32
      %mul3A_678 = arith.muli %scan3A_15, %mul3A_677 : i32
      %swap3A_679 = arith.constant 8 : i32
      %swap3A_680 = arith.index_cast %swap3A_679 : i32 to index
      %swap3A_681 = arith.index_cast %mul3A_678 : i32 to index
      %swap3A_682 = tpu.vector_load %arg9[%swap3A_680, %swap3A_681] {strides = array<i32>} : memref<64x512xf32, #tpu.memory_space<vmem>>, vector<16xf32>,
      tpu.vector_store %arg9[%swap3A_680, %swap3A_681], %add3A_652 {strides = array<i32>} : memref<64x512xf32, #tpu.memory_space<vmem>>, vector<16xf32>,
      %mul3A_683 = arith.constant 16 : i32
      %mul3A_684 = arith.muli %scan3A_15, %mul3A_683 : i32
      %swap3A_685 = arith.constant 40 : i32
      %swap3A_686 = arith.index_cast %swap3A_685 : i32 to index
      %swap3A_687 = arith.index_cast %mul3A_684 : i32 to index
      %swap3A_688 = tpu.vector_load %arg9[%swap3A_686, %swap3A_687] {strides = array<i32>} : memref<64x512xf32, #tpu.memory_space<vmem>>, vector<16xf32>,
      tpu.vector_store %arg9[%swap3A_686, %swap3A_687], %add3A_676 {strides = array<i32>} : memref<64x512xf32, #tpu.memory_space<vmem>>, vector<16xf32>,
      %add3A_689 = arith.constant 9 : i32
      %add3A_690 = vector.broadcast %add3A_689 : i32 to vector<16xi32>
      %add3A_691 = arith.addi %mul3A_26, %add3A_690 : vector<16xi32>
      %gather3A_692 = tpu.vector_load_idx %arg8[%add3A_691] : memref<10032xf32, #tpu.memory_space<vmem>>[vector<16xi32>], vector<16xf32>,
      %add3A_693 = arith.constant 9 : i32
      %add3A_694 = vector.broadcast %add3A_693 : i32 to vector<16xi32>
      %add3A_695 = arith.addi %mul3A_38, %add3A_694 : vector<16xi32>
      %gather3A_696 = tpu.vector_load_idx %arg8[%add3A_695] : memref<10032xf32, #tpu.memory_space<vmem>>[vector<16xi32>], vector<16xf32>,
      %add3A_697 = arith.constant 9 : i32
      %add3A_698 = vector.broadcast %add3A_697 : i32 to vector<16xi32>
      %add3A_699 = arith.addi %mul3A_50, %add3A_698 : vector<16xi32>
      %gather3A_700 = tpu.vector_load_idx %arg8[%add3A_699] : memref<10032xf32, #tpu.memory_space<vmem>>[vector<16xi32>], vector<16xf32>,
      %add3A_701 = arith.constant 9 : i32
      %add3A_702 = vector.broadcast %add3A_701 : i32 to vector<16xi32>
      %add3A_703 = arith.addi %mul3A_62, %add3A_702 : vector<16xi32>
      %gather3A_704 = tpu.vector_load_idx %arg8[%add3A_703] : memref<10032xf32, #tpu.memory_space<vmem>>[vector<16xi32>], vector<16xf32>,
      %add3A_705 = arith.constant 9 : i32
      %add3A_706 = vector.broadcast %add3A_705 : i32 to vector<16xi32>
      %add3A_707 = arith.addi %mul3A_74, %add3A_706 : vector<16xi32>
      %gather3A_708 = tpu.vector_load_idx %arg8[%add3A_707] : memref<10032xf32, #tpu.memory_space<vmem>>[vector<16xi32>], vector<16xf32>,
      %add3A_709 = arith.addf %gather3A_692, %gather3A_696 : vector<16xf32>
      %add3A_710 = arith.addf %gather3A_700, %gather3A_704 : vector<16xf32>
      %add3A_711 = arith.addf %add3A_709, %add3A_710 : vector<16xf32>
      %add3A_712 = arith.addf %add3A_711, %gather3A_708 : vector<16xf32>
      %add3A_713 = arith.constant 9 : i32
      %add3A_714 = vector.broadcast %add3A_713 : i32 to vector<16xi32>
      %add3A_715 = arith.addi %add3A_89, %add3A_714 : vector<16xi32>
      %gather3A_716 = tpu.vector_load_idx %arg8[%add3A_715] : memref<10032xf32, #tpu.memory_space<vmem>>[vector<16xi32>], vector<16xf32>,
      %add3A_717 = arith.constant 9 : i32
      %add3A_718 = vector.broadcast %add3A_717 : i32 to vector<16xi32>
      %add3A_719 = arith.addi %add3A_104, %add3A_718 : vector<16xi32>
      %gather3A_720 = tpu.vector_load_idx %arg8[%add3A_719] : memref<10032xf32, #tpu.memory_space<vmem>>[vector<16xi32>], vector<16xf32>,
      %add3A_721 = arith.constant 9 : i32
      %add3A_722 = vector.broadcast %add3A_721 : i32 to vector<16xi32>
      %add3A_723 = arith.addi %add3A_119, %add3A_722 : vector<16xi32>
      %gather3A_724 = tpu.vector_load_idx %arg8[%add3A_723] : memref<10032xf32, #tpu.memory_space<vmem>>[vector<16xi32>], vector<16xf32>,
      %add3A_725 = arith.constant 9 : i32
      %add3A_726 = vector.broadcast %add3A_725 : i32 to vector<16xi32>
      %add3A_727 = arith.addi %add3A_134, %add3A_726 : vector<16xi32>
      %gather3A_728 = tpu.vector_load_idx %arg8[%add3A_727] : memref<10032xf32, #tpu.memory_space<vmem>>[vector<16xi32>], vector<16xf32>,
      %add3A_729 = arith.constant 9 : i32
      %add3A_730 = vector.broadcast %add3A_729 : i32 to vector<16xi32>
      %add3A_731 = arith.addi %add3A_149, %add3A_730 : vector<16xi32>
      %gather3A_732 = tpu.vector_load_idx %arg8[%add3A_731] : memref<10032xf32, #tpu.memory_space<vmem>>[vector<16xi32>], vector<16xf32>,
      %add3A_733 = arith.addf %gather3A_716, %gather3A_720 : vector<16xf32>
      %add3A_734 = arith.addf %gather3A_724, %gather3A_728 : vector<16xf32>
      %add3A_735 = arith.addf %add3A_733, %add3A_734 : vector<16xf32>
      %add3A_736 = arith.addf %add3A_735, %gather3A_732 : vector<16xf32>
      %mul3A_737 = arith.constant 16 : i32
      %mul3A_738 = arith.muli %scan3A_15, %mul3A_737 : i32
      %swap3A_739 = arith.constant 9 : i32
      %swap3A_740 = arith.index_cast %swap3A_739 : i32 to index
      %swap3A_741 = arith.index_cast %mul3A_738 : i32 to index
      %swap3A_742 = tpu.vector_load %arg9[%swap3A_740, %swap3A_741] {strides = array<i32>} : memref<64x512xf32, #tpu.memory_space<vmem>>, vector<16xf32>,
      tpu.vector_store %arg9[%swap3A_740, %swap3A_741], %add3A_712 {strides = array<i32>} : memref<64x512xf32, #tpu.memory_space<vmem>>, vector<16xf32>,
      %mul3A_743 = arith.constant 16 : i32
      %mul3A_744 = arith.muli %scan3A_15, %mul3A_743 : i32
      %swap3A_745 = arith.constant 41 : i32
      %swap3A_746 = arith.index_cast %swap3A_745 : i32 to index
      %swap3A_747 = arith.index_cast %mul3A_744 : i32 to index
      %swap3A_748 = tpu.vector_load %arg9[%swap3A_746, %swap3A_747] {strides = array<i32>} : memref<64x512xf32, #tpu.memory_space<vmem>>, vector<16xf32>,
      tpu.vector_store %arg9[%swap3A_746, %swap3A_747], %add3A_736 {strides = array<i32>} : memref<64x512xf32, #tpu.memory_space<vmem>>, vector<16xf32>,
      %add3A_749 = arith.constant 10 : i32
      %add3A_750 = vector.broadcast %add3A_749 : i32 to vector<16xi32>
      %add3A_751 = arith.addi %mul3A_26, %add3A_750 : vector<16xi32>
      %gather3A_752 = tpu.vector_load_idx %arg8[%add3A_751] : memref<10032xf32, #tpu.memory_space<vmem>>[vector<16xi32>], vector<16xf32>,
      %add3A_753 = arith.constant 10 : i32
      %add3A_754 = vector.broadcast %add3A_753 : i32 to vector<16xi32>
      %add3A_755 = arith.addi %mul3A_38, %add3A_754 : vector<16xi32>
      %gather3A_756 = tpu.vector_load_idx %arg8[%add3A_755] : memref<10032xf32, #tpu.memory_space<vmem>>[vector<16xi32>], vector<16xf32>,
      %add3A_757 = arith.constant 10 : i32
      %add3A_758 = vector.broadcast %add3A_757 : i32 to vector<16xi32>
      %add3A_759 = arith.addi %mul3A_50, %add3A_758 : vector<16xi32>
      %gather3A_760 = tpu.vector_load_idx %arg8[%add3A_759] : memref<10032xf32, #tpu.memory_space<vmem>>[vector<16xi32>], vector<16xf32>,
      %add3A_761 = arith.constant 10 : i32
      %add3A_762 = vector.broadcast %add3A_761 : i32 to vector<16xi32>
      %add3A_763 = arith.addi %mul3A_62, %add3A_762 : vector<16xi32>
      %gather3A_764 = tpu.vector_load_idx %arg8[%add3A_763] : memref<10032xf32, #tpu.memory_space<vmem>>[vector<16xi32>], vector<16xf32>,
      %add3A_765 = arith.constant 10 : i32
      %add3A_766 = vector.broadcast %add3A_765 : i32 to vector<16xi32>
      %add3A_767 = arith.addi %mul3A_74, %add3A_766 : vector<16xi32>
      %gather3A_768 = tpu.vector_load_idx %arg8[%add3A_767] : memref<10032xf32, #tpu.memory_space<vmem>>[vector<16xi32>], vector<16xf32>,
      %add3A_769 = arith.addf %gather3A_752, %gather3A_756 : vector<16xf32>
      %add3A_770 = arith.addf %gather3A_760, %gather3A_764 : vector<16xf32>
      %add3A_771 = arith.addf %add3A_769, %add3A_770 : vector<16xf32>
      %add3A_772 = arith.addf %add3A_771, %gather3A_768 : vector<16xf32>
      %add3A_773 = arith.constant 10 : i32
      %add3A_774 = vector.broadcast %add3A_773 : i32 to vector<16xi32>
      %add3A_775 = arith.addi %add3A_89, %add3A_774 : vector<16xi32>
      %gather3A_776 = tpu.vector_load_idx %arg8[%add3A_775] : memref<10032xf32, #tpu.memory_space<vmem>>[vector<16xi32>], vector<16xf32>,
      %add3A_777 = arith.constant 10 : i32
      %add3A_778 = vector.broadcast %add3A_777 : i32 to vector<16xi32>
      %add3A_779 = arith.addi %add3A_104, %add3A_778 : vector<16xi32>
      %gather3A_780 = tpu.vector_load_idx %arg8[%add3A_779] : memref<10032xf32, #tpu.memory_space<vmem>>[vector<16xi32>], vector<16xf32>,
      %add3A_781 = arith.constant 10 : i32
      %add3A_782 = vector.broadcast %add3A_781 : i32 to vector<16xi32>
      %add3A_783 = arith.addi %add3A_119, %add3A_782 : vector<16xi32>
      %gather3A_784 = tpu.vector_load_idx %arg8[%add3A_783] : memref<10032xf32, #tpu.memory_space<vmem>>[vector<16xi32>], vector<16xf32>,
      %add3A_785 = arith.constant 10 : i32
      %add3A_786 = vector.broadcast %add3A_785 : i32 to vector<16xi32>
      %add3A_787 = arith.addi %add3A_134, %add3A_786 : vector<16xi32>
      %gather3A_788 = tpu.vector_load_idx %arg8[%add3A_787] : memref<10032xf32, #tpu.memory_space<vmem>>[vector<16xi32>], vector<16xf32>,
      %add3A_789 = arith.constant 10 : i32
      %add3A_790 = vector.broadcast %add3A_789 : i32 to vector<16xi32>
      %add3A_791 = arith.addi %add3A_149, %add3A_790 : vector<16xi32>
      %gather3A_792 = tpu.vector_load_idx %arg8[%add3A_791] : memref<10032xf32, #tpu.memory_space<vmem>>[vector<16xi32>], vector<16xf32>,
      %add3A_793 = arith.addf %gather3A_776, %gather3A_780 : vector<16xf32>
      %add3A_794 = arith.addf %gather3A_784, %gather3A_788 : vector<16xf32>
      %add3A_795 = arith.addf %add3A_793, %add3A_794 : vector<16xf32>
      %add3A_796 = arith.addf %add3A_795, %gather3A_792 : vector<16xf32>
      %mul3A_797 = arith.constant 16 : i32
      %mul3A_798 = arith.muli %scan3A_15, %mul3A_797 : i32
      %swap3A_799 = arith.constant 10 : i32
      %swap3A_800 = arith.index_cast %swap3A_799 : i32 to index
      %swap3A_801 = arith.index_cast %mul3A_798 : i32 to index
      %swap3A_802 = tpu.vector_load %arg9[%swap3A_800, %swap3A_801] {strides = array<i32>} : memref<64x512xf32, #tpu.memory_space<vmem>>, vector<16xf32>,
      tpu.vector_store %arg9[%swap3A_800, %swap3A_801], %add3A_772 {strides = array<i32>} : memref<64x512xf32, #tpu.memory_space<vmem>>, vector<16xf32>,
      %mul3A_803 = arith.constant 16 : i32
      %mul3A_804 = arith.muli %scan3A_15, %mul3A_803 : i32
      %swap3A_805 = arith.constant 42 : i32
      %swap3A_806 = arith.index_cast %swap3A_805 : i32 to index
      %swap3A_807 = arith.index_cast %mul3A_804 : i32 to index
      %swap3A_808 = tpu.vector_load %arg9[%swap3A_806, %swap3A_807] {strides = array<i32>} : memref<64x512xf32, #tpu.memory_space<vmem>>, vector<16xf32>,
      tpu.vector_store %arg9[%swap3A_806, %swap3A_807], %add3A_796 {strides = array<i32>} : memref<64x512xf32, #tpu.memory_space<vmem>>, vector<16xf32>,
      %add3A_809 = arith.constant 11 : i32
      %add3A_810 = vector.broadcast %add3A_809 : i32 to vector<16xi32>
      %add3A_811 = arith.addi %mul3A_26, %add3A_810 : vector<16xi32>
      %gather3A_812 = tpu.vector_load_idx %arg8[%add3A_811] : memref<10032xf32, #tpu.memory_space<vmem>>[vector<16xi32>], vector<16xf32>,
      %add3A_813 = arith.constant 11 : i32
      %add3A_814 = vector.broadcast %add3A_813 : i32 to vector<16xi32>
      %add3A_815 = arith.addi %mul3A_38, %add3A_814 : vector<16xi32>
      %gather3A_816 = tpu.vector_load_idx %arg8[%add3A_815] : memref<10032xf32, #tpu.memory_space<vmem>>[vector<16xi32>], vector<16xf32>,
      %add3A_817 = arith.constant 11 : i32
      %add3A_818 = vector.broadcast %add3A_817 : i32 to vector<16xi32>
      %add3A_819 = arith.addi %mul3A_50, %add3A_818 : vector<16xi32>
      %gather3A_820 = tpu.vector_load_idx %arg8[%add3A_819] : memref<10032xf32, #tpu.memory_space<vmem>>[vector<16xi32>], vector<16xf32>,
      %add3A_821 = arith.constant 11 : i32
      %add3A_822 = vector.broadcast %add3A_821 : i32 to vector<16xi32>
      %add3A_823 = arith.addi %mul3A_62, %add3A_822 : vector<16xi32>
      %gather3A_824 = tpu.vector_load_idx %arg8[%add3A_823] : memref<10032xf32, #tpu.memory_space<vmem>>[vector<16xi32>], vector<16xf32>,
      %add3A_825 = arith.constant 11 : i32
      %add3A_826 = vector.broadcast %add3A_825 : i32 to vector<16xi32>
      %add3A_827 = arith.addi %mul3A_74, %add3A_826 : vector<16xi32>
      %gather3A_828 = tpu.vector_load_idx %arg8[%add3A_827] : memref<10032xf32, #tpu.memory_space<vmem>>[vector<16xi32>], vector<16xf32>,
      %add3A_829 = arith.addf %gather3A_812, %gather3A_816 : vector<16xf32>
      %add3A_830 = arith.addf %gather3A_820, %gather3A_824 : vector<16xf32>
      %add3A_831 = arith.addf %add3A_829, %add3A_830 : vector<16xf32>
      %add3A_832 = arith.addf %add3A_831, %gather3A_828 : vector<16xf32>
      %add3A_833 = arith.constant 11 : i32
      %add3A_834 = vector.broadcast %add3A_833 : i32 to vector<16xi32>
      %add3A_835 = arith.addi %add3A_89, %add3A_834 : vector<16xi32>
      %gather3A_836 = tpu.vector_load_idx %arg8[%add3A_835] : memref<10032xf32, #tpu.memory_space<vmem>>[vector<16xi32>], vector<16xf32>,
      %add3A_837 = arith.constant 11 : i32
      %add3A_838 = vector.broadcast %add3A_837 : i32 to vector<16xi32>
      %add3A_839 = arith.addi %add3A_104, %add3A_838 : vector<16xi32>
      %gather3A_840 = tpu.vector_load_idx %arg8[%add3A_839] : memref<10032xf32, #tpu.memory_space<vmem>>[vector<16xi32>], vector<16xf32>,
      %add3A_841 = arith.constant 11 : i32
      %add3A_842 = vector.broadcast %add3A_841 : i32 to vector<16xi32>
      %add3A_843 = arith.addi %add3A_119, %add3A_842 : vector<16xi32>
      %gather3A_844 = tpu.vector_load_idx %arg8[%add3A_843] : memref<10032xf32, #tpu.memory_space<vmem>>[vector<16xi32>], vector<16xf32>,
      %add3A_845 = arith.constant 11 : i32
      %add3A_846 = vector.broadcast %add3A_845 : i32 to vector<16xi32>
      %add3A_847 = arith.addi %add3A_134, %add3A_846 : vector<16xi32>
      %gather3A_848 = tpu.vector_load_idx %arg8[%add3A_847] : memref<10032xf32, #tpu.memory_space<vmem>>[vector<16xi32>], vector<16xf32>,
      %add3A_849 = arith.constant 11 : i32
      %add3A_850 = vector.broadcast %add3A_849 : i32 to vector<16xi32>
      %add3A_851 = arith.addi %add3A_149, %add3A_850 : vector<16xi32>
      %gather3A_852 = tpu.vector_load_idx %arg8[%add3A_851] : memref<10032xf32, #tpu.memory_space<vmem>>[vector<16xi32>], vector<16xf32>,
      %add3A_853 = arith.addf %gather3A_836, %gather3A_840 : vector<16xf32>
      %add3A_854 = arith.addf %gather3A_844, %gather3A_848 : vector<16xf32>
      %add3A_855 = arith.addf %add3A_853, %add3A_854 : vector<16xf32>
      %add3A_856 = arith.addf %add3A_855, %gather3A_852 : vector<16xf32>
      %mul3A_857 = arith.constant 16 : i32
      %mul3A_858 = arith.muli %scan3A_15, %mul3A_857 : i32
      %swap3A_859 = arith.constant 11 : i32
      %swap3A_860 = arith.index_cast %swap3A_859 : i32 to index
      %swap3A_861 = arith.index_cast %mul3A_858 : i32 to index
      %swap3A_862 = tpu.vector_load %arg9[%swap3A_860, %swap3A_861] {strides = array<i32>} : memref<64x512xf32, #tpu.memory_space<vmem>>, vector<16xf32>,
      tpu.vector_store %arg9[%swap3A_860, %swap3A_861], %add3A_832 {strides = array<i32>} : memref<64x512xf32, #tpu.memory_space<vmem>>, vector<16xf32>,
      %mul3A_863 = arith.constant 16 : i32
      %mul3A_864 = arith.muli %scan3A_15, %mul3A_863 : i32
      %swap3A_865 = arith.constant 43 : i32
      %swap3A_866 = arith.index_cast %swap3A_865 : i32 to index
      %swap3A_867 = arith.index_cast %mul3A_864 : i32 to index
      %swap3A_868 = tpu.vector_load %arg9[%swap3A_866, %swap3A_867] {strides = array<i32>} : memref<64x512xf32, #tpu.memory_space<vmem>>, vector<16xf32>,
      tpu.vector_store %arg9[%swap3A_866, %swap3A_867], %add3A_856 {strides = array<i32>} : memref<64x512xf32, #tpu.memory_space<vmem>>, vector<16xf32>,
      %add3A_869 = arith.constant 12 : i32
      %add3A_870 = vector.broadcast %add3A_869 : i32 to vector<16xi32>
      %add3A_871 = arith.addi %mul3A_26, %add3A_870 : vector<16xi32>
      %gather3A_872 = tpu.vector_load_idx %arg8[%add3A_871] : memref<10032xf32, #tpu.memory_space<vmem>>[vector<16xi32>], vector<16xf32>,
      %add3A_873 = arith.constant 12 : i32
      %add3A_874 = vector.broadcast %add3A_873 : i32 to vector<16xi32>
      %add3A_875 = arith.addi %mul3A_38, %add3A_874 : vector<16xi32>
      %gather3A_876 = tpu.vector_load_idx %arg8[%add3A_875] : memref<10032xf32, #tpu.memory_space<vmem>>[vector<16xi32>], vector<16xf32>,
      %add3A_877 = arith.constant 12 : i32
      %add3A_878 = vector.broadcast %add3A_877 : i32 to vector<16xi32>
      %add3A_879 = arith.addi %mul3A_50, %add3A_878 : vector<16xi32>
      %gather3A_880 = tpu.vector_load_idx %arg8[%add3A_879] : memref<10032xf32, #tpu.memory_space<vmem>>[vector<16xi32>], vector<16xf32>,
      %add3A_881 = arith.constant 12 : i32
      %add3A_882 = vector.broadcast %add3A_881 : i32 to vector<16xi32>
      %add3A_883 = arith.addi %mul3A_62, %add3A_882 : vector<16xi32>
      %gather3A_884 = tpu.vector_load_idx %arg8[%add3A_883] : memref<10032xf32, #tpu.memory_space<vmem>>[vector<16xi32>], vector<16xf32>,
      %add3A_885 = arith.constant 12 : i32
      %add3A_886 = vector.broadcast %add3A_885 : i32 to vector<16xi32>
      %add3A_887 = arith.addi %mul3A_74, %add3A_886 : vector<16xi32>
      %gather3A_888 = tpu.vector_load_idx %arg8[%add3A_887] : memref<10032xf32, #tpu.memory_space<vmem>>[vector<16xi32>], vector<16xf32>,
      %add3A_889 = arith.addf %gather3A_872, %gather3A_876 : vector<16xf32>
      %add3A_890 = arith.addf %gather3A_880, %gather3A_884 : vector<16xf32>
      %add3A_891 = arith.addf %add3A_889, %add3A_890 : vector<16xf32>
      %add3A_892 = arith.addf %add3A_891, %gather3A_888 : vector<16xf32>
      %add3A_893 = arith.constant 12 : i32
      %add3A_894 = vector.broadcast %add3A_893 : i32 to vector<16xi32>
      %add3A_895 = arith.addi %add3A_89, %add3A_894 : vector<16xi32>
      %gather3A_896 = tpu.vector_load_idx %arg8[%add3A_895] : memref<10032xf32, #tpu.memory_space<vmem>>[vector<16xi32>], vector<16xf32>,
      %add3A_897 = arith.constant 12 : i32
      %add3A_898 = vector.broadcast %add3A_897 : i32 to vector<16xi32>
      %add3A_899 = arith.addi %add3A_104, %add3A_898 : vector<16xi32>
      %gather3A_900 = tpu.vector_load_idx %arg8[%add3A_899] : memref<10032xf32, #tpu.memory_space<vmem>>[vector<16xi32>], vector<16xf32>,
      %add3A_901 = arith.constant 12 : i32
      %add3A_902 = vector.broadcast %add3A_901 : i32 to vector<16xi32>
      %add3A_903 = arith.addi %add3A_119, %add3A_902 : vector<16xi32>
      %gather3A_904 = tpu.vector_load_idx %arg8[%add3A_903] : memref<10032xf32, #tpu.memory_space<vmem>>[vector<16xi32>], vector<16xf32>,
      %add3A_905 = arith.constant 12 : i32
      %add3A_906 = vector.broadcast %add3A_905 : i32 to vector<16xi32>
      %add3A_907 = arith.addi %add3A_134, %add3A_906 : vector<16xi32>
      %gather3A_908 = tpu.vector_load_idx %arg8[%add3A_907] : memref<10032xf32, #tpu.memory_space<vmem>>[vector<16xi32>], vector<16xf32>,
      %add3A_909 = arith.constant 12 : i32
      %add3A_910 = vector.broadcast %add3A_909 : i32 to vector<16xi32>
      %add3A_911 = arith.addi %add3A_149, %add3A_910 : vector<16xi32>
      %gather3A_912 = tpu.vector_load_idx %arg8[%add3A_911] : memref<10032xf32, #tpu.memory_space<vmem>>[vector<16xi32>], vector<16xf32>,
      %add3A_913 = arith.addf %gather3A_896, %gather3A_900 : vector<16xf32>
      %add3A_914 = arith.addf %gather3A_904, %gather3A_908 : vector<16xf32>
      %add3A_915 = arith.addf %add3A_913, %add3A_914 : vector<16xf32>
      %add3A_916 = arith.addf %add3A_915, %gather3A_912 : vector<16xf32>
      %mul3A_917 = arith.constant 16 : i32
      %mul3A_918 = arith.muli %scan3A_15, %mul3A_917 : i32
      %swap3A_919 = arith.constant 12 : i32
      %swap3A_920 = arith.index_cast %swap3A_919 : i32 to index
      %swap3A_921 = arith.index_cast %mul3A_918 : i32 to index
      %swap3A_922 = tpu.vector_load %arg9[%swap3A_920, %swap3A_921] {strides = array<i32>} : memref<64x512xf32, #tpu.memory_space<vmem>>, vector<16xf32>,
      tpu.vector_store %arg9[%swap3A_920, %swap3A_921], %add3A_892 {strides = array<i32>} : memref<64x512xf32, #tpu.memory_space<vmem>>, vector<16xf32>,
      %mul3A_923 = arith.constant 16 : i32
      %mul3A_924 = arith.muli %scan3A_15, %mul3A_923 : i32
      %swap3A_925 = arith.constant 44 : i32
      %swap3A_926 = arith.index_cast %swap3A_925 : i32 to index
      %swap3A_927 = arith.index_cast %mul3A_924 : i32 to index
      %swap3A_928 = tpu.vector_load %arg9[%swap3A_926, %swap3A_927] {strides = array<i32>} : memref<64x512xf32, #tpu.memory_space<vmem>>, vector<16xf32>,
      tpu.vector_store %arg9[%swap3A_926, %swap3A_927], %add3A_916 {strides = array<i32>} : memref<64x512xf32, #tpu.memory_space<vmem>>, vector<16xf32>,
      %add3A_929 = arith.constant 13 : i32
      %add3A_930 = vector.broadcast %add3A_929 : i32 to vector<16xi32>
      %add3A_931 = arith.addi %mul3A_26, %add3A_930 : vector<16xi32>
      %gather3A_932 = tpu.vector_load_idx %arg8[%add3A_931] : memref<10032xf32, #tpu.memory_space<vmem>>[vector<16xi32>], vector<16xf32>,
      %add3A_933 = arith.constant 13 : i32
      %add3A_934 = vector.broadcast %add3A_933 : i32 to vector<16xi32>
      %add3A_935 = arith.addi %mul3A_38, %add3A_934 : vector<16xi32>
      %gather3A_936 = tpu.vector_load_idx %arg8[%add3A_935] : memref<10032xf32, #tpu.memory_space<vmem>>[vector<16xi32>], vector<16xf32>,
      %add3A_937 = arith.constant 13 : i32
      %add3A_938 = vector.broadcast %add3A_937 : i32 to vector<16xi32>
      %add3A_939 = arith.addi %mul3A_50, %add3A_938 : vector<16xi32>
      %gather3A_940 = tpu.vector_load_idx %arg8[%add3A_939] : memref<10032xf32, #tpu.memory_space<vmem>>[vector<16xi32>], vector<16xf32>,
      %add3A_941 = arith.constant 13 : i32
      %add3A_942 = vector.broadcast %add3A_941 : i32 to vector<16xi32>
      %add3A_943 = arith.addi %mul3A_62, %add3A_942 : vector<16xi32>
      %gather3A_944 = tpu.vector_load_idx %arg8[%add3A_943] : memref<10032xf32, #tpu.memory_space<vmem>>[vector<16xi32>], vector<16xf32>,
      %add3A_945 = arith.constant 13 : i32
      %add3A_946 = vector.broadcast %add3A_945 : i32 to vector<16xi32>
      %add3A_947 = arith.addi %mul3A_74, %add3A_946 : vector<16xi32>
      %gather3A_948 = tpu.vector_load_idx %arg8[%add3A_947] : memref<10032xf32, #tpu.memory_space<vmem>>[vector<16xi32>], vector<16xf32>,
      %add3A_949 = arith.addf %gather3A_932, %gather3A_936 : vector<16xf32>
      %add3A_950 = arith.addf %gather3A_940, %gather3A_944 : vector<16xf32>
      %add3A_951 = arith.addf %add3A_949, %add3A_950 : vector<16xf32>
      %add3A_952 = arith.addf %add3A_951, %gather3A_948 : vector<16xf32>
      %add3A_953 = arith.constant 13 : i32
      %add3A_954 = vector.broadcast %add3A_953 : i32 to vector<16xi32>
      %add3A_955 = arith.addi %add3A_89, %add3A_954 : vector<16xi32>
      %gather3A_956 = tpu.vector_load_idx %arg8[%add3A_955] : memref<10032xf32, #tpu.memory_space<vmem>>[vector<16xi32>], vector<16xf32>,
      %add3A_957 = arith.constant 13 : i32
      %add3A_958 = vector.broadcast %add3A_957 : i32 to vector<16xi32>
      %add3A_959 = arith.addi %add3A_104, %add3A_958 : vector<16xi32>
      %gather3A_960 = tpu.vector_load_idx %arg8[%add3A_959] : memref<10032xf32, #tpu.memory_space<vmem>>[vector<16xi32>], vector<16xf32>,
      %add3A_961 = arith.constant 13 : i32
      %add3A_962 = vector.broadcast %add3A_961 : i32 to vector<16xi32>
      %add3A_963 = arith.addi %add3A_119, %add3A_962 : vector<16xi32>
      %gather3A_964 = tpu.vector_load_idx %arg8[%add3A_963] : memref<10032xf32, #tpu.memory_space<vmem>>[vector<16xi32>], vector<16xf32>,
      %add3A_965 = arith.constant 13 : i32
      %add3A_966 = vector.broadcast %add3A_965 : i32 to vector<16xi32>
      %add3A_967 = arith.addi %add3A_134, %add3A_966 : vector<16xi32>
      %gather3A_968 = tpu.vector_load_idx %arg8[%add3A_967] : memref<10032xf32, #tpu.memory_space<vmem>>[vector<16xi32>], vector<16xf32>,
      %add3A_969 = arith.constant 13 : i32
      %add3A_970 = vector.broadcast %add3A_969 : i32 to vector<16xi32>
      %add3A_971 = arith.addi %add3A_149, %add3A_970 : vector<16xi32>
      %gather3A_972 = tpu.vector_load_idx %arg8[%add3A_971] : memref<10032xf32, #tpu.memory_space<vmem>>[vector<16xi32>], vector<16xf32>,
      %add3A_973 = arith.addf %gather3A_956, %gather3A_960 : vector<16xf32>
      %add3A_974 = arith.addf %gather3A_964, %gather3A_968 : vector<16xf32>
      %add3A_975 = arith.addf %add3A_973, %add3A_974 : vector<16xf32>
      %add3A_976 = arith.addf %add3A_975, %gather3A_972 : vector<16xf32>
      %mul3A_977 = arith.constant 16 : i32
      %mul3A_978 = arith.muli %scan3A_15, %mul3A_977 : i32
      %swap3A_979 = arith.constant 13 : i32
      %swap3A_980 = arith.index_cast %swap3A_979 : i32 to index
      %swap3A_981 = arith.index_cast %mul3A_978 : i32 to index
      %swap3A_982 = tpu.vector_load %arg9[%swap3A_980, %swap3A_981] {strides = array<i32>} : memref<64x512xf32, #tpu.memory_space<vmem>>, vector<16xf32>,
      tpu.vector_store %arg9[%swap3A_980, %swap3A_981], %add3A_952 {strides = array<i32>} : memref<64x512xf32, #tpu.memory_space<vmem>>, vector<16xf32>,
      %mul3A_983 = arith.constant 16 : i32
      %mul3A_984 = arith.muli %scan3A_15, %mul3A_983 : i32
      %swap3A_985 = arith.constant 45 : i32
      %swap3A_986 = arith.index_cast %swap3A_985 : i32 to index
      %swap3A_987 = arith.index_cast %mul3A_984 : i32 to index
      %swap3A_988 = tpu.vector_load %arg9[%swap3A_986, %swap3A_987] {strides = array<i32>} : memref<64x512xf32, #tpu.memory_space<vmem>>, vector<16xf32>,
      tpu.vector_store %arg9[%swap3A_986, %swap3A_987], %add3A_976 {strides = array<i32>} : memref<64x512xf32, #tpu.memory_space<vmem>>, vector<16xf32>,
      %add3A_989 = arith.constant 14 : i32
      %add3A_990 = vector.broadcast %add3A_989 : i32 to vector<16xi32>
      %add3A_991 = arith.addi %mul3A_26, %add3A_990 : vector<16xi32>
      %gather3A_992 = tpu.vector_load_idx %arg8[%add3A_991] : memref<10032xf32, #tpu.memory_space<vmem>>[vector<16xi32>], vector<16xf32>,
      %add3A_993 = arith.constant 14 : i32
      %add3A_994 = vector.broadcast %add3A_993 : i32 to vector<16xi32>
      %add3A_995 = arith.addi %mul3A_38, %add3A_994 : vector<16xi32>
      %gather3A_996 = tpu.vector_load_idx %arg8[%add3A_995] : memref<10032xf32, #tpu.memory_space<vmem>>[vector<16xi32>], vector<16xf32>,
      %add3A_997 = arith.constant 14 : i32
      %add3A_998 = vector.broadcast %add3A_997 : i32 to vector<16xi32>
      %add3A_999 = arith.addi %mul3A_50, %add3A_998 : vector<16xi32>
      %gather3A_1000 = tpu.vector_load_idx %arg8[%add3A_999] : memref<10032xf32, #tpu.memory_space<vmem>>[vector<16xi32>], vector<16xf32>,
      %add3A_1001 = arith.constant 14 : i32
      %add3A_1002 = vector.broadcast %add3A_1001 : i32 to vector<16xi32>
      %add3A_1003 = arith.addi %mul3A_62, %add3A_1002 : vector<16xi32>
      %gather3A_1004 = tpu.vector_load_idx %arg8[%add3A_1003] : memref<10032xf32, #tpu.memory_space<vmem>>[vector<16xi32>], vector<16xf32>,
      %add3A_1005 = arith.constant 14 : i32
      %add3A_1006 = vector.broadcast %add3A_1005 : i32 to vector<16xi32>
      %add3A_1007 = arith.addi %mul3A_74, %add3A_1006 : vector<16xi32>
      %gather3A_1008 = tpu.vector_load_idx %arg8[%add3A_1007] : memref<10032xf32, #tpu.memory_space<vmem>>[vector<16xi32>], vector<16xf32>,
      %add3A_1009 = arith.addf %gather3A_992, %gather3A_996 : vector<16xf32>
      %add3A_1010 = arith.addf %gather3A_1000, %gather3A_1004 : vector<16xf32>
      %add3A_1011 = arith.addf %add3A_1009, %add3A_1010 : vector<16xf32>
      %add3A_1012 = arith.addf %add3A_1011, %gather3A_1008 : vector<16xf32>
      %add3A_1013 = arith.constant 14 : i32
      %add3A_1014 = vector.broadcast %add3A_1013 : i32 to vector<16xi32>
      %add3A_1015 = arith.addi %add3A_89, %add3A_1014 : vector<16xi32>
      %gather3A_1016 = tpu.vector_load_idx %arg8[%add3A_1015] : memref<10032xf32, #tpu.memory_space<vmem>>[vector<16xi32>], vector<16xf32>,
      %add3A_1017 = arith.constant 14 : i32
      %add3A_1018 = vector.broadcast %add3A_1017 : i32 to vector<16xi32>
      %add3A_1019 = arith.addi %add3A_104, %add3A_1018 : vector<16xi32>
      %gather3A_1020 = tpu.vector_load_idx %arg8[%add3A_1019] : memref<10032xf32, #tpu.memory_space<vmem>>[vector<16xi32>], vector<16xf32>,
      %add3A_1021 = arith.constant 14 : i32
      %add3A_1022 = vector.broadcast %add3A_1021 : i32 to vector<16xi32>
      %add3A_1023 = arith.addi %add3A_119, %add3A_1022 : vector<16xi32>
      %gather3A_1024 = tpu.vector_load_idx %arg8[%add3A_1023] : memref<10032xf32, #tpu.memory_space<vmem>>[vector<16xi32>], vector<16xf32>,
      %add3A_1025 = arith.constant 14 : i32
      %add3A_1026 = vector.broadcast %add3A_1025 : i32 to vector<16xi32>
      %add3A_1027 = arith.addi %add3A_134, %add3A_1026 : vector<16xi32>
      %gather3A_1028 = tpu.vector_load_idx %arg8[%add3A_1027] : memref<10032xf32, #tpu.memory_space<vmem>>[vector<16xi32>], vector<16xf32>,
      %add3A_1029 = arith.constant 14 : i32
      %add3A_1030 = vector.broadcast %add3A_1029 : i32 to vector<16xi32>
      %add3A_1031 = arith.addi %add3A_149, %add3A_1030 : vector<16xi32>
      %gather3A_1032 = tpu.vector_load_idx %arg8[%add3A_1031] : memref<10032xf32, #tpu.memory_space<vmem>>[vector<16xi32>], vector<16xf32>,
      %add3A_1033 = arith.addf %gather3A_1016, %gather3A_1020 : vector<16xf32>
      %add3A_1034 = arith.addf %gather3A_1024, %gather3A_1028 : vector<16xf32>
      %add3A_1035 = arith.addf %add3A_1033, %add3A_1034 : vector<16xf32>
      %add3A_1036 = arith.addf %add3A_1035, %gather3A_1032 : vector<16xf32>
      %mul3A_1037 = arith.constant 16 : i32
      %mul3A_1038 = arith.muli %scan3A_15, %mul3A_1037 : i32
      %swap3A_1039 = arith.constant 14 : i32
      %swap3A_1040 = arith.index_cast %swap3A_1039 : i32 to index
      %swap3A_1041 = arith.index_cast %mul3A_1038 : i32 to index
      %swap3A_1042 = tpu.vector_load %arg9[%swap3A_1040, %swap3A_1041] {strides = array<i32>} : memref<64x512xf32, #tpu.memory_space<vmem>>, vector<16xf32>,
      tpu.vector_store %arg9[%swap3A_1040, %swap3A_1041], %add3A_1012 {strides = array<i32>} : memref<64x512xf32, #tpu.memory_space<vmem>>, vector<16xf32>,
      %mul3A_1043 = arith.constant 16 : i32
      %mul3A_1044 = arith.muli %scan3A_15, %mul3A_1043 : i32
      %swap3A_1045 = arith.constant 46 : i32
      %swap3A_1046 = arith.index_cast %swap3A_1045 : i32 to index
      %swap3A_1047 = arith.index_cast %mul3A_1044 : i32 to index
      %swap3A_1048 = tpu.vector_load %arg9[%swap3A_1046, %swap3A_1047] {strides = array<i32>} : memref<64x512xf32, #tpu.memory_space<vmem>>, vector<16xf32>,
      tpu.vector_store %arg9[%swap3A_1046, %swap3A_1047], %add3A_1036 {strides = array<i32>} : memref<64x512xf32, #tpu.memory_space<vmem>>, vector<16xf32>,
      %add3A_1049 = arith.constant 15 : i32
      %add3A_1050 = vector.broadcast %add3A_1049 : i32 to vector<16xi32>
      %add3A_1051 = arith.addi %mul3A_26, %add3A_1050 : vector<16xi32>
      %gather3A_1052 = tpu.vector_load_idx %arg8[%add3A_1051] : memref<10032xf32, #tpu.memory_space<vmem>>[vector<16xi32>], vector<16xf32>,
      %add3A_1053 = arith.constant 15 : i32
      %add3A_1054 = vector.broadcast %add3A_1053 : i32 to vector<16xi32>
      %add3A_1055 = arith.addi %mul3A_38, %add3A_1054 : vector<16xi32>
      %gather3A_1056 = tpu.vector_load_idx %arg8[%add3A_1055] : memref<10032xf32, #tpu.memory_space<vmem>>[vector<16xi32>], vector<16xf32>,
      %add3A_1057 = arith.constant 15 : i32
      %add3A_1058 = vector.broadcast %add3A_1057 : i32 to vector<16xi32>
      %add3A_1059 = arith.addi %mul3A_50, %add3A_1058 : vector<16xi32>
      %gather3A_1060 = tpu.vector_load_idx %arg8[%add3A_1059] : memref<10032xf32, #tpu.memory_space<vmem>>[vector<16xi32>], vector<16xf32>,
      %add3A_1061 = arith.constant 15 : i32
      %add3A_1062 = vector.broadcast %add3A_1061 : i32 to vector<16xi32>
      %add3A_1063 = arith.addi %mul3A_62, %add3A_1062 : vector<16xi32>
      %gather3A_1064 = tpu.vector_load_idx %arg8[%add3A_1063] : memref<10032xf32, #tpu.memory_space<vmem>>[vector<16xi32>], vector<16xf32>,
      %add3A_1065 = arith.constant 15 : i32
      %add3A_1066 = vector.broadcast %add3A_1065 : i32 to vector<16xi32>
      %add3A_1067 = arith.addi %mul3A_74, %add3A_1066 : vector<16xi32>
      %gather3A_1068 = tpu.vector_load_idx %arg8[%add3A_1067] : memref<10032xf32, #tpu.memory_space<vmem>>[vector<16xi32>], vector<16xf32>,
      %add3A_1069 = arith.addf %gather3A_1052, %gather3A_1056 : vector<16xf32>
      %add3A_1070 = arith.addf %gather3A_1060, %gather3A_1064 : vector<16xf32>
      %add3A_1071 = arith.addf %add3A_1069, %add3A_1070 : vector<16xf32>
      %add3A_1072 = arith.addf %add3A_1071, %gather3A_1068 : vector<16xf32>
      %add3A_1073 = arith.constant 15 : i32
      %add3A_1074 = vector.broadcast %add3A_1073 : i32 to vector<16xi32>
      %add3A_1075 = arith.addi %add3A_89, %add3A_1074 : vector<16xi32>
      %gather3A_1076 = tpu.vector_load_idx %arg8[%add3A_1075] : memref<10032xf32, #tpu.memory_space<vmem>>[vector<16xi32>], vector<16xf32>,
      %add3A_1077 = arith.constant 15 : i32
      %add3A_1078 = vector.broadcast %add3A_1077 : i32 to vector<16xi32>
      %add3A_1079 = arith.addi %add3A_104, %add3A_1078 : vector<16xi32>
      %gather3A_1080 = tpu.vector_load_idx %arg8[%add3A_1079] : memref<10032xf32, #tpu.memory_space<vmem>>[vector<16xi32>], vector<16xf32>,
      %add3A_1081 = arith.constant 15 : i32
      %add3A_1082 = vector.broadcast %add3A_1081 : i32 to vector<16xi32>
      %add3A_1083 = arith.addi %add3A_119, %add3A_1082 : vector<16xi32>
      %gather3A_1084 = tpu.vector_load_idx %arg8[%add3A_1083] : memref<10032xf32, #tpu.memory_space<vmem>>[vector<16xi32>], vector<16xf32>,
      %add3A_1085 = arith.constant 15 : i32
      %add3A_1086 = vector.broadcast %add3A_1085 : i32 to vector<16xi32>
      %add3A_1087 = arith.addi %add3A_134, %add3A_1086 : vector<16xi32>
      %gather3A_1088 = tpu.vector_load_idx %arg8[%add3A_1087] : memref<10032xf32, #tpu.memory_space<vmem>>[vector<16xi32>], vector<16xf32>,
      %add3A_1089 = arith.constant 15 : i32
      %add3A_1090 = vector.broadcast %add3A_1089 : i32 to vector<16xi32>
      %add3A_1091 = arith.addi %add3A_149, %add3A_1090 : vector<16xi32>
      %gather3A_1092 = tpu.vector_load_idx %arg8[%add3A_1091] : memref<10032xf32, #tpu.memory_space<vmem>>[vector<16xi32>], vector<16xf32>,
      %add3A_1093 = arith.addf %gather3A_1076, %gather3A_1080 : vector<16xf32>
      %add3A_1094 = arith.addf %gather3A_1084, %gather3A_1088 : vector<16xf32>
      %add3A_1095 = arith.addf %add3A_1093, %add3A_1094 : vector<16xf32>
      %add3A_1096 = arith.addf %add3A_1095, %gather3A_1092 : vector<16xf32>
      %mul3A_1097 = arith.constant 16 : i32
      %mul3A_1098 = arith.muli %scan3A_15, %mul3A_1097 : i32
      %swap3A_1099 = arith.constant 15 : i32
      %swap3A_1100 = arith.index_cast %swap3A_1099 : i32 to index
      %swap3A_1101 = arith.index_cast %mul3A_1098 : i32 to index
      %swap3A_1102 = tpu.vector_load %arg9[%swap3A_1100, %swap3A_1101] {strides = array<i32>} : memref<64x512xf32, #tpu.memory_space<vmem>>, vector<16xf32>,
      tpu.vector_store %arg9[%swap3A_1100, %swap3A_1101], %add3A_1072 {strides = array<i32>} : memref<64x512xf32, #tpu.memory_space<vmem>>, vector<16xf32>,
      %mul3A_1103 = arith.constant 16 : i32
      %mul3A_1104 = arith.muli %scan3A_15, %mul3A_1103 : i32
      %swap3A_1105 = arith.constant 47 : i32
      %swap3A_1106 = arith.index_cast %swap3A_1105 : i32 to index
      %swap3A_1107 = arith.index_cast %mul3A_1104 : i32 to index
      %swap3A_1108 = tpu.vector_load %arg9[%swap3A_1106, %swap3A_1107] {strides = array<i32>} : memref<64x512xf32, #tpu.memory_space<vmem>>, vector<16xf32>,
      tpu.vector_store %arg9[%swap3A_1106, %swap3A_1107], %add3A_1096 {strides = array<i32>} : memref<64x512xf32, #tpu.memory_space<vmem>>, vector<16xf32>,
      %add3A_1109 = arith.constant 16 : i32
      %add3A_1110 = vector.broadcast %add3A_1109 : i32 to vector<16xi32>
      %add3A_1111 = arith.addi %mul3A_26, %add3A_1110 : vector<16xi32>
      %gather3A_1112 = tpu.vector_load_idx %arg8[%add3A_1111] : memref<10032xf32, #tpu.memory_space<vmem>>[vector<16xi32>], vector<16xf32>,
      %add3A_1113 = arith.constant 16 : i32
      %add3A_1114 = vector.broadcast %add3A_1113 : i32 to vector<16xi32>
      %add3A_1115 = arith.addi %mul3A_38, %add3A_1114 : vector<16xi32>
      %gather3A_1116 = tpu.vector_load_idx %arg8[%add3A_1115] : memref<10032xf32, #tpu.memory_space<vmem>>[vector<16xi32>], vector<16xf32>,
      %add3A_1117 = arith.constant 16 : i32
      %add3A_1118 = vector.broadcast %add3A_1117 : i32 to vector<16xi32>
      %add3A_1119 = arith.addi %mul3A_50, %add3A_1118 : vector<16xi32>
      %gather3A_1120 = tpu.vector_load_idx %arg8[%add3A_1119] : memref<10032xf32, #tpu.memory_space<vmem>>[vector<16xi32>], vector<16xf32>,
      %add3A_1121 = arith.constant 16 : i32
      %add3A_1122 = vector.broadcast %add3A_1121 : i32 to vector<16xi32>
      %add3A_1123 = arith.addi %mul3A_62, %add3A_1122 : vector<16xi32>
      %gather3A_1124 = tpu.vector_load_idx %arg8[%add3A_1123] : memref<10032xf32, #tpu.memory_space<vmem>>[vector<16xi32>], vector<16xf32>,
      %add3A_1125 = arith.constant 16 : i32
      %add3A_1126 = vector.broadcast %add3A_1125 : i32 to vector<16xi32>
      %add3A_1127 = arith.addi %mul3A_74, %add3A_1126 : vector<16xi32>
      %gather3A_1128 = tpu.vector_load_idx %arg8[%add3A_1127] : memref<10032xf32, #tpu.memory_space<vmem>>[vector<16xi32>], vector<16xf32>,
      %add3A_1129 = arith.addf %gather3A_1112, %gather3A_1116 : vector<16xf32>
      %add3A_1130 = arith.addf %gather3A_1120, %gather3A_1124 : vector<16xf32>
      %add3A_1131 = arith.addf %add3A_1129, %add3A_1130 : vector<16xf32>
      %add3A_1132 = arith.addf %add3A_1131, %gather3A_1128 : vector<16xf32>
      %add3A_1133 = arith.constant 16 : i32
      %add3A_1134 = vector.broadcast %add3A_1133 : i32 to vector<16xi32>
      %add3A_1135 = arith.addi %add3A_89, %add3A_1134 : vector<16xi32>
      %gather3A_1136 = tpu.vector_load_idx %arg8[%add3A_1135] : memref<10032xf32, #tpu.memory_space<vmem>>[vector<16xi32>], vector<16xf32>,
      %add3A_1137 = arith.constant 16 : i32
      %add3A_1138 = vector.broadcast %add3A_1137 : i32 to vector<16xi32>
      %add3A_1139 = arith.addi %add3A_104, %add3A_1138 : vector<16xi32>
      %gather3A_1140 = tpu.vector_load_idx %arg8[%add3A_1139] : memref<10032xf32, #tpu.memory_space<vmem>>[vector<16xi32>], vector<16xf32>,
      %add3A_1141 = arith.constant 16 : i32
      %add3A_1142 = vector.broadcast %add3A_1141 : i32 to vector<16xi32>
      %add3A_1143 = arith.addi %add3A_119, %add3A_1142 : vector<16xi32>
      %gather3A_1144 = tpu.vector_load_idx %arg8[%add3A_1143] : memref<10032xf32, #tpu.memory_space<vmem>>[vector<16xi32>], vector<16xf32>,
      %add3A_1145 = arith.constant 16 : i32
      %add3A_1146 = vector.broadcast %add3A_1145 : i32 to vector<16xi32>
      %add3A_1147 = arith.addi %add3A_134, %add3A_1146 : vector<16xi32>
      %gather3A_1148 = tpu.vector_load_idx %arg8[%add3A_1147] : memref<10032xf32, #tpu.memory_space<vmem>>[vector<16xi32>], vector<16xf32>,
      %add3A_1149 = arith.constant 16 : i32
      %add3A_1150 = vector.broadcast %add3A_1149 : i32 to vector<16xi32>
      %add3A_1151 = arith.addi %add3A_149, %add3A_1150 : vector<16xi32>
      %gather3A_1152 = tpu.vector_load_idx %arg8[%add3A_1151] : memref<10032xf32, #tpu.memory_space<vmem>>[vector<16xi32>], vector<16xf32>,
      %add3A_1153 = arith.addf %gather3A_1136, %gather3A_1140 : vector<16xf32>
      %add3A_1154 = arith.addf %gather3A_1144, %gather3A_1148 : vector<16xf32>
      %add3A_1155 = arith.addf %add3A_1153, %add3A_1154 : vector<16xf32>
      %add3A_1156 = arith.addf %add3A_1155, %gather3A_1152 : vector<16xf32>
      %mul3A_1157 = arith.constant 16 : i32
      %mul3A_1158 = arith.muli %scan3A_15, %mul3A_1157 : i32
      %swap3A_1159 = arith.constant 16 : i32
      %swap3A_1160 = arith.index_cast %swap3A_1159 : i32 to index
      %swap3A_1161 = arith.index_cast %mul3A_1158 : i32 to index
      %swap3A_1162 = tpu.vector_load %arg9[%swap3A_1160, %swap3A_1161] {strides = array<i32>} : memref<64x512xf32, #tpu.memory_space<vmem>>, vector<16xf32>,
      tpu.vector_store %arg9[%swap3A_1160, %swap3A_1161], %add3A_1132 {strides = array<i32>} : memref<64x512xf32, #tpu.memory_space<vmem>>, vector<16xf32>,
      %mul3A_1163 = arith.constant 16 : i32
      %mul3A_1164 = arith.muli %scan3A_15, %mul3A_1163 : i32
      %swap3A_1165 = arith.constant 48 : i32
      %swap3A_1166 = arith.index_cast %swap3A_1165 : i32 to index
      %swap3A_1167 = arith.index_cast %mul3A_1164 : i32 to index
      %swap3A_1168 = tpu.vector_load %arg9[%swap3A_1166, %swap3A_1167] {strides = array<i32>} : memref<64x512xf32, #tpu.memory_space<vmem>>, vector<16xf32>,
      tpu.vector_store %arg9[%swap3A_1166, %swap3A_1167], %add3A_1156 {strides = array<i32>} : memref<64x512xf32, #tpu.memory_space<vmem>>, vector<16xf32>,
      %add3A_1169 = arith.constant 17 : i32
      %add3A_1170 = vector.broadcast %add3A_1169 : i32 to vector<16xi32>
      %add3A_1171 = arith.addi %mul3A_26, %add3A_1170 : vector<16xi32>
      %gather3A_1172 = tpu.vector_load_idx %arg8[%add3A_1171] : memref<10032xf32, #tpu.memory_space<vmem>>[vector<16xi32>], vector<16xf32>,
      %add3A_1173 = arith.constant 17 : i32
      %add3A_1174 = vector.broadcast %add3A_1173 : i32 to vector<16xi32>
      %add3A_1175 = arith.addi %mul3A_38, %add3A_1174 : vector<16xi32>
      %gather3A_1176 = tpu.vector_load_idx %arg8[%add3A_1175] : memref<10032xf32, #tpu.memory_space<vmem>>[vector<16xi32>], vector<16xf32>,
      %add3A_1177 = arith.constant 17 : i32
      %add3A_1178 = vector.broadcast %add3A_1177 : i32 to vector<16xi32>
      %add3A_1179 = arith.addi %mul3A_50, %add3A_1178 : vector<16xi32>
      %gather3A_1180 = tpu.vector_load_idx %arg8[%add3A_1179] : memref<10032xf32, #tpu.memory_space<vmem>>[vector<16xi32>], vector<16xf32>,
      %add3A_1181 = arith.constant 17 : i32
      %add3A_1182 = vector.broadcast %add3A_1181 : i32 to vector<16xi32>
      %add3A_1183 = arith.addi %mul3A_62, %add3A_1182 : vector<16xi32>
      %gather3A_1184 = tpu.vector_load_idx %arg8[%add3A_1183] : memref<10032xf32, #tpu.memory_space<vmem>>[vector<16xi32>], vector<16xf32>,
      %add3A_1185 = arith.constant 17 : i32
      %add3A_1186 = vector.broadcast %add3A_1185 : i32 to vector<16xi32>
      %add3A_1187 = arith.addi %mul3A_74, %add3A_1186 : vector<16xi32>
      %gather3A_1188 = tpu.vector_load_idx %arg8[%add3A_1187] : memref<10032xf32, #tpu.memory_space<vmem>>[vector<16xi32>], vector<16xf32>,
      %add3A_1189 = arith.addf %gather3A_1172, %gather3A_1176 : vector<16xf32>
      %add3A_1190 = arith.addf %gather3A_1180, %gather3A_1184 : vector<16xf32>
      %add3A_1191 = arith.addf %add3A_1189, %add3A_1190 : vector<16xf32>
      %add3A_1192 = arith.addf %add3A_1191, %gather3A_1188 : vector<16xf32>
      %add3A_1193 = arith.constant 17 : i32
      %add3A_1194 = vector.broadcast %add3A_1193 : i32 to vector<16xi32>
      %add3A_1195 = arith.addi %add3A_89, %add3A_1194 : vector<16xi32>
      %gather3A_1196 = tpu.vector_load_idx %arg8[%add3A_1195] : memref<10032xf32, #tpu.memory_space<vmem>>[vector<16xi32>], vector<16xf32>,
      %add3A_1197 = arith.constant 17 : i32
      %add3A_1198 = vector.broadcast %add3A_1197 : i32 to vector<16xi32>
      %add3A_1199 = arith.addi %add3A_104, %add3A_1198 : vector<16xi32>
      %gather3A_1200 = tpu.vector_load_idx %arg8[%add3A_1199] : memref<10032xf32, #tpu.memory_space<vmem>>[vector<16xi32>], vector<16xf32>,
      %add3A_1201 = arith.constant 17 : i32
      %add3A_1202 = vector.broadcast %add3A_1201 : i32 to vector<16xi32>
      %add3A_1203 = arith.addi %add3A_119, %add3A_1202 : vector<16xi32>
      %gather3A_1204 = tpu.vector_load_idx %arg8[%add3A_1203] : memref<10032xf32, #tpu.memory_space<vmem>>[vector<16xi32>], vector<16xf32>,
      %add3A_1205 = arith.constant 17 : i32
      %add3A_1206 = vector.broadcast %add3A_1205 : i32 to vector<16xi32>
      %add3A_1207 = arith.addi %add3A_134, %add3A_1206 : vector<16xi32>
      %gather3A_1208 = tpu.vector_load_idx %arg8[%add3A_1207] : memref<10032xf32, #tpu.memory_space<vmem>>[vector<16xi32>], vector<16xf32>,
      %add3A_1209 = arith.constant 17 : i32
      %add3A_1210 = vector.broadcast %add3A_1209 : i32 to vector<16xi32>
      %add3A_1211 = arith.addi %add3A_149, %add3A_1210 : vector<16xi32>
      %gather3A_1212 = tpu.vector_load_idx %arg8[%add3A_1211] : memref<10032xf32, #tpu.memory_space<vmem>>[vector<16xi32>], vector<16xf32>,
      %add3A_1213 = arith.addf %gather3A_1196, %gather3A_1200 : vector<16xf32>
      %add3A_1214 = arith.addf %gather3A_1204, %gather3A_1208 : vector<16xf32>
      %add3A_1215 = arith.addf %add3A_1213, %add3A_1214 : vector<16xf32>
      %add3A_1216 = arith.addf %add3A_1215, %gather3A_1212 : vector<16xf32>
      %mul3A_1217 = arith.constant 16 : i32
      %mul3A_1218 = arith.muli %scan3A_15, %mul3A_1217 : i32
      %swap3A_1219 = arith.constant 17 : i32
      %swap3A_1220 = arith.index_cast %swap3A_1219 : i32 to index
      %swap3A_1221 = arith.index_cast %mul3A_1218 : i32 to index
      %swap3A_1222 = tpu.vector_load %arg9[%swap3A_1220, %swap3A_1221] {strides = array<i32>} : memref<64x512xf32, #tpu.memory_space<vmem>>, vector<16xf32>,
      tpu.vector_store %arg9[%swap3A_1220, %swap3A_1221], %add3A_1192 {strides = array<i32>} : memref<64x512xf32, #tpu.memory_space<vmem>>, vector<16xf32>,
      %mul3A_1223 = arith.constant 16 : i32
      %mul3A_1224 = arith.muli %scan3A_15, %mul3A_1223 : i32
      %swap3A_1225 = arith.constant 49 : i32
      %swap3A_1226 = arith.index_cast %swap3A_1225 : i32 to index
      %swap3A_1227 = arith.index_cast %mul3A_1224 : i32 to index
      %swap3A_1228 = tpu.vector_load %arg9[%swap3A_1226, %swap3A_1227] {strides = array<i32>} : memref<64x512xf32, #tpu.memory_space<vmem>>, vector<16xf32>,
      tpu.vector_store %arg9[%swap3A_1226, %swap3A_1227], %add3A_1216 {strides = array<i32>} : memref<64x512xf32, #tpu.memory_space<vmem>>, vector<16xf32>,
      %add3A_1229 = arith.constant 18 : i32
      %add3A_1230 = vector.broadcast %add3A_1229 : i32 to vector<16xi32>
      %add3A_1231 = arith.addi %mul3A_26, %add3A_1230 : vector<16xi32>
      %gather3A_1232 = tpu.vector_load_idx %arg8[%add3A_1231] : memref<10032xf32, #tpu.memory_space<vmem>>[vector<16xi32>], vector<16xf32>,
      %add3A_1233 = arith.constant 18 : i32
      %add3A_1234 = vector.broadcast %add3A_1233 : i32 to vector<16xi32>
      %add3A_1235 = arith.addi %mul3A_38, %add3A_1234 : vector<16xi32>
      %gather3A_1236 = tpu.vector_load_idx %arg8[%add3A_1235] : memref<10032xf32, #tpu.memory_space<vmem>>[vector<16xi32>], vector<16xf32>,
      %add3A_1237 = arith.constant 18 : i32
      %add3A_1238 = vector.broadcast %add3A_1237 : i32 to vector<16xi32>
      %add3A_1239 = arith.addi %mul3A_50, %add3A_1238 : vector<16xi32>
      %gather3A_1240 = tpu.vector_load_idx %arg8[%add3A_1239] : memref<10032xf32, #tpu.memory_space<vmem>>[vector<16xi32>], vector<16xf32>,
      %add3A_1241 = arith.constant 18 : i32
      %add3A_1242 = vector.broadcast %add3A_1241 : i32 to vector<16xi32>
      %add3A_1243 = arith.addi %mul3A_62, %add3A_1242 : vector<16xi32>
      %gather3A_1244 = tpu.vector_load_idx %arg8[%add3A_1243] : memref<10032xf32, #tpu.memory_space<vmem>>[vector<16xi32>], vector<16xf32>,
      %add3A_1245 = arith.constant 18 : i32
      %add3A_1246 = vector.broadcast %add3A_1245 : i32 to vector<16xi32>
      %add3A_1247 = arith.addi %mul3A_74, %add3A_1246 : vector<16xi32>
      %gather3A_1248 = tpu.vector_load_idx %arg8[%add3A_1247] : memref<10032xf32, #tpu.memory_space<vmem>>[vector<16xi32>], vector<16xf32>,
      %add3A_1249 = arith.addf %gather3A_1232, %gather3A_1236 : vector<16xf32>
      %add3A_1250 = arith.addf %gather3A_1240, %gather3A_1244 : vector<16xf32>
      %add3A_1251 = arith.addf %add3A_1249, %add3A_1250 : vector<16xf32>
      %add3A_1252 = arith.addf %add3A_1251, %gather3A_1248 : vector<16xf32>
      %add3A_1253 = arith.constant 18 : i32
      %add3A_1254 = vector.broadcast %add3A_1253 : i32 to vector<16xi32>
      %add3A_1255 = arith.addi %add3A_89, %add3A_1254 : vector<16xi32>
      %gather3A_1256 = tpu.vector_load_idx %arg8[%add3A_1255] : memref<10032xf32, #tpu.memory_space<vmem>>[vector<16xi32>], vector<16xf32>,
      %add3A_1257 = arith.constant 18 : i32
      %add3A_1258 = vector.broadcast %add3A_1257 : i32 to vector<16xi32>
      %add3A_1259 = arith.addi %add3A_104, %add3A_1258 : vector<16xi32>
      %gather3A_1260 = tpu.vector_load_idx %arg8[%add3A_1259] : memref<10032xf32, #tpu.memory_space<vmem>>[vector<16xi32>], vector<16xf32>,
      %add3A_1261 = arith.constant 18 : i32
      %add3A_1262 = vector.broadcast %add3A_1261 : i32 to vector<16xi32>
      %add3A_1263 = arith.addi %add3A_119, %add3A_1262 : vector<16xi32>
      %gather3A_1264 = tpu.vector_load_idx %arg8[%add3A_1263] : memref<10032xf32, #tpu.memory_space<vmem>>[vector<16xi32>], vector<16xf32>,
      %add3A_1265 = arith.constant 18 : i32
      %add3A_1266 = vector.broadcast %add3A_1265 : i32 to vector<16xi32>
      %add3A_1267 = arith.addi %add3A_134, %add3A_1266 : vector<16xi32>
      %gather3A_1268 = tpu.vector_load_idx %arg8[%add3A_1267] : memref<10032xf32, #tpu.memory_space<vmem>>[vector<16xi32>], vector<16xf32>,
      %add3A_1269 = arith.constant 18 : i32
      %add3A_1270 = vector.broadcast %add3A_1269 : i32 to vector<16xi32>
      %add3A_1271 = arith.addi %add3A_149, %add3A_1270 : vector<16xi32>
      %gather3A_1272 = tpu.vector_load_idx %arg8[%add3A_1271] : memref<10032xf32, #tpu.memory_space<vmem>>[vector<16xi32>], vector<16xf32>,
      %add3A_1273 = arith.addf %gather3A_1256, %gather3A_1260 : vector<16xf32>
      %add3A_1274 = arith.addf %gather3A_1264, %gather3A_1268 : vector<16xf32>
      %add3A_1275 = arith.addf %add3A_1273, %add3A_1274 : vector<16xf32>
      %add3A_1276 = arith.addf %add3A_1275, %gather3A_1272 : vector<16xf32>
      %mul3A_1277 = arith.constant 16 : i32
      %mul3A_1278 = arith.muli %scan3A_15, %mul3A_1277 : i32
      %swap3A_1279 = arith.constant 18 : i32
      %swap3A_1280 = arith.index_cast %swap3A_1279 : i32 to index
      %swap3A_1281 = arith.index_cast %mul3A_1278 : i32 to index
      %swap3A_1282 = tpu.vector_load %arg9[%swap3A_1280, %swap3A_1281] {strides = array<i32>} : memref<64x512xf32, #tpu.memory_space<vmem>>, vector<16xf32>,
      tpu.vector_store %arg9[%swap3A_1280, %swap3A_1281], %add3A_1252 {strides = array<i32>} : memref<64x512xf32, #tpu.memory_space<vmem>>, vector<16xf32>,
      %mul3A_1283 = arith.constant 16 : i32
      %mul3A_1284 = arith.muli %scan3A_15, %mul3A_1283 : i32
      %swap3A_1285 = arith.constant 50 : i32
      %swap3A_1286 = arith.index_cast %swap3A_1285 : i32 to index
      %swap3A_1287 = arith.index_cast %mul3A_1284 : i32 to index
      %swap3A_1288 = tpu.vector_load %arg9[%swap3A_1286, %swap3A_1287] {strides = array<i32>} : memref<64x512xf32, #tpu.memory_space<vmem>>, vector<16xf32>,
      tpu.vector_store %arg9[%swap3A_1286, %swap3A_1287], %add3A_1276 {strides = array<i32>} : memref<64x512xf32, #tpu.memory_space<vmem>>, vector<16xf32>,
      %add3A_1289 = arith.constant 19 : i32
      %add3A_1290 = vector.broadcast %add3A_1289 : i32 to vector<16xi32>
      %add3A_1291 = arith.addi %mul3A_26, %add3A_1290 : vector<16xi32>
      %gather3A_1292 = tpu.vector_load_idx %arg8[%add3A_1291] : memref<10032xf32, #tpu.memory_space<vmem>>[vector<16xi32>], vector<16xf32>,
      %add3A_1293 = arith.constant 19 : i32
      %add3A_1294 = vector.broadcast %add3A_1293 : i32 to vector<16xi32>
      %add3A_1295 = arith.addi %mul3A_38, %add3A_1294 : vector<16xi32>
      %gather3A_1296 = tpu.vector_load_idx %arg8[%add3A_1295] : memref<10032xf32, #tpu.memory_space<vmem>>[vector<16xi32>], vector<16xf32>,
      %add3A_1297 = arith.constant 19 : i32
      %add3A_1298 = vector.broadcast %add3A_1297 : i32 to vector<16xi32>
      %add3A_1299 = arith.addi %mul3A_50, %add3A_1298 : vector<16xi32>
      %gather3A_1300 = tpu.vector_load_idx %arg8[%add3A_1299] : memref<10032xf32, #tpu.memory_space<vmem>>[vector<16xi32>], vector<16xf32>,
      %add3A_1301 = arith.constant 19 : i32
      %add3A_1302 = vector.broadcast %add3A_1301 : i32 to vector<16xi32>
      %add3A_1303 = arith.addi %mul3A_62, %add3A_1302 : vector<16xi32>
      %gather3A_1304 = tpu.vector_load_idx %arg8[%add3A_1303] : memref<10032xf32, #tpu.memory_space<vmem>>[vector<16xi32>], vector<16xf32>,
      %add3A_1305 = arith.constant 19 : i32
      %add3A_1306 = vector.broadcast %add3A_1305 : i32 to vector<16xi32>
      %add3A_1307 = arith.addi %mul3A_74, %add3A_1306 : vector<16xi32>
      %gather3A_1308 = tpu.vector_load_idx %arg8[%add3A_1307] : memref<10032xf32, #tpu.memory_space<vmem>>[vector<16xi32>], vector<16xf32>,
      %add3A_1309 = arith.addf %gather3A_1292, %gather3A_1296 : vector<16xf32>
      %add3A_1310 = arith.addf %gather3A_1300, %gather3A_1304 : vector<16xf32>
      %add3A_1311 = arith.addf %add3A_1309, %add3A_1310 : vector<16xf32>
      %add3A_1312 = arith.addf %add3A_1311, %gather3A_1308 : vector<16xf32>
      %add3A_1313 = arith.constant 19 : i32
      %add3A_1314 = vector.broadcast %add3A_1313 : i32 to vector<16xi32>
      %add3A_1315 = arith.addi %add3A_89, %add3A_1314 : vector<16xi32>
      %gather3A_1316 = tpu.vector_load_idx %arg8[%add3A_1315] : memref<10032xf32, #tpu.memory_space<vmem>>[vector<16xi32>], vector<16xf32>,
      %add3A_1317 = arith.constant 19 : i32
      %add3A_1318 = vector.broadcast %add3A_1317 : i32 to vector<16xi32>
      %add3A_1319 = arith.addi %add3A_104, %add3A_1318 : vector<16xi32>
      %gather3A_1320 = tpu.vector_load_idx %arg8[%add3A_1319] : memref<10032xf32, #tpu.memory_space<vmem>>[vector<16xi32>], vector<16xf32>,
      %add3A_1321 = arith.constant 19 : i32
      %add3A_1322 = vector.broadcast %add3A_1321 : i32 to vector<16xi32>
      %add3A_1323 = arith.addi %add3A_119, %add3A_1322 : vector<16xi32>
      %gather3A_1324 = tpu.vector_load_idx %arg8[%add3A_1323] : memref<10032xf32, #tpu.memory_space<vmem>>[vector<16xi32>], vector<16xf32>,
      %add3A_1325 = arith.constant 19 : i32
      %add3A_1326 = vector.broadcast %add3A_1325 : i32 to vector<16xi32>
      %add3A_1327 = arith.addi %add3A_134, %add3A_1326 : vector<16xi32>
      %gather3A_1328 = tpu.vector_load_idx %arg8[%add3A_1327] : memref<10032xf32, #tpu.memory_space<vmem>>[vector<16xi32>], vector<16xf32>,
      %add3A_1329 = arith.constant 19 : i32
      %add3A_1330 = vector.broadcast %add3A_1329 : i32 to vector<16xi32>
      %add3A_1331 = arith.addi %add3A_149, %add3A_1330 : vector<16xi32>
      %gather3A_1332 = tpu.vector_load_idx %arg8[%add3A_1331] : memref<10032xf32, #tpu.memory_space<vmem>>[vector<16xi32>], vector<16xf32>,
      %add3A_1333 = arith.addf %gather3A_1316, %gather3A_1320 : vector<16xf32>
      %add3A_1334 = arith.addf %gather3A_1324, %gather3A_1328 : vector<16xf32>
      %add3A_1335 = arith.addf %add3A_1333, %add3A_1334 : vector<16xf32>
      %add3A_1336 = arith.addf %add3A_1335, %gather3A_1332 : vector<16xf32>
      %mul3A_1337 = arith.constant 16 : i32
      %mul3A_1338 = arith.muli %scan3A_15, %mul3A_1337 : i32
      %swap3A_1339 = arith.constant 19 : i32
      %swap3A_1340 = arith.index_cast %swap3A_1339 : i32 to index
      %swap3A_1341 = arith.index_cast %mul3A_1338 : i32 to index
      %swap3A_1342 = tpu.vector_load %arg9[%swap3A_1340, %swap3A_1341] {strides = array<i32>} : memref<64x512xf32, #tpu.memory_space<vmem>>, vector<16xf32>,
      tpu.vector_store %arg9[%swap3A_1340, %swap3A_1341], %add3A_1312 {strides = array<i32>} : memref<64x512xf32, #tpu.memory_space<vmem>>, vector<16xf32>,
      %mul3A_1343 = arith.constant 16 : i32
      %mul3A_1344 = arith.muli %scan3A_15, %mul3A_1343 : i32
      %swap3A_1345 = arith.constant 51 : i32
      %swap3A_1346 = arith.index_cast %swap3A_1345 : i32 to index
      %swap3A_1347 = arith.index_cast %mul3A_1344 : i32 to index
      %swap3A_1348 = tpu.vector_load %arg9[%swap3A_1346, %swap3A_1347] {strides = array<i32>} : memref<64x512xf32, #tpu.memory_space<vmem>>, vector<16xf32>,
      tpu.vector_store %arg9[%swap3A_1346, %swap3A_1347], %add3A_1336 {strides = array<i32>} : memref<64x512xf32, #tpu.memory_space<vmem>>, vector<16xf32>,
      %add3A_1349 = arith.constant 20 : i32
      %add3A_1350 = vector.broadcast %add3A_1349 : i32 to vector<16xi32>
      %add3A_1351 = arith.addi %mul3A_26, %add3A_1350 : vector<16xi32>
      %gather3A_1352 = tpu.vector_load_idx %arg8[%add3A_1351] : memref<10032xf32, #tpu.memory_space<vmem>>[vector<16xi32>], vector<16xf32>,
      %add3A_1353 = arith.constant 20 : i32
      %add3A_1354 = vector.broadcast %add3A_1353 : i32 to vector<16xi32>
      %add3A_1355 = arith.addi %mul3A_38, %add3A_1354 : vector<16xi32>
      %gather3A_1356 = tpu.vector_load_idx %arg8[%add3A_1355] : memref<10032xf32, #tpu.memory_space<vmem>>[vector<16xi32>], vector<16xf32>,
      %add3A_1357 = arith.constant 20 : i32
      %add3A_1358 = vector.broadcast %add3A_1357 : i32 to vector<16xi32>
      %add3A_1359 = arith.addi %mul3A_50, %add3A_1358 : vector<16xi32>
      %gather3A_1360 = tpu.vector_load_idx %arg8[%add3A_1359] : memref<10032xf32, #tpu.memory_space<vmem>>[vector<16xi32>], vector<16xf32>,
      %add3A_1361 = arith.constant 20 : i32
      %add3A_1362 = vector.broadcast %add3A_1361 : i32 to vector<16xi32>
      %add3A_1363 = arith.addi %mul3A_62, %add3A_1362 : vector<16xi32>
      %gather3A_1364 = tpu.vector_load_idx %arg8[%add3A_1363] : memref<10032xf32, #tpu.memory_space<vmem>>[vector<16xi32>], vector<16xf32>,
      %add3A_1365 = arith.constant 20 : i32
      %add3A_1366 = vector.broadcast %add3A_1365 : i32 to vector<16xi32>
      %add3A_1367 = arith.addi %mul3A_74, %add3A_1366 : vector<16xi32>
      %gather3A_1368 = tpu.vector_load_idx %arg8[%add3A_1367] : memref<10032xf32, #tpu.memory_space<vmem>>[vector<16xi32>], vector<16xf32>,
      %add3A_1369 = arith.addf %gather3A_1352, %gather3A_1356 : vector<16xf32>
      %add3A_1370 = arith.addf %gather3A_1360, %gather3A_1364 : vector<16xf32>
      %add3A_1371 = arith.addf %add3A_1369, %add3A_1370 : vector<16xf32>
      %add3A_1372 = arith.addf %add3A_1371, %gather3A_1368 : vector<16xf32>
      %add3A_1373 = arith.constant 20 : i32
      %add3A_1374 = vector.broadcast %add3A_1373 : i32 to vector<16xi32>
      %add3A_1375 = arith.addi %add3A_89, %add3A_1374 : vector<16xi32>
      %gather3A_1376 = tpu.vector_load_idx %arg8[%add3A_1375] : memref<10032xf32, #tpu.memory_space<vmem>>[vector<16xi32>], vector<16xf32>,
      %add3A_1377 = arith.constant 20 : i32
      %add3A_1378 = vector.broadcast %add3A_1377 : i32 to vector<16xi32>
      %add3A_1379 = arith.addi %add3A_104, %add3A_1378 : vector<16xi32>
      %gather3A_1380 = tpu.vector_load_idx %arg8[%add3A_1379] : memref<10032xf32, #tpu.memory_space<vmem>>[vector<16xi32>], vector<16xf32>,
      %add3A_1381 = arith.constant 20 : i32
      %add3A_1382 = vector.broadcast %add3A_1381 : i32 to vector<16xi32>
      %add3A_1383 = arith.addi %add3A_119, %add3A_1382 : vector<16xi32>
      %gather3A_1384 = tpu.vector_load_idx %arg8[%add3A_1383] : memref<10032xf32, #tpu.memory_space<vmem>>[vector<16xi32>], vector<16xf32>,
      %add3A_1385 = arith.constant 20 : i32
      %add3A_1386 = vector.broadcast %add3A_1385 : i32 to vector<16xi32>
      %add3A_1387 = arith.addi %add3A_134, %add3A_1386 : vector<16xi32>
      %gather3A_1388 = tpu.vector_load_idx %arg8[%add3A_1387] : memref<10032xf32, #tpu.memory_space<vmem>>[vector<16xi32>], vector<16xf32>,
      %add3A_1389 = arith.constant 20 : i32
      %add3A_1390 = vector.broadcast %add3A_1389 : i32 to vector<16xi32>
      %add3A_1391 = arith.addi %add3A_149, %add3A_1390 : vector<16xi32>
      %gather3A_1392 = tpu.vector_load_idx %arg8[%add3A_1391] : memref<10032xf32, #tpu.memory_space<vmem>>[vector<16xi32>], vector<16xf32>,
      %add3A_1393 = arith.addf %gather3A_1376, %gather3A_1380 : vector<16xf32>
      %add3A_1394 = arith.addf %gather3A_1384, %gather3A_1388 : vector<16xf32>
      %add3A_1395 = arith.addf %add3A_1393, %add3A_1394 : vector<16xf32>
      %add3A_1396 = arith.addf %add3A_1395, %gather3A_1392 : vector<16xf32>
      %mul3A_1397 = arith.constant 16 : i32
      %mul3A_1398 = arith.muli %scan3A_15, %mul3A_1397 : i32
      %swap3A_1399 = arith.constant 20 : i32
      %swap3A_1400 = arith.index_cast %swap3A_1399 : i32 to index
      %swap3A_1401 = arith.index_cast %mul3A_1398 : i32 to index
      %swap3A_1402 = tpu.vector_load %arg9[%swap3A_1400, %swap3A_1401] {strides = array<i32>} : memref<64x512xf32, #tpu.memory_space<vmem>>, vector<16xf32>,
      tpu.vector_store %arg9[%swap3A_1400, %swap3A_1401], %add3A_1372 {strides = array<i32>} : memref<64x512xf32, #tpu.memory_space<vmem>>, vector<16xf32>,
      %mul3A_1403 = arith.constant 16 : i32
      %mul3A_1404 = arith.muli %scan3A_15, %mul3A_1403 : i32
      %swap3A_1405 = arith.constant 52 : i32
      %swap3A_1406 = arith.index_cast %swap3A_1405 : i32 to index
      %swap3A_1407 = arith.index_cast %mul3A_1404 : i32 to index
      %swap3A_1408 = tpu.vector_load %arg9[%swap3A_1406, %swap3A_1407] {strides = array<i32>} : memref<64x512xf32, #tpu.memory_space<vmem>>, vector<16xf32>,
      tpu.vector_store %arg9[%swap3A_1406, %swap3A_1407], %add3A_1396 {strides = array<i32>} : memref<64x512xf32, #tpu.memory_space<vmem>>, vector<16xf32>,
      %add3A_1409 = arith.constant 21 : i32
      %add3A_1410 = vector.broadcast %add3A_1409 : i32 to vector<16xi32>
      %add3A_1411 = arith.addi %mul3A_26, %add3A_1410 : vector<16xi32>
      %gather3A_1412 = tpu.vector_load_idx %arg8[%add3A_1411] : memref<10032xf32, #tpu.memory_space<vmem>>[vector<16xi32>], vector<16xf32>,
      %add3A_1413 = arith.constant 21 : i32
      %add3A_1414 = vector.broadcast %add3A_1413 : i32 to vector<16xi32>
      %add3A_1415 = arith.addi %mul3A_38, %add3A_1414 : vector<16xi32>
      %gather3A_1416 = tpu.vector_load_idx %arg8[%add3A_1415] : memref<10032xf32, #tpu.memory_space<vmem>>[vector<16xi32>], vector<16xf32>,
      %add3A_1417 = arith.constant 21 : i32
      %add3A_1418 = vector.broadcast %add3A_1417 : i32 to vector<16xi32>
      %add3A_1419 = arith.addi %mul3A_50, %add3A_1418 : vector<16xi32>
      %gather3A_1420 = tpu.vector_load_idx %arg8[%add3A_1419] : memref<10032xf32, #tpu.memory_space<vmem>>[vector<16xi32>], vector<16xf32>,
      %add3A_1421 = arith.constant 21 : i32
      %add3A_1422 = vector.broadcast %add3A_1421 : i32 to vector<16xi32>
      %add3A_1423 = arith.addi %mul3A_62, %add3A_1422 : vector<16xi32>
      %gather3A_1424 = tpu.vector_load_idx %arg8[%add3A_1423] : memref<10032xf32, #tpu.memory_space<vmem>>[vector<16xi32>], vector<16xf32>,
      %add3A_1425 = arith.constant 21 : i32
      %add3A_1426 = vector.broadcast %add3A_1425 : i32 to vector<16xi32>
      %add3A_1427 = arith.addi %mul3A_74, %add3A_1426 : vector<16xi32>
      %gather3A_1428 = tpu.vector_load_idx %arg8[%add3A_1427] : memref<10032xf32, #tpu.memory_space<vmem>>[vector<16xi32>], vector<16xf32>,
      %add3A_1429 = arith.addf %gather3A_1412, %gather3A_1416 : vector<16xf32>
      %add3A_1430 = arith.addf %gather3A_1420, %gather3A_1424 : vector<16xf32>
      %add3A_1431 = arith.addf %add3A_1429, %add3A_1430 : vector<16xf32>
      %add3A_1432 = arith.addf %add3A_1431, %gather3A_1428 : vector<16xf32>
      %add3A_1433 = arith.constant 21 : i32
      %add3A_1434 = vector.broadcast %add3A_1433 : i32 to vector<16xi32>
      %add3A_1435 = arith.addi %add3A_89, %add3A_1434 : vector<16xi32>
      %gather3A_1436 = tpu.vector_load_idx %arg8[%add3A_1435] : memref<10032xf32, #tpu.memory_space<vmem>>[vector<16xi32>], vector<16xf32>,
      %add3A_1437 = arith.constant 21 : i32
      %add3A_1438 = vector.broadcast %add3A_1437 : i32 to vector<16xi32>
      %add3A_1439 = arith.addi %add3A_104, %add3A_1438 : vector<16xi32>
      %gather3A_1440 = tpu.vector_load_idx %arg8[%add3A_1439] : memref<10032xf32, #tpu.memory_space<vmem>>[vector<16xi32>], vector<16xf32>,
      %add3A_1441 = arith.constant 21 : i32
      %add3A_1442 = vector.broadcast %add3A_1441 : i32 to vector<16xi32>
      %add3A_1443 = arith.addi %add3A_119, %add3A_1442 : vector<16xi32>
      %gather3A_1444 = tpu.vector_load_idx %arg8[%add3A_1443] : memref<10032xf32, #tpu.memory_space<vmem>>[vector<16xi32>], vector<16xf32>,
      %add3A_1445 = arith.constant 21 : i32
      %add3A_1446 = vector.broadcast %add3A_1445 : i32 to vector<16xi32>
      %add3A_1447 = arith.addi %add3A_134, %add3A_1446 : vector<16xi32>
      %gather3A_1448 = tpu.vector_load_idx %arg8[%add3A_1447] : memref<10032xf32, #tpu.memory_space<vmem>>[vector<16xi32>], vector<16xf32>,
      %add3A_1449 = arith.constant 21 : i32
      %add3A_1450 = vector.broadcast %add3A_1449 : i32 to vector<16xi32>
      %add3A_1451 = arith.addi %add3A_149, %add3A_1450 : vector<16xi32>
      %gather3A_1452 = tpu.vector_load_idx %arg8[%add3A_1451] : memref<10032xf32, #tpu.memory_space<vmem>>[vector<16xi32>], vector<16xf32>,
      %add3A_1453 = arith.addf %gather3A_1436, %gather3A_1440 : vector<16xf32>
      %add3A_1454 = arith.addf %gather3A_1444, %gather3A_1448 : vector<16xf32>
      %add3A_1455 = arith.addf %add3A_1453, %add3A_1454 : vector<16xf32>
      %add3A_1456 = arith.addf %add3A_1455, %gather3A_1452 : vector<16xf32>
      %mul3A_1457 = arith.constant 16 : i32
      %mul3A_1458 = arith.muli %scan3A_15, %mul3A_1457 : i32
      %swap3A_1459 = arith.constant 21 : i32
      %swap3A_1460 = arith.index_cast %swap3A_1459 : i32 to index
      %swap3A_1461 = arith.index_cast %mul3A_1458 : i32 to index
      %swap3A_1462 = tpu.vector_load %arg9[%swap3A_1460, %swap3A_1461] {strides = array<i32>} : memref<64x512xf32, #tpu.memory_space<vmem>>, vector<16xf32>,
      tpu.vector_store %arg9[%swap3A_1460, %swap3A_1461], %add3A_1432 {strides = array<i32>} : memref<64x512xf32, #tpu.memory_space<vmem>>, vector<16xf32>,
      %mul3A_1463 = arith.constant 16 : i32
      %mul3A_1464 = arith.muli %scan3A_15, %mul3A_1463 : i32
      %swap3A_1465 = arith.constant 53 : i32
      %swap3A_1466 = arith.index_cast %swap3A_1465 : i32 to index
      %swap3A_1467 = arith.index_cast %mul3A_1464 : i32 to index
      %swap3A_1468 = tpu.vector_load %arg9[%swap3A_1466, %swap3A_1467] {strides = array<i32>} : memref<64x512xf32, #tpu.memory_space<vmem>>, vector<16xf32>,
      tpu.vector_store %arg9[%swap3A_1466, %swap3A_1467], %add3A_1456 {strides = array<i32>} : memref<64x512xf32, #tpu.memory_space<vmem>>, vector<16xf32>,
      %add3A_1469 = arith.constant 22 : i32
      %add3A_1470 = vector.broadcast %add3A_1469 : i32 to vector<16xi32>
      %add3A_1471 = arith.addi %mul3A_26, %add3A_1470 : vector<16xi32>
      %gather3A_1472 = tpu.vector_load_idx %arg8[%add3A_1471] : memref<10032xf32, #tpu.memory_space<vmem>>[vector<16xi32>], vector<16xf32>,
      %add3A_1473 = arith.constant 22 : i32
      %add3A_1474 = vector.broadcast %add3A_1473 : i32 to vector<16xi32>
      %add3A_1475 = arith.addi %mul3A_38, %add3A_1474 : vector<16xi32>
      %gather3A_1476 = tpu.vector_load_idx %arg8[%add3A_1475] : memref<10032xf32, #tpu.memory_space<vmem>>[vector<16xi32>], vector<16xf32>,
      %add3A_1477 = arith.constant 22 : i32
      %add3A_1478 = vector.broadcast %add3A_1477 : i32 to vector<16xi32>
      %add3A_1479 = arith.addi %mul3A_50, %add3A_1478 : vector<16xi32>
      %gather3A_1480 = tpu.vector_load_idx %arg8[%add3A_1479] : memref<10032xf32, #tpu.memory_space<vmem>>[vector<16xi32>], vector<16xf32>,
      %add3A_1481 = arith.constant 22 : i32
      %add3A_1482 = vector.broadcast %add3A_1481 : i32 to vector<16xi32>
      %add3A_1483 = arith.addi %mul3A_62, %add3A_1482 : vector<16xi32>
      %gather3A_1484 = tpu.vector_load_idx %arg8[%add3A_1483] : memref<10032xf32, #tpu.memory_space<vmem>>[vector<16xi32>], vector<16xf32>,
      %add3A_1485 = arith.constant 22 : i32
      %add3A_1486 = vector.broadcast %add3A_1485 : i32 to vector<16xi32>
      %add3A_1487 = arith.addi %mul3A_74, %add3A_1486 : vector<16xi32>
      %gather3A_1488 = tpu.vector_load_idx %arg8[%add3A_1487] : memref<10032xf32, #tpu.memory_space<vmem>>[vector<16xi32>], vector<16xf32>,
      %add3A_1489 = arith.addf %gather3A_1472, %gather3A_1476 : vector<16xf32>
      %add3A_1490 = arith.addf %gather3A_1480, %gather3A_1484 : vector<16xf32>
      %add3A_1491 = arith.addf %add3A_1489, %add3A_1490 : vector<16xf32>
      %add3A_1492 = arith.addf %add3A_1491, %gather3A_1488 : vector<16xf32>
      %add3A_1493 = arith.constant 22 : i32
      %add3A_1494 = vector.broadcast %add3A_1493 : i32 to vector<16xi32>
      %add3A_1495 = arith.addi %add3A_89, %add3A_1494 : vector<16xi32>
      %gather3A_1496 = tpu.vector_load_idx %arg8[%add3A_1495] : memref<10032xf32, #tpu.memory_space<vmem>>[vector<16xi32>], vector<16xf32>,
      %add3A_1497 = arith.constant 22 : i32
      %add3A_1498 = vector.broadcast %add3A_1497 : i32 to vector<16xi32>
      %add3A_1499 = arith.addi %add3A_104, %add3A_1498 : vector<16xi32>
      %gather3A_1500 = tpu.vector_load_idx %arg8[%add3A_1499] : memref<10032xf32, #tpu.memory_space<vmem>>[vector<16xi32>], vector<16xf32>,
      %add3A_1501 = arith.constant 22 : i32
      %add3A_1502 = vector.broadcast %add3A_1501 : i32 to vector<16xi32>
      %add3A_1503 = arith.addi %add3A_119, %add3A_1502 : vector<16xi32>
      %gather3A_1504 = tpu.vector_load_idx %arg8[%add3A_1503] : memref<10032xf32, #tpu.memory_space<vmem>>[vector<16xi32>], vector<16xf32>,
      %add3A_1505 = arith.constant 22 : i32
      %add3A_1506 = vector.broadcast %add3A_1505 : i32 to vector<16xi32>
      %add3A_1507 = arith.addi %add3A_134, %add3A_1506 : vector<16xi32>
      %gather3A_1508 = tpu.vector_load_idx %arg8[%add3A_1507] : memref<10032xf32, #tpu.memory_space<vmem>>[vector<16xi32>], vector<16xf32>,
      %add3A_1509 = arith.constant 22 : i32
      %add3A_1510 = vector.broadcast %add3A_1509 : i32 to vector<16xi32>
      %add3A_1511 = arith.addi %add3A_149, %add3A_1510 : vector<16xi32>
      %gather3A_1512 = tpu.vector_load_idx %arg8[%add3A_1511] : memref<10032xf32, #tpu.memory_space<vmem>>[vector<16xi32>], vector<16xf32>,
      %add3A_1513 = arith.addf %gather3A_1496, %gather3A_1500 : vector<16xf32>
      %add3A_1514 = arith.addf %gather3A_1504, %gather3A_1508 : vector<16xf32>
      %add3A_1515 = arith.addf %add3A_1513, %add3A_1514 : vector<16xf32>
      %add3A_1516 = arith.addf %add3A_1515, %gather3A_1512 : vector<16xf32>
      %mul3A_1517 = arith.constant 16 : i32
      %mul3A_1518 = arith.muli %scan3A_15, %mul3A_1517 : i32
      %swap3A_1519 = arith.constant 22 : i32
      %swap3A_1520 = arith.index_cast %swap3A_1519 : i32 to index
      %swap3A_1521 = arith.index_cast %mul3A_1518 : i32 to index
      %swap3A_1522 = tpu.vector_load %arg9[%swap3A_1520, %swap3A_1521] {strides = array<i32>} : memref<64x512xf32, #tpu.memory_space<vmem>>, vector<16xf32>,
      tpu.vector_store %arg9[%swap3A_1520, %swap3A_1521], %add3A_1492 {strides = array<i32>} : memref<64x512xf32, #tpu.memory_space<vmem>>, vector<16xf32>,
      %mul3A_1523 = arith.constant 16 : i32
      %mul3A_1524 = arith.muli %scan3A_15, %mul3A_1523 : i32
      %swap3A_1525 = arith.constant 54 : i32
      %swap3A_1526 = arith.index_cast %swap3A_1525 : i32 to index
      %swap3A_1527 = arith.index_cast %mul3A_1524 : i32 to index
      %swap3A_1528 = tpu.vector_load %arg9[%swap3A_1526, %swap3A_1527] {strides = array<i32>} : memref<64x512xf32, #tpu.memory_space<vmem>>, vector<16xf32>,
      tpu.vector_store %arg9[%swap3A_1526, %swap3A_1527], %add3A_1516 {strides = array<i32>} : memref<64x512xf32, #tpu.memory_space<vmem>>, vector<16xf32>,
      %add3A_1529 = arith.constant 23 : i32
      %add3A_1530 = vector.broadcast %add3A_1529 : i32 to vector<16xi32>
      %add3A_1531 = arith.addi %mul3A_26, %add3A_1530 : vector<16xi32>
      %gather3A_1532 = tpu.vector_load_idx %arg8[%add3A_1531] : memref<10032xf32, #tpu.memory_space<vmem>>[vector<16xi32>], vector<16xf32>,
      %add3A_1533 = arith.constant 23 : i32
      %add3A_1534 = vector.broadcast %add3A_1533 : i32 to vector<16xi32>
      %add3A_1535 = arith.addi %mul3A_38, %add3A_1534 : vector<16xi32>
      %gather3A_1536 = tpu.vector_load_idx %arg8[%add3A_1535] : memref<10032xf32, #tpu.memory_space<vmem>>[vector<16xi32>], vector<16xf32>,
      %add3A_1537 = arith.constant 23 : i32
      %add3A_1538 = vector.broadcast %add3A_1537 : i32 to vector<16xi32>
      %add3A_1539 = arith.addi %mul3A_50, %add3A_1538 : vector<16xi32>
      %gather3A_1540 = tpu.vector_load_idx %arg8[%add3A_1539] : memref<10032xf32, #tpu.memory_space<vmem>>[vector<16xi32>], vector<16xf32>,
      %add3A_1541 = arith.constant 23 : i32
      %add3A_1542 = vector.broadcast %add3A_1541 : i32 to vector<16xi32>
      %add3A_1543 = arith.addi %mul3A_62, %add3A_1542 : vector<16xi32>
      %gather3A_1544 = tpu.vector_load_idx %arg8[%add3A_1543] : memref<10032xf32, #tpu.memory_space<vmem>>[vector<16xi32>], vector<16xf32>,
      %add3A_1545 = arith.constant 23 : i32
      %add3A_1546 = vector.broadcast %add3A_1545 : i32 to vector<16xi32>
      %add3A_1547 = arith.addi %mul3A_74, %add3A_1546 : vector<16xi32>
      %gather3A_1548 = tpu.vector_load_idx %arg8[%add3A_1547] : memref<10032xf32, #tpu.memory_space<vmem>>[vector<16xi32>], vector<16xf32>,
      %add3A_1549 = arith.addf %gather3A_1532, %gather3A_1536 : vector<16xf32>
      %add3A_1550 = arith.addf %gather3A_1540, %gather3A_1544 : vector<16xf32>
      %add3A_1551 = arith.addf %add3A_1549, %add3A_1550 : vector<16xf32>
      %add3A_1552 = arith.addf %add3A_1551, %gather3A_1548 : vector<16xf32>
      %add3A_1553 = arith.constant 23 : i32
      %add3A_1554 = vector.broadcast %add3A_1553 : i32 to vector<16xi32>
      %add3A_1555 = arith.addi %add3A_89, %add3A_1554 : vector<16xi32>
      %gather3A_1556 = tpu.vector_load_idx %arg8[%add3A_1555] : memref<10032xf32, #tpu.memory_space<vmem>>[vector<16xi32>], vector<16xf32>,
      %add3A_1557 = arith.constant 23 : i32
      %add3A_1558 = vector.broadcast %add3A_1557 : i32 to vector<16xi32>
      %add3A_1559 = arith.addi %add3A_104, %add3A_1558 : vector<16xi32>
      %gather3A_1560 = tpu.vector_load_idx %arg8[%add3A_1559] : memref<10032xf32, #tpu.memory_space<vmem>>[vector<16xi32>], vector<16xf32>,
      %add3A_1561 = arith.constant 23 : i32
      %add3A_1562 = vector.broadcast %add3A_1561 : i32 to vector<16xi32>
      %add3A_1563 = arith.addi %add3A_119, %add3A_1562 : vector<16xi32>
      %gather3A_1564 = tpu.vector_load_idx %arg8[%add3A_1563] : memref<10032xf32, #tpu.memory_space<vmem>>[vector<16xi32>], vector<16xf32>,
      %add3A_1565 = arith.constant 23 : i32
      %add3A_1566 = vector.broadcast %add3A_1565 : i32 to vector<16xi32>
      %add3A_1567 = arith.addi %add3A_134, %add3A_1566 : vector<16xi32>
      %gather3A_1568 = tpu.vector_load_idx %arg8[%add3A_1567] : memref<10032xf32, #tpu.memory_space<vmem>>[vector<16xi32>], vector<16xf32>,
      %add3A_1569 = arith.constant 23 : i32
      %add3A_1570 = vector.broadcast %add3A_1569 : i32 to vector<16xi32>
      %add3A_1571 = arith.addi %add3A_149, %add3A_1570 : vector<16xi32>
      %gather3A_1572 = tpu.vector_load_idx %arg8[%add3A_1571] : memref<10032xf32, #tpu.memory_space<vmem>>[vector<16xi32>], vector<16xf32>,
      %add3A_1573 = arith.addf %gather3A_1556, %gather3A_1560 : vector<16xf32>
      %add3A_1574 = arith.addf %gather3A_1564, %gather3A_1568 : vector<16xf32>
      %add3A_1575 = arith.addf %add3A_1573, %add3A_1574 : vector<16xf32>
      %add3A_1576 = arith.addf %add3A_1575, %gather3A_1572 : vector<16xf32>
      %mul3A_1577 = arith.constant 16 : i32
      %mul3A_1578 = arith.muli %scan3A_15, %mul3A_1577 : i32
      %swap3A_1579 = arith.constant 23 : i32
      %swap3A_1580 = arith.index_cast %swap3A_1579 : i32 to index
      %swap3A_1581 = arith.index_cast %mul3A_1578 : i32 to index
      %swap3A_1582 = tpu.vector_load %arg9[%swap3A_1580, %swap3A_1581] {strides = array<i32>} : memref<64x512xf32, #tpu.memory_space<vmem>>, vector<16xf32>,
      tpu.vector_store %arg9[%swap3A_1580, %swap3A_1581], %add3A_1552 {strides = array<i32>} : memref<64x512xf32, #tpu.memory_space<vmem>>, vector<16xf32>,
      %mul3A_1583 = arith.constant 16 : i32
      %mul3A_1584 = arith.muli %scan3A_15, %mul3A_1583 : i32
      %swap3A_1585 = arith.constant 55 : i32
      %swap3A_1586 = arith.index_cast %swap3A_1585 : i32 to index
      %swap3A_1587 = arith.index_cast %mul3A_1584 : i32 to index
      %swap3A_1588 = tpu.vector_load %arg9[%swap3A_1586, %swap3A_1587] {strides = array<i32>} : memref<64x512xf32, #tpu.memory_space<vmem>>, vector<16xf32>,
      tpu.vector_store %arg9[%swap3A_1586, %swap3A_1587], %add3A_1576 {strides = array<i32>} : memref<64x512xf32, #tpu.memory_space<vmem>>, vector<16xf32>,
      %add3A_1589 = arith.constant 24 : i32
      %add3A_1590 = vector.broadcast %add3A_1589 : i32 to vector<16xi32>
      %add3A_1591 = arith.addi %mul3A_26, %add3A_1590 : vector<16xi32>
      %gather3A_1592 = tpu.vector_load_idx %arg8[%add3A_1591] : memref<10032xf32, #tpu.memory_space<vmem>>[vector<16xi32>], vector<16xf32>,
      %add3A_1593 = arith.constant 24 : i32
      %add3A_1594 = vector.broadcast %add3A_1593 : i32 to vector<16xi32>
      %add3A_1595 = arith.addi %mul3A_38, %add3A_1594 : vector<16xi32>
      %gather3A_1596 = tpu.vector_load_idx %arg8[%add3A_1595] : memref<10032xf32, #tpu.memory_space<vmem>>[vector<16xi32>], vector<16xf32>,
      %add3A_1597 = arith.constant 24 : i32
      %add3A_1598 = vector.broadcast %add3A_1597 : i32 to vector<16xi32>
      %add3A_1599 = arith.addi %mul3A_50, %add3A_1598 : vector<16xi32>
      %gather3A_1600 = tpu.vector_load_idx %arg8[%add3A_1599] : memref<10032xf32, #tpu.memory_space<vmem>>[vector<16xi32>], vector<16xf32>,
      %add3A_1601 = arith.constant 24 : i32
      %add3A_1602 = vector.broadcast %add3A_1601 : i32 to vector<16xi32>
      %add3A_1603 = arith.addi %mul3A_62, %add3A_1602 : vector<16xi32>
      %gather3A_1604 = tpu.vector_load_idx %arg8[%add3A_1603] : memref<10032xf32, #tpu.memory_space<vmem>>[vector<16xi32>], vector<16xf32>,
      %add3A_1605 = arith.constant 24 : i32
      %add3A_1606 = vector.broadcast %add3A_1605 : i32 to vector<16xi32>
      %add3A_1607 = arith.addi %mul3A_74, %add3A_1606 : vector<16xi32>
      %gather3A_1608 = tpu.vector_load_idx %arg8[%add3A_1607] : memref<10032xf32, #tpu.memory_space<vmem>>[vector<16xi32>], vector<16xf32>,
      %add3A_1609 = arith.addf %gather3A_1592, %gather3A_1596 : vector<16xf32>
      %add3A_1610 = arith.addf %gather3A_1600, %gather3A_1604 : vector<16xf32>
      %add3A_1611 = arith.addf %add3A_1609, %add3A_1610 : vector<16xf32>
      %add3A_1612 = arith.addf %add3A_1611, %gather3A_1608 : vector<16xf32>
      %add3A_1613 = arith.constant 24 : i32
      %add3A_1614 = vector.broadcast %add3A_1613 : i32 to vector<16xi32>
      %add3A_1615 = arith.addi %add3A_89, %add3A_1614 : vector<16xi32>
      %gather3A_1616 = tpu.vector_load_idx %arg8[%add3A_1615] : memref<10032xf32, #tpu.memory_space<vmem>>[vector<16xi32>], vector<16xf32>,
      %add3A_1617 = arith.constant 24 : i32
      %add3A_1618 = vector.broadcast %add3A_1617 : i32 to vector<16xi32>
      %add3A_1619 = arith.addi %add3A_104, %add3A_1618 : vector<16xi32>
      %gather3A_1620 = tpu.vector_load_idx %arg8[%add3A_1619] : memref<10032xf32, #tpu.memory_space<vmem>>[vector<16xi32>], vector<16xf32>,
      %add3A_1621 = arith.constant 24 : i32
      %add3A_1622 = vector.broadcast %add3A_1621 : i32 to vector<16xi32>
      %add3A_1623 = arith.addi %add3A_119, %add3A_1622 : vector<16xi32>
      %gather3A_1624 = tpu.vector_load_idx %arg8[%add3A_1623] : memref<10032xf32, #tpu.memory_space<vmem>>[vector<16xi32>], vector<16xf32>,
      %add3A_1625 = arith.constant 24 : i32
      %add3A_1626 = vector.broadcast %add3A_1625 : i32 to vector<16xi32>
      %add3A_1627 = arith.addi %add3A_134, %add3A_1626 : vector<16xi32>
      %gather3A_1628 = tpu.vector_load_idx %arg8[%add3A_1627] : memref<10032xf32, #tpu.memory_space<vmem>>[vector<16xi32>], vector<16xf32>,
      %add3A_1629 = arith.constant 24 : i32
      %add3A_1630 = vector.broadcast %add3A_1629 : i32 to vector<16xi32>
      %add3A_1631 = arith.addi %add3A_149, %add3A_1630 : vector<16xi32>
      %gather3A_1632 = tpu.vector_load_idx %arg8[%add3A_1631] : memref<10032xf32, #tpu.memory_space<vmem>>[vector<16xi32>], vector<16xf32>,
      %add3A_1633 = arith.addf %gather3A_1616, %gather3A_1620 : vector<16xf32>
      %add3A_1634 = arith.addf %gather3A_1624, %gather3A_1628 : vector<16xf32>
      %add3A_1635 = arith.addf %add3A_1633, %add3A_1634 : vector<16xf32>
      %add3A_1636 = arith.addf %add3A_1635, %gather3A_1632 : vector<16xf32>
      %mul3A_1637 = arith.constant 16 : i32
      %mul3A_1638 = arith.muli %scan3A_15, %mul3A_1637 : i32
      %swap3A_1639 = arith.constant 24 : i32
      %swap3A_1640 = arith.index_cast %swap3A_1639 : i32 to index
      %swap3A_1641 = arith.index_cast %mul3A_1638 : i32 to index
      %swap3A_1642 = tpu.vector_load %arg9[%swap3A_1640, %swap3A_1641] {strides = array<i32>} : memref<64x512xf32, #tpu.memory_space<vmem>>, vector<16xf32>,
      tpu.vector_store %arg9[%swap3A_1640, %swap3A_1641], %add3A_1612 {strides = array<i32>} : memref<64x512xf32, #tpu.memory_space<vmem>>, vector<16xf32>,
      %mul3A_1643 = arith.constant 16 : i32
      %mul3A_1644 = arith.muli %scan3A_15, %mul3A_1643 : i32
      %swap3A_1645 = arith.constant 56 : i32
      %swap3A_1646 = arith.index_cast %swap3A_1645 : i32 to index
      %swap3A_1647 = arith.index_cast %mul3A_1644 : i32 to index
      %swap3A_1648 = tpu.vector_load %arg9[%swap3A_1646, %swap3A_1647] {strides = array<i32>} : memref<64x512xf32, #tpu.memory_space<vmem>>, vector<16xf32>,
      tpu.vector_store %arg9[%swap3A_1646, %swap3A_1647], %add3A_1636 {strides = array<i32>} : memref<64x512xf32, #tpu.memory_space<vmem>>, vector<16xf32>,
      %add3A_1649 = arith.constant 25 : i32
      %add3A_1650 = vector.broadcast %add3A_1649 : i32 to vector<16xi32>
      %add3A_1651 = arith.addi %mul3A_26, %add3A_1650 : vector<16xi32>
      %gather3A_1652 = tpu.vector_load_idx %arg8[%add3A_1651] : memref<10032xf32, #tpu.memory_space<vmem>>[vector<16xi32>], vector<16xf32>,
      %add3A_1653 = arith.constant 25 : i32
      %add3A_1654 = vector.broadcast %add3A_1653 : i32 to vector<16xi32>
      %add3A_1655 = arith.addi %mul3A_38, %add3A_1654 : vector<16xi32>
      %gather3A_1656 = tpu.vector_load_idx %arg8[%add3A_1655] : memref<10032xf32, #tpu.memory_space<vmem>>[vector<16xi32>], vector<16xf32>,
      %add3A_1657 = arith.constant 25 : i32
      %add3A_1658 = vector.broadcast %add3A_1657 : i32 to vector<16xi32>
      %add3A_1659 = arith.addi %mul3A_50, %add3A_1658 : vector<16xi32>
      %gather3A_1660 = tpu.vector_load_idx %arg8[%add3A_1659] : memref<10032xf32, #tpu.memory_space<vmem>>[vector<16xi32>], vector<16xf32>,
      %add3A_1661 = arith.constant 25 : i32
      %add3A_1662 = vector.broadcast %add3A_1661 : i32 to vector<16xi32>
      %add3A_1663 = arith.addi %mul3A_62, %add3A_1662 : vector<16xi32>
      %gather3A_1664 = tpu.vector_load_idx %arg8[%add3A_1663] : memref<10032xf32, #tpu.memory_space<vmem>>[vector<16xi32>], vector<16xf32>,
      %add3A_1665 = arith.constant 25 : i32
      %add3A_1666 = vector.broadcast %add3A_1665 : i32 to vector<16xi32>
      %add3A_1667 = arith.addi %mul3A_74, %add3A_1666 : vector<16xi32>
      %gather3A_1668 = tpu.vector_load_idx %arg8[%add3A_1667] : memref<10032xf32, #tpu.memory_space<vmem>>[vector<16xi32>], vector<16xf32>,
      %add3A_1669 = arith.addf %gather3A_1652, %gather3A_1656 : vector<16xf32>
      %add3A_1670 = arith.addf %gather3A_1660, %gather3A_1664 : vector<16xf32>
      %add3A_1671 = arith.addf %add3A_1669, %add3A_1670 : vector<16xf32>
      %add3A_1672 = arith.addf %add3A_1671, %gather3A_1668 : vector<16xf32>
      %add3A_1673 = arith.constant 25 : i32
      %add3A_1674 = vector.broadcast %add3A_1673 : i32 to vector<16xi32>
      %add3A_1675 = arith.addi %add3A_89, %add3A_1674 : vector<16xi32>
      %gather3A_1676 = tpu.vector_load_idx %arg8[%add3A_1675] : memref<10032xf32, #tpu.memory_space<vmem>>[vector<16xi32>], vector<16xf32>,
      %add3A_1677 = arith.constant 25 : i32
      %add3A_1678 = vector.broadcast %add3A_1677 : i32 to vector<16xi32>
      %add3A_1679 = arith.addi %add3A_104, %add3A_1678 : vector<16xi32>
      %gather3A_1680 = tpu.vector_load_idx %arg8[%add3A_1679] : memref<10032xf32, #tpu.memory_space<vmem>>[vector<16xi32>], vector<16xf32>,
      %add3A_1681 = arith.constant 25 : i32
      %add3A_1682 = vector.broadcast %add3A_1681 : i32 to vector<16xi32>
      %add3A_1683 = arith.addi %add3A_119, %add3A_1682 : vector<16xi32>
      %gather3A_1684 = tpu.vector_load_idx %arg8[%add3A_1683] : memref<10032xf32, #tpu.memory_space<vmem>>[vector<16xi32>], vector<16xf32>,
      %add3A_1685 = arith.constant 25 : i32
      %add3A_1686 = vector.broadcast %add3A_1685 : i32 to vector<16xi32>
      %add3A_1687 = arith.addi %add3A_134, %add3A_1686 : vector<16xi32>
      %gather3A_1688 = tpu.vector_load_idx %arg8[%add3A_1687] : memref<10032xf32, #tpu.memory_space<vmem>>[vector<16xi32>], vector<16xf32>,
      %add3A_1689 = arith.constant 25 : i32
      %add3A_1690 = vector.broadcast %add3A_1689 : i32 to vector<16xi32>
      %add3A_1691 = arith.addi %add3A_149, %add3A_1690 : vector<16xi32>
      %gather3A_1692 = tpu.vector_load_idx %arg8[%add3A_1691] : memref<10032xf32, #tpu.memory_space<vmem>>[vector<16xi32>], vector<16xf32>,
      %add3A_1693 = arith.addf %gather3A_1676, %gather3A_1680 : vector<16xf32>
      %add3A_1694 = arith.addf %gather3A_1684, %gather3A_1688 : vector<16xf32>
      %add3A_1695 = arith.addf %add3A_1693, %add3A_1694 : vector<16xf32>
      %add3A_1696 = arith.addf %add3A_1695, %gather3A_1692 : vector<16xf32>
      %mul3A_1697 = arith.constant 16 : i32
      %mul3A_1698 = arith.muli %scan3A_15, %mul3A_1697 : i32
      %swap3A_1699 = arith.constant 25 : i32
      %swap3A_1700 = arith.index_cast %swap3A_1699 : i32 to index
      %swap3A_1701 = arith.index_cast %mul3A_1698 : i32 to index
      %swap3A_1702 = tpu.vector_load %arg9[%swap3A_1700, %swap3A_1701] {strides = array<i32>} : memref<64x512xf32, #tpu.memory_space<vmem>>, vector<16xf32>,
      tpu.vector_store %arg9[%swap3A_1700, %swap3A_1701], %add3A_1672 {strides = array<i32>} : memref<64x512xf32, #tpu.memory_space<vmem>>, vector<16xf32>,
      %mul3A_1703 = arith.constant 16 : i32
      %mul3A_1704 = arith.muli %scan3A_15, %mul3A_1703 : i32
      %swap3A_1705 = arith.constant 57 : i32
      %swap3A_1706 = arith.index_cast %swap3A_1705 : i32 to index
      %swap3A_1707 = arith.index_cast %mul3A_1704 : i32 to index
      %swap3A_1708 = tpu.vector_load %arg9[%swap3A_1706, %swap3A_1707] {strides = array<i32>} : memref<64x512xf32, #tpu.memory_space<vmem>>, vector<16xf32>,
      tpu.vector_store %arg9[%swap3A_1706, %swap3A_1707], %add3A_1696 {strides = array<i32>} : memref<64x512xf32, #tpu.memory_space<vmem>>, vector<16xf32>,
      %add3A_1709 = arith.constant 26 : i32
      %add3A_1710 = vector.broadcast %add3A_1709 : i32 to vector<16xi32>
      %add3A_1711 = arith.addi %mul3A_26, %add3A_1710 : vector<16xi32>
      %gather3A_1712 = tpu.vector_load_idx %arg8[%add3A_1711] : memref<10032xf32, #tpu.memory_space<vmem>>[vector<16xi32>], vector<16xf32>,
      %add3A_1713 = arith.constant 26 : i32
      %add3A_1714 = vector.broadcast %add3A_1713 : i32 to vector<16xi32>
      %add3A_1715 = arith.addi %mul3A_38, %add3A_1714 : vector<16xi32>
      %gather3A_1716 = tpu.vector_load_idx %arg8[%add3A_1715] : memref<10032xf32, #tpu.memory_space<vmem>>[vector<16xi32>], vector<16xf32>,
      %add3A_1717 = arith.constant 26 : i32
      %add3A_1718 = vector.broadcast %add3A_1717 : i32 to vector<16xi32>
      %add3A_1719 = arith.addi %mul3A_50, %add3A_1718 : vector<16xi32>
      %gather3A_1720 = tpu.vector_load_idx %arg8[%add3A_1719] : memref<10032xf32, #tpu.memory_space<vmem>>[vector<16xi32>], vector<16xf32>,
      %add3A_1721 = arith.constant 26 : i32
      %add3A_1722 = vector.broadcast %add3A_1721 : i32 to vector<16xi32>
      %add3A_1723 = arith.addi %mul3A_62, %add3A_1722 : vector<16xi32>
      %gather3A_1724 = tpu.vector_load_idx %arg8[%add3A_1723] : memref<10032xf32, #tpu.memory_space<vmem>>[vector<16xi32>], vector<16xf32>,
      %add3A_1725 = arith.constant 26 : i32
      %add3A_1726 = vector.broadcast %add3A_1725 : i32 to vector<16xi32>
      %add3A_1727 = arith.addi %mul3A_74, %add3A_1726 : vector<16xi32>
      %gather3A_1728 = tpu.vector_load_idx %arg8[%add3A_1727] : memref<10032xf32, #tpu.memory_space<vmem>>[vector<16xi32>], vector<16xf32>,
      %add3A_1729 = arith.addf %gather3A_1712, %gather3A_1716 : vector<16xf32>
      %add3A_1730 = arith.addf %gather3A_1720, %gather3A_1724 : vector<16xf32>
      %add3A_1731 = arith.addf %add3A_1729, %add3A_1730 : vector<16xf32>
      %add3A_1732 = arith.addf %add3A_1731, %gather3A_1728 : vector<16xf32>
      %add3A_1733 = arith.constant 26 : i32
      %add3A_1734 = vector.broadcast %add3A_1733 : i32 to vector<16xi32>
      %add3A_1735 = arith.addi %add3A_89, %add3A_1734 : vector<16xi32>
      %gather3A_1736 = tpu.vector_load_idx %arg8[%add3A_1735] : memref<10032xf32, #tpu.memory_space<vmem>>[vector<16xi32>], vector<16xf32>,
      %add3A_1737 = arith.constant 26 : i32
      %add3A_1738 = vector.broadcast %add3A_1737 : i32 to vector<16xi32>
      %add3A_1739 = arith.addi %add3A_104, %add3A_1738 : vector<16xi32>
      %gather3A_1740 = tpu.vector_load_idx %arg8[%add3A_1739] : memref<10032xf32, #tpu.memory_space<vmem>>[vector<16xi32>], vector<16xf32>,
      %add3A_1741 = arith.constant 26 : i32
      %add3A_1742 = vector.broadcast %add3A_1741 : i32 to vector<16xi32>
      %add3A_1743 = arith.addi %add3A_119, %add3A_1742 : vector<16xi32>
      %gather3A_1744 = tpu.vector_load_idx %arg8[%add3A_1743] : memref<10032xf32, #tpu.memory_space<vmem>>[vector<16xi32>], vector<16xf32>,
      %add3A_1745 = arith.constant 26 : i32
      %add3A_1746 = vector.broadcast %add3A_1745 : i32 to vector<16xi32>
      %add3A_1747 = arith.addi %add3A_134, %add3A_1746 : vector<16xi32>
      %gather3A_1748 = tpu.vector_load_idx %arg8[%add3A_1747] : memref<10032xf32, #tpu.memory_space<vmem>>[vector<16xi32>], vector<16xf32>,
      %add3A_1749 = arith.constant 26 : i32
      %add3A_1750 = vector.broadcast %add3A_1749 : i32 to vector<16xi32>
      %add3A_1751 = arith.addi %add3A_149, %add3A_1750 : vector<16xi32>
      %gather3A_1752 = tpu.vector_load_idx %arg8[%add3A_1751] : memref<10032xf32, #tpu.memory_space<vmem>>[vector<16xi32>], vector<16xf32>,
      %add3A_1753 = arith.addf %gather3A_1736, %gather3A_1740 : vector<16xf32>
      %add3A_1754 = arith.addf %gather3A_1744, %gather3A_1748 : vector<16xf32>
      %add3A_1755 = arith.addf %add3A_1753, %add3A_1754 : vector<16xf32>
      %add3A_1756 = arith.addf %add3A_1755, %gather3A_1752 : vector<16xf32>
      %mul3A_1757 = arith.constant 16 : i32
      %mul3A_1758 = arith.muli %scan3A_15, %mul3A_1757 : i32
      %swap3A_1759 = arith.constant 26 : i32
      %swap3A_1760 = arith.index_cast %swap3A_1759 : i32 to index
      %swap3A_1761 = arith.index_cast %mul3A_1758 : i32 to index
      %swap3A_1762 = tpu.vector_load %arg9[%swap3A_1760, %swap3A_1761] {strides = array<i32>} : memref<64x512xf32, #tpu.memory_space<vmem>>, vector<16xf32>,
      tpu.vector_store %arg9[%swap3A_1760, %swap3A_1761], %add3A_1732 {strides = array<i32>} : memref<64x512xf32, #tpu.memory_space<vmem>>, vector<16xf32>,
      %mul3A_1763 = arith.constant 16 : i32
      %mul3A_1764 = arith.muli %scan3A_15, %mul3A_1763 : i32
      %swap3A_1765 = arith.constant 58 : i32
      %swap3A_1766 = arith.index_cast %swap3A_1765 : i32 to index
      %swap3A_1767 = arith.index_cast %mul3A_1764 : i32 to index
      %swap3A_1768 = tpu.vector_load %arg9[%swap3A_1766, %swap3A_1767] {strides = array<i32>} : memref<64x512xf32, #tpu.memory_space<vmem>>, vector<16xf32>,
      tpu.vector_store %arg9[%swap3A_1766, %swap3A_1767], %add3A_1756 {strides = array<i32>} : memref<64x512xf32, #tpu.memory_space<vmem>>, vector<16xf32>,
      %add3A_1769 = arith.constant 27 : i32
      %add3A_1770 = vector.broadcast %add3A_1769 : i32 to vector<16xi32>
      %add3A_1771 = arith.addi %mul3A_26, %add3A_1770 : vector<16xi32>
      %gather3A_1772 = tpu.vector_load_idx %arg8[%add3A_1771] : memref<10032xf32, #tpu.memory_space<vmem>>[vector<16xi32>], vector<16xf32>,
      %add3A_1773 = arith.constant 27 : i32
      %add3A_1774 = vector.broadcast %add3A_1773 : i32 to vector<16xi32>
      %add3A_1775 = arith.addi %mul3A_38, %add3A_1774 : vector<16xi32>
      %gather3A_1776 = tpu.vector_load_idx %arg8[%add3A_1775] : memref<10032xf32, #tpu.memory_space<vmem>>[vector<16xi32>], vector<16xf32>,
      %add3A_1777 = arith.constant 27 : i32
      %add3A_1778 = vector.broadcast %add3A_1777 : i32 to vector<16xi32>
      %add3A_1779 = arith.addi %mul3A_50, %add3A_1778 : vector<16xi32>
      %gather3A_1780 = tpu.vector_load_idx %arg8[%add3A_1779] : memref<10032xf32, #tpu.memory_space<vmem>>[vector<16xi32>], vector<16xf32>,
      %add3A_1781 = arith.constant 27 : i32
      %add3A_1782 = vector.broadcast %add3A_1781 : i32 to vector<16xi32>
      %add3A_1783 = arith.addi %mul3A_62, %add3A_1782 : vector<16xi32>
      %gather3A_1784 = tpu.vector_load_idx %arg8[%add3A_1783] : memref<10032xf32, #tpu.memory_space<vmem>>[vector<16xi32>], vector<16xf32>,
      %add3A_1785 = arith.constant 27 : i32
      %add3A_1786 = vector.broadcast %add3A_1785 : i32 to vector<16xi32>
      %add3A_1787 = arith.addi %mul3A_74, %add3A_1786 : vector<16xi32>
      %gather3A_1788 = tpu.vector_load_idx %arg8[%add3A_1787] : memref<10032xf32, #tpu.memory_space<vmem>>[vector<16xi32>], vector<16xf32>,
      %add3A_1789 = arith.addf %gather3A_1772, %gather3A_1776 : vector<16xf32>
      %add3A_1790 = arith.addf %gather3A_1780, %gather3A_1784 : vector<16xf32>
      %add3A_1791 = arith.addf %add3A_1789, %add3A_1790 : vector<16xf32>
      %add3A_1792 = arith.addf %add3A_1791, %gather3A_1788 : vector<16xf32>
      %add3A_1793 = arith.constant 27 : i32
      %add3A_1794 = vector.broadcast %add3A_1793 : i32 to vector<16xi32>
      %add3A_1795 = arith.addi %add3A_89, %add3A_1794 : vector<16xi32>
      %gather3A_1796 = tpu.vector_load_idx %arg8[%add3A_1795] : memref<10032xf32, #tpu.memory_space<vmem>>[vector<16xi32>], vector<16xf32>,
      %add3A_1797 = arith.constant 27 : i32
      %add3A_1798 = vector.broadcast %add3A_1797 : i32 to vector<16xi32>
      %add3A_1799 = arith.addi %add3A_104, %add3A_1798 : vector<16xi32>
      %gather3A_1800 = tpu.vector_load_idx %arg8[%add3A_1799] : memref<10032xf32, #tpu.memory_space<vmem>>[vector<16xi32>], vector<16xf32>,
      %add3A_1801 = arith.constant 27 : i32
      %add3A_1802 = vector.broadcast %add3A_1801 : i32 to vector<16xi32>
      %add3A_1803 = arith.addi %add3A_119, %add3A_1802 : vector<16xi32>
      %gather3A_1804 = tpu.vector_load_idx %arg8[%add3A_1803] : memref<10032xf32, #tpu.memory_space<vmem>>[vector<16xi32>], vector<16xf32>,
      %add3A_1805 = arith.constant 27 : i32
      %add3A_1806 = vector.broadcast %add3A_1805 : i32 to vector<16xi32>
      %add3A_1807 = arith.addi %add3A_134, %add3A_1806 : vector<16xi32>
      %gather3A_1808 = tpu.vector_load_idx %arg8[%add3A_1807] : memref<10032xf32, #tpu.memory_space<vmem>>[vector<16xi32>], vector<16xf32>,
      %add3A_1809 = arith.constant 27 : i32
      %add3A_1810 = vector.broadcast %add3A_1809 : i32 to vector<16xi32>
      %add3A_1811 = arith.addi %add3A_149, %add3A_1810 : vector<16xi32>
      %gather3A_1812 = tpu.vector_load_idx %arg8[%add3A_1811] : memref<10032xf32, #tpu.memory_space<vmem>>[vector<16xi32>], vector<16xf32>,
      %add3A_1813 = arith.addf %gather3A_1796, %gather3A_1800 : vector<16xf32>
      %add3A_1814 = arith.addf %gather3A_1804, %gather3A_1808 : vector<16xf32>
      %add3A_1815 = arith.addf %add3A_1813, %add3A_1814 : vector<16xf32>
      %add3A_1816 = arith.addf %add3A_1815, %gather3A_1812 : vector<16xf32>
      %mul3A_1817 = arith.constant 16 : i32
      %mul3A_1818 = arith.muli %scan3A_15, %mul3A_1817 : i32
      %swap3A_1819 = arith.constant 27 : i32
      %swap3A_1820 = arith.index_cast %swap3A_1819 : i32 to index
      %swap3A_1821 = arith.index_cast %mul3A_1818 : i32 to index
      %swap3A_1822 = tpu.vector_load %arg9[%swap3A_1820, %swap3A_1821] {strides = array<i32>} : memref<64x512xf32, #tpu.memory_space<vmem>>, vector<16xf32>,
      tpu.vector_store %arg9[%swap3A_1820, %swap3A_1821], %add3A_1792 {strides = array<i32>} : memref<64x512xf32, #tpu.memory_space<vmem>>, vector<16xf32>,
      %mul3A_1823 = arith.constant 16 : i32
      %mul3A_1824 = arith.muli %scan3A_15, %mul3A_1823 : i32
      %swap3A_1825 = arith.constant 59 : i32
      %swap3A_1826 = arith.index_cast %swap3A_1825 : i32 to index
      %swap3A_1827 = arith.index_cast %mul3A_1824 : i32 to index
      %swap3A_1828 = tpu.vector_load %arg9[%swap3A_1826, %swap3A_1827] {strides = array<i32>} : memref<64x512xf32, #tpu.memory_space<vmem>>, vector<16xf32>,
      tpu.vector_store %arg9[%swap3A_1826, %swap3A_1827], %add3A_1816 {strides = array<i32>} : memref<64x512xf32, #tpu.memory_space<vmem>>, vector<16xf32>,
      %add3A_1829 = arith.constant 28 : i32
      %add3A_1830 = vector.broadcast %add3A_1829 : i32 to vector<16xi32>
      %add3A_1831 = arith.addi %mul3A_26, %add3A_1830 : vector<16xi32>
      %gather3A_1832 = tpu.vector_load_idx %arg8[%add3A_1831] : memref<10032xf32, #tpu.memory_space<vmem>>[vector<16xi32>], vector<16xf32>,
      %add3A_1833 = arith.constant 28 : i32
      %add3A_1834 = vector.broadcast %add3A_1833 : i32 to vector<16xi32>
      %add3A_1835 = arith.addi %mul3A_38, %add3A_1834 : vector<16xi32>
      %gather3A_1836 = tpu.vector_load_idx %arg8[%add3A_1835] : memref<10032xf32, #tpu.memory_space<vmem>>[vector<16xi32>], vector<16xf32>,
      %add3A_1837 = arith.constant 28 : i32
      %add3A_1838 = vector.broadcast %add3A_1837 : i32 to vector<16xi32>
      %add3A_1839 = arith.addi %mul3A_50, %add3A_1838 : vector<16xi32>
      %gather3A_1840 = tpu.vector_load_idx %arg8[%add3A_1839] : memref<10032xf32, #tpu.memory_space<vmem>>[vector<16xi32>], vector<16xf32>,
      %add3A_1841 = arith.constant 28 : i32
      %add3A_1842 = vector.broadcast %add3A_1841 : i32 to vector<16xi32>
      %add3A_1843 = arith.addi %mul3A_62, %add3A_1842 : vector<16xi32>
      %gather3A_1844 = tpu.vector_load_idx %arg8[%add3A_1843] : memref<10032xf32, #tpu.memory_space<vmem>>[vector<16xi32>], vector<16xf32>,
      %add3A_1845 = arith.constant 28 : i32
      %add3A_1846 = vector.broadcast %add3A_1845 : i32 to vector<16xi32>
      %add3A_1847 = arith.addi %mul3A_74, %add3A_1846 : vector<16xi32>
      %gather3A_1848 = tpu.vector_load_idx %arg8[%add3A_1847] : memref<10032xf32, #tpu.memory_space<vmem>>[vector<16xi32>], vector<16xf32>,
      %add3A_1849 = arith.addf %gather3A_1832, %gather3A_1836 : vector<16xf32>
      %add3A_1850 = arith.addf %gather3A_1840, %gather3A_1844 : vector<16xf32>
      %add3A_1851 = arith.addf %add3A_1849, %add3A_1850 : vector<16xf32>
      %add3A_1852 = arith.addf %add3A_1851, %gather3A_1848 : vector<16xf32>
      %add3A_1853 = arith.constant 28 : i32
      %add3A_1854 = vector.broadcast %add3A_1853 : i32 to vector<16xi32>
      %add3A_1855 = arith.addi %add3A_89, %add3A_1854 : vector<16xi32>
      %gather3A_1856 = tpu.vector_load_idx %arg8[%add3A_1855] : memref<10032xf32, #tpu.memory_space<vmem>>[vector<16xi32>], vector<16xf32>,
      %add3A_1857 = arith.constant 28 : i32
      %add3A_1858 = vector.broadcast %add3A_1857 : i32 to vector<16xi32>
      %add3A_1859 = arith.addi %add3A_104, %add3A_1858 : vector<16xi32>
      %gather3A_1860 = tpu.vector_load_idx %arg8[%add3A_1859] : memref<10032xf32, #tpu.memory_space<vmem>>[vector<16xi32>], vector<16xf32>,
      %add3A_1861 = arith.constant 28 : i32
      %add3A_1862 = vector.broadcast %add3A_1861 : i32 to vector<16xi32>
      %add3A_1863 = arith.addi %add3A_119, %add3A_1862 : vector<16xi32>
      %gather3A_1864 = tpu.vector_load_idx %arg8[%add3A_1863] : memref<10032xf32, #tpu.memory_space<vmem>>[vector<16xi32>], vector<16xf32>,
      %add3A_1865 = arith.constant 28 : i32
      %add3A_1866 = vector.broadcast %add3A_1865 : i32 to vector<16xi32>
      %add3A_1867 = arith.addi %add3A_134, %add3A_1866 : vector<16xi32>
      %gather3A_1868 = tpu.vector_load_idx %arg8[%add3A_1867] : memref<10032xf32, #tpu.memory_space<vmem>>[vector<16xi32>], vector<16xf32>,
      %add3A_1869 = arith.constant 28 : i32
      %add3A_1870 = vector.broadcast %add3A_1869 : i32 to vector<16xi32>
      %add3A_1871 = arith.addi %add3A_149, %add3A_1870 : vector<16xi32>
      %gather3A_1872 = tpu.vector_load_idx %arg8[%add3A_1871] : memref<10032xf32, #tpu.memory_space<vmem>>[vector<16xi32>], vector<16xf32>,
      %add3A_1873 = arith.addf %gather3A_1856, %gather3A_1860 : vector<16xf32>
      %add3A_1874 = arith.addf %gather3A_1864, %gather3A_1868 : vector<16xf32>
      %add3A_1875 = arith.addf %add3A_1873, %add3A_1874 : vector<16xf32>
      %add3A_1876 = arith.addf %add3A_1875, %gather3A_1872 : vector<16xf32>
      %mul3A_1877 = arith.constant 16 : i32
      %mul3A_1878 = arith.muli %scan3A_15, %mul3A_1877 : i32
      %swap3A_1879 = arith.constant 28 : i32
      %swap3A_1880 = arith.index_cast %swap3A_1879 : i32 to index
      %swap3A_1881 = arith.index_cast %mul3A_1878 : i32 to index
      %swap3A_1882 = tpu.vector_load %arg9[%swap3A_1880, %swap3A_1881] {strides = array<i32>} : memref<64x512xf32, #tpu.memory_space<vmem>>, vector<16xf32>,
      tpu.vector_store %arg9[%swap3A_1880, %swap3A_1881], %add3A_1852 {strides = array<i32>} : memref<64x512xf32, #tpu.memory_space<vmem>>, vector<16xf32>,
      %mul3A_1883 = arith.constant 16 : i32
      %mul3A_1884 = arith.muli %scan3A_15, %mul3A_1883 : i32
      %swap3A_1885 = arith.constant 60 : i32
      %swap3A_1886 = arith.index_cast %swap3A_1885 : i32 to index
      %swap3A_1887 = arith.index_cast %mul3A_1884 : i32 to index
      %swap3A_1888 = tpu.vector_load %arg9[%swap3A_1886, %swap3A_1887] {strides = array<i32>} : memref<64x512xf32, #tpu.memory_space<vmem>>, vector<16xf32>,
      tpu.vector_store %arg9[%swap3A_1886, %swap3A_1887], %add3A_1876 {strides = array<i32>} : memref<64x512xf32, #tpu.memory_space<vmem>>, vector<16xf32>,
      %add3A_1889 = arith.constant 29 : i32
      %add3A_1890 = vector.broadcast %add3A_1889 : i32 to vector<16xi32>
      %add3A_1891 = arith.addi %mul3A_26, %add3A_1890 : vector<16xi32>
      %gather3A_1892 = tpu.vector_load_idx %arg8[%add3A_1891] : memref<10032xf32, #tpu.memory_space<vmem>>[vector<16xi32>], vector<16xf32>,
      %add3A_1893 = arith.constant 29 : i32
      %add3A_1894 = vector.broadcast %add3A_1893 : i32 to vector<16xi32>
      %add3A_1895 = arith.addi %mul3A_38, %add3A_1894 : vector<16xi32>
      %gather3A_1896 = tpu.vector_load_idx %arg8[%add3A_1895] : memref<10032xf32, #tpu.memory_space<vmem>>[vector<16xi32>], vector<16xf32>,
      %add3A_1897 = arith.constant 29 : i32
      %add3A_1898 = vector.broadcast %add3A_1897 : i32 to vector<16xi32>
      %add3A_1899 = arith.addi %mul3A_50, %add3A_1898 : vector<16xi32>
      %gather3A_1900 = tpu.vector_load_idx %arg8[%add3A_1899] : memref<10032xf32, #tpu.memory_space<vmem>>[vector<16xi32>], vector<16xf32>,
      %add3A_1901 = arith.constant 29 : i32
      %add3A_1902 = vector.broadcast %add3A_1901 : i32 to vector<16xi32>
      %add3A_1903 = arith.addi %mul3A_62, %add3A_1902 : vector<16xi32>
      %gather3A_1904 = tpu.vector_load_idx %arg8[%add3A_1903] : memref<10032xf32, #tpu.memory_space<vmem>>[vector<16xi32>], vector<16xf32>,
      %add3A_1905 = arith.constant 29 : i32
      %add3A_1906 = vector.broadcast %add3A_1905 : i32 to vector<16xi32>
      %add3A_1907 = arith.addi %mul3A_74, %add3A_1906 : vector<16xi32>
      %gather3A_1908 = tpu.vector_load_idx %arg8[%add3A_1907] : memref<10032xf32, #tpu.memory_space<vmem>>[vector<16xi32>], vector<16xf32>,
      %add3A_1909 = arith.addf %gather3A_1892, %gather3A_1896 : vector<16xf32>
      %add3A_1910 = arith.addf %gather3A_1900, %gather3A_1904 : vector<16xf32>
      %add3A_1911 = arith.addf %add3A_1909, %add3A_1910 : vector<16xf32>
      %add3A_1912 = arith.addf %add3A_1911, %gather3A_1908 : vector<16xf32>
      %add3A_1913 = arith.constant 29 : i32
      %add3A_1914 = vector.broadcast %add3A_1913 : i32 to vector<16xi32>
      %add3A_1915 = arith.addi %add3A_89, %add3A_1914 : vector<16xi32>
      %gather3A_1916 = tpu.vector_load_idx %arg8[%add3A_1915] : memref<10032xf32, #tpu.memory_space<vmem>>[vector<16xi32>], vector<16xf32>,
      %add3A_1917 = arith.constant 29 : i32
      %add3A_1918 = vector.broadcast %add3A_1917 : i32 to vector<16xi32>
      %add3A_1919 = arith.addi %add3A_104, %add3A_1918 : vector<16xi32>
      %gather3A_1920 = tpu.vector_load_idx %arg8[%add3A_1919] : memref<10032xf32, #tpu.memory_space<vmem>>[vector<16xi32>], vector<16xf32>,
      %add3A_1921 = arith.constant 29 : i32
      %add3A_1922 = vector.broadcast %add3A_1921 : i32 to vector<16xi32>
      %add3A_1923 = arith.addi %add3A_119, %add3A_1922 : vector<16xi32>
      %gather3A_1924 = tpu.vector_load_idx %arg8[%add3A_1923] : memref<10032xf32, #tpu.memory_space<vmem>>[vector<16xi32>], vector<16xf32>,
      %add3A_1925 = arith.constant 29 : i32
      %add3A_1926 = vector.broadcast %add3A_1925 : i32 to vector<16xi32>
      %add3A_1927 = arith.addi %add3A_134, %add3A_1926 : vector<16xi32>
      %gather3A_1928 = tpu.vector_load_idx %arg8[%add3A_1927] : memref<10032xf32, #tpu.memory_space<vmem>>[vector<16xi32>], vector<16xf32>,
      %add3A_1929 = arith.constant 29 : i32
      %add3A_1930 = vector.broadcast %add3A_1929 : i32 to vector<16xi32>
      %add3A_1931 = arith.addi %add3A_149, %add3A_1930 : vector<16xi32>
      %gather3A_1932 = tpu.vector_load_idx %arg8[%add3A_1931] : memref<10032xf32, #tpu.memory_space<vmem>>[vector<16xi32>], vector<16xf32>,
      %add3A_1933 = arith.addf %gather3A_1916, %gather3A_1920 : vector<16xf32>
      %add3A_1934 = arith.addf %gather3A_1924, %gather3A_1928 : vector<16xf32>
      %add3A_1935 = arith.addf %add3A_1933, %add3A_1934 : vector<16xf32>
      %add3A_1936 = arith.addf %add3A_1935, %gather3A_1932 : vector<16xf32>
      %mul3A_1937 = arith.constant 16 : i32
      %mul3A_1938 = arith.muli %scan3A_15, %mul3A_1937 : i32
      %swap3A_1939 = arith.constant 29 : i32
      %swap3A_1940 = arith.index_cast %swap3A_1939 : i32 to index
      %swap3A_1941 = arith.index_cast %mul3A_1938 : i32 to index
      %swap3A_1942 = tpu.vector_load %arg9[%swap3A_1940, %swap3A_1941] {strides = array<i32>} : memref<64x512xf32, #tpu.memory_space<vmem>>, vector<16xf32>,
      tpu.vector_store %arg9[%swap3A_1940, %swap3A_1941], %add3A_1912 {strides = array<i32>} : memref<64x512xf32, #tpu.memory_space<vmem>>, vector<16xf32>,
      %mul3A_1943 = arith.constant 16 : i32
      %mul3A_1944 = arith.muli %scan3A_15, %mul3A_1943 : i32
      %swap3A_1945 = arith.constant 61 : i32
      %swap3A_1946 = arith.index_cast %swap3A_1945 : i32 to index
      %swap3A_1947 = arith.index_cast %mul3A_1944 : i32 to index
      %swap3A_1948 = tpu.vector_load %arg9[%swap3A_1946, %swap3A_1947] {strides = array<i32>} : memref<64x512xf32, #tpu.memory_space<vmem>>, vector<16xf32>,
      tpu.vector_store %arg9[%swap3A_1946, %swap3A_1947], %add3A_1936 {strides = array<i32>} : memref<64x512xf32, #tpu.memory_space<vmem>>, vector<16xf32>,
      %add3A_1949 = arith.constant 30 : i32
      %add3A_1950 = vector.broadcast %add3A_1949 : i32 to vector<16xi32>
      %add3A_1951 = arith.addi %mul3A_26, %add3A_1950 : vector<16xi32>
      %gather3A_1952 = tpu.vector_load_idx %arg8[%add3A_1951] : memref<10032xf32, #tpu.memory_space<vmem>>[vector<16xi32>], vector<16xf32>,
      %add3A_1953 = arith.constant 30 : i32
      %add3A_1954 = vector.broadcast %add3A_1953 : i32 to vector<16xi32>
      %add3A_1955 = arith.addi %mul3A_38, %add3A_1954 : vector<16xi32>
      %gather3A_1956 = tpu.vector_load_idx %arg8[%add3A_1955] : memref<10032xf32, #tpu.memory_space<vmem>>[vector<16xi32>], vector<16xf32>,
      %add3A_1957 = arith.constant 30 : i32
      %add3A_1958 = vector.broadcast %add3A_1957 : i32 to vector<16xi32>
      %add3A_1959 = arith.addi %mul3A_50, %add3A_1958 : vector<16xi32>
      %gather3A_1960 = tpu.vector_load_idx %arg8[%add3A_1959] : memref<10032xf32, #tpu.memory_space<vmem>>[vector<16xi32>], vector<16xf32>,
      %add3A_1961 = arith.constant 30 : i32
      %add3A_1962 = vector.broadcast %add3A_1961 : i32 to vector<16xi32>
      %add3A_1963 = arith.addi %mul3A_62, %add3A_1962 : vector<16xi32>
      %gather3A_1964 = tpu.vector_load_idx %arg8[%add3A_1963] : memref<10032xf32, #tpu.memory_space<vmem>>[vector<16xi32>], vector<16xf32>,
      %add3A_1965 = arith.constant 30 : i32
      %add3A_1966 = vector.broadcast %add3A_1965 : i32 to vector<16xi32>
      %add3A_1967 = arith.addi %mul3A_74, %add3A_1966 : vector<16xi32>
      %gather3A_1968 = tpu.vector_load_idx %arg8[%add3A_1967] : memref<10032xf32, #tpu.memory_space<vmem>>[vector<16xi32>], vector<16xf32>,
      %add3A_1969 = arith.addf %gather3A_1952, %gather3A_1956 : vector<16xf32>
      %add3A_1970 = arith.addf %gather3A_1960, %gather3A_1964 : vector<16xf32>
      %add3A_1971 = arith.addf %add3A_1969, %add3A_1970 : vector<16xf32>
      %add3A_1972 = arith.addf %add3A_1971, %gather3A_1968 : vector<16xf32>
      %add3A_1973 = arith.constant 30 : i32
      %add3A_1974 = vector.broadcast %add3A_1973 : i32 to vector<16xi32>
      %add3A_1975 = arith.addi %add3A_89, %add3A_1974 : vector<16xi32>
      %gather3A_1976 = tpu.vector_load_idx %arg8[%add3A_1975] : memref<10032xf32, #tpu.memory_space<vmem>>[vector<16xi32>], vector<16xf32>,
      %add3A_1977 = arith.constant 30 : i32
      %add3A_1978 = vector.broadcast %add3A_1977 : i32 to vector<16xi32>
      %add3A_1979 = arith.addi %add3A_104, %add3A_1978 : vector<16xi32>
      %gather3A_1980 = tpu.vector_load_idx %arg8[%add3A_1979] : memref<10032xf32, #tpu.memory_space<vmem>>[vector<16xi32>], vector<16xf32>,
      %add3A_1981 = arith.constant 30 : i32
      %add3A_1982 = vector.broadcast %add3A_1981 : i32 to vector<16xi32>
      %add3A_1983 = arith.addi %add3A_119, %add3A_1982 : vector<16xi32>
      %gather3A_1984 = tpu.vector_load_idx %arg8[%add3A_1983] : memref<10032xf32, #tpu.memory_space<vmem>>[vector<16xi32>], vector<16xf32>,
      %add3A_1985 = arith.constant 30 : i32
      %add3A_1986 = vector.broadcast %add3A_1985 : i32 to vector<16xi32>
      %add3A_1987 = arith.addi %add3A_134, %add3A_1986 : vector<16xi32>
      %gather3A_1988 = tpu.vector_load_idx %arg8[%add3A_1987] : memref<10032xf32, #tpu.memory_space<vmem>>[vector<16xi32>], vector<16xf32>,
      %add3A_1989 = arith.constant 30 : i32
      %add3A_1990 = vector.broadcast %add3A_1989 : i32 to vector<16xi32>
      %add3A_1991 = arith.addi %add3A_149, %add3A_1990 : vector<16xi32>
      %gather3A_1992 = tpu.vector_load_idx %arg8[%add3A_1991] : memref<10032xf32, #tpu.memory_space<vmem>>[vector<16xi32>], vector<16xf32>,
      %add3A_1993 = arith.addf %gather3A_1976, %gather3A_1980 : vector<16xf32>
      %add3A_1994 = arith.addf %gather3A_1984, %gather3A_1988 : vector<16xf32>
      %add3A_1995 = arith.addf %add3A_1993, %add3A_1994 : vector<16xf32>
      %add3A_1996 = arith.addf %add3A_1995, %gather3A_1992 : vector<16xf32>
      %mul3A_1997 = arith.constant 16 : i32
      %mul3A_1998 = arith.muli %scan3A_15, %mul3A_1997 : i32
      %swap3A_1999 = arith.constant 30 : i32
      %swap3A_2000 = arith.index_cast %swap3A_1999 : i32 to index
      %swap3A_2001 = arith.index_cast %mul3A_1998 : i32 to index
      %swap3A_2002 = tpu.vector_load %arg9[%swap3A_2000, %swap3A_2001] {strides = array<i32>} : memref<64x512xf32, #tpu.memory_space<vmem>>, vector<16xf32>,
      tpu.vector_store %arg9[%swap3A_2000, %swap3A_2001], %add3A_1972 {strides = array<i32>} : memref<64x512xf32, #tpu.memory_space<vmem>>, vector<16xf32>,
      %mul3A_2003 = arith.constant 16 : i32
      %mul3A_2004 = arith.muli %scan3A_15, %mul3A_2003 : i32
      %swap3A_2005 = arith.constant 62 : i32
      %swap3A_2006 = arith.index_cast %swap3A_2005 : i32 to index
      %swap3A_2007 = arith.index_cast %mul3A_2004 : i32 to index
      %swap3A_2008 = tpu.vector_load %arg9[%swap3A_2006, %swap3A_2007] {strides = array<i32>} : memref<64x512xf32, #tpu.memory_space<vmem>>, vector<16xf32>,
      tpu.vector_store %arg9[%swap3A_2006, %swap3A_2007], %add3A_1996 {strides = array<i32>} : memref<64x512xf32, #tpu.memory_space<vmem>>, vector<16xf32>,
      %add3A_2009 = arith.constant 31 : i32
      %add3A_2010 = vector.broadcast %add3A_2009 : i32 to vector<16xi32>
      %add3A_2011 = arith.addi %mul3A_26, %add3A_2010 : vector<16xi32>
      %gather3A_2012 = tpu.vector_load_idx %arg8[%add3A_2011] : memref<10032xf32, #tpu.memory_space<vmem>>[vector<16xi32>], vector<16xf32>,
      %add3A_2013 = arith.constant 31 : i32
      %add3A_2014 = vector.broadcast %add3A_2013 : i32 to vector<16xi32>
      %add3A_2015 = arith.addi %mul3A_38, %add3A_2014 : vector<16xi32>
      %gather3A_2016 = tpu.vector_load_idx %arg8[%add3A_2015] : memref<10032xf32, #tpu.memory_space<vmem>>[vector<16xi32>], vector<16xf32>,
      %add3A_2017 = arith.constant 31 : i32
      %add3A_2018 = vector.broadcast %add3A_2017 : i32 to vector<16xi32>
      %add3A_2019 = arith.addi %mul3A_50, %add3A_2018 : vector<16xi32>
      %gather3A_2020 = tpu.vector_load_idx %arg8[%add3A_2019] : memref<10032xf32, #tpu.memory_space<vmem>>[vector<16xi32>], vector<16xf32>,
      %add3A_2021 = arith.constant 31 : i32
      %add3A_2022 = vector.broadcast %add3A_2021 : i32 to vector<16xi32>
      %add3A_2023 = arith.addi %mul3A_62, %add3A_2022 : vector<16xi32>
      %gather3A_2024 = tpu.vector_load_idx %arg8[%add3A_2023] : memref<10032xf32, #tpu.memory_space<vmem>>[vector<16xi32>], vector<16xf32>,
      %add3A_2025 = arith.constant 31 : i32
      %add3A_2026 = vector.broadcast %add3A_2025 : i32 to vector<16xi32>
      %add3A_2027 = arith.addi %mul3A_74, %add3A_2026 : vector<16xi32>
      %gather3A_2028 = tpu.vector_load_idx %arg8[%add3A_2027] : memref<10032xf32, #tpu.memory_space<vmem>>[vector<16xi32>], vector<16xf32>,
      %add3A_2029 = arith.addf %gather3A_2012, %gather3A_2016 : vector<16xf32>
      %add3A_2030 = arith.addf %gather3A_2020, %gather3A_2024 : vector<16xf32>
      %add3A_2031 = arith.addf %add3A_2029, %add3A_2030 : vector<16xf32>
      %add3A_2032 = arith.addf %add3A_2031, %gather3A_2028 : vector<16xf32>
      %add3A_2033 = arith.constant 31 : i32
      %add3A_2034 = vector.broadcast %add3A_2033 : i32 to vector<16xi32>
      %add3A_2035 = arith.addi %add3A_89, %add3A_2034 : vector<16xi32>
      %gather3A_2036 = tpu.vector_load_idx %arg8[%add3A_2035] : memref<10032xf32, #tpu.memory_space<vmem>>[vector<16xi32>], vector<16xf32>,
      %add3A_2037 = arith.constant 31 : i32
      %add3A_2038 = vector.broadcast %add3A_2037 : i32 to vector<16xi32>
      %add3A_2039 = arith.addi %add3A_104, %add3A_2038 : vector<16xi32>
      %gather3A_2040 = tpu.vector_load_idx %arg8[%add3A_2039] : memref<10032xf32, #tpu.memory_space<vmem>>[vector<16xi32>], vector<16xf32>,
      %add3A_2041 = arith.constant 31 : i32
      %add3A_2042 = vector.broadcast %add3A_2041 : i32 to vector<16xi32>
      %add3A_2043 = arith.addi %add3A_119, %add3A_2042 : vector<16xi32>
      %gather3A_2044 = tpu.vector_load_idx %arg8[%add3A_2043] : memref<10032xf32, #tpu.memory_space<vmem>>[vector<16xi32>], vector<16xf32>,
      %add3A_2045 = arith.constant 31 : i32
      %add3A_2046 = vector.broadcast %add3A_2045 : i32 to vector<16xi32>
      %add3A_2047 = arith.addi %add3A_134, %add3A_2046 : vector<16xi32>
      %gather3A_2048 = tpu.vector_load_idx %arg8[%add3A_2047] : memref<10032xf32, #tpu.memory_space<vmem>>[vector<16xi32>], vector<16xf32>,
      %add3A_2049 = arith.constant 31 : i32
      %add3A_2050 = vector.broadcast %add3A_2049 : i32 to vector<16xi32>
      %add3A_2051 = arith.addi %add3A_149, %add3A_2050 : vector<16xi32>
      %gather3A_2052 = tpu.vector_load_idx %arg8[%add3A_2051] : memref<10032xf32, #tpu.memory_space<vmem>>[vector<16xi32>], vector<16xf32>,
      %add3A_2053 = arith.addf %gather3A_2036, %gather3A_2040 : vector<16xf32>
      %add3A_2054 = arith.addf %gather3A_2044, %gather3A_2048 : vector<16xf32>
      %add3A_2055 = arith.addf %add3A_2053, %add3A_2054 : vector<16xf32>
      %add3A_2056 = arith.addf %add3A_2055, %gather3A_2052 : vector<16xf32>
      %mul3A_2057 = arith.constant 16 : i32
      %mul3A_2058 = arith.muli %scan3A_15, %mul3A_2057 : i32
      %swap3A_2059 = arith.constant 31 : i32
      %swap3A_2060 = arith.index_cast %swap3A_2059 : i32 to index
      %swap3A_2061 = arith.index_cast %mul3A_2058 : i32 to index
      %swap3A_2062 = tpu.vector_load %arg9[%swap3A_2060, %swap3A_2061] {strides = array<i32>} : memref<64x512xf32, #tpu.memory_space<vmem>>, vector<16xf32>,
      tpu.vector_store %arg9[%swap3A_2060, %swap3A_2061], %add3A_2032 {strides = array<i32>} : memref<64x512xf32, #tpu.memory_space<vmem>>, vector<16xf32>,
      %mul3A_2063 = arith.constant 16 : i32
      %mul3A_2064 = arith.muli %scan3A_15, %mul3A_2063 : i32
      %swap3A_2065 = arith.constant 63 : i32
      %swap3A_2066 = arith.index_cast %swap3A_2065 : i32 to index
      %swap3A_2067 = arith.index_cast %mul3A_2064 : i32 to index
      %swap3A_2068 = tpu.vector_load %arg9[%swap3A_2066, %swap3A_2067] {strides = array<i32>} : memref<64x512xf32, #tpu.memory_space<vmem>>, vector<16xf32>,
      tpu.vector_store %arg9[%swap3A_2066, %swap3A_2067], %add3A_2056 {strides = array<i32>} : memref<64x512xf32, #tpu.memory_space<vmem>>, vector<16xf32>,
    }
    %scan3A_14 = arith.constant 32 : i32
    "tpu.region"() ({
      %run_scoped3A = tpu.sem_alloc : memref<!tpu.dma_semaphore, #tpu.memory_space<semaphore_mem>>
      %dma_start3A = arith.constant 0 : i32
      %dma_start3A_15 = tpu.memref_slice %arg5[%dma_start3A, %mul3A_2] : memref<64x16384xf32, #tpu.memory_space<hbm>> -> memref<64x512xf32, #tpu.memory_space<hbm>>
      %dma_start3A_16 = arith.constant 0 : i32
      %dma_start3A_17 = tpu.memref_slice %arg5[%dma_start3A_16, %mul3A_2] : memref<64x16384xf32, #tpu.memory_space<hbm>> -> memref<64x512xf32, #tpu.memory_space<hbm>>
      tpu.enqueue_dma source(%arg9 : memref<64x512xf32, #tpu.memory_space<vmem>>) target(%dma_start3A_17 : memref<64x512xf32, #tpu.memory_space<hbm>>) target_semaphore(%run_scoped3A : memref<!tpu.dma_semaphore, #tpu.memory_space<semaphore_mem>>)
      %dma_wait3A = arith.constant 0 : i32
      %dma_wait3A_18 = tpu.memref_slice %arg5[%dma_wait3A, %mul3A_2] : memref<64x16384xf32, #tpu.memory_space<hbm>> -> memref<64x512xf32, #tpu.memory_space<hbm>>
      %dma_wait3A_19 = arith.constant 0 : i32
      %dma_wait3A_20 = tpu.memref_slice %arg5[%dma_wait3A_19, %mul3A_2] : memref<64x16384xf32, #tpu.memory_space<hbm>> -> memref<64x512xf32, #tpu.memory_space<hbm>>
      tpu.wait_dma2 semaphore(%run_scoped3A : memref<!tpu.dma_semaphore, #tpu.memory_space<semaphore_mem>>) src(%arg9 : memref<64x512xf32, #tpu.memory_space<vmem>>) dst(%dma_wait3A_20 : memref<64x512xf32, #tpu.memory_space<hbm>>)
      tpu.yield
    }) : () -> ()
    return
  }
}

module attributes {stable_mosaic.version = 14 : i64} {
  func.func @_mlp_body(%arg0: i32, %arg1: memref<64x4096xf32, #tpu.memory_space<vmem>>, %arg2: memref<64x32xf32, #tpu.memory_space<vmem>>, %arg3: memref<32x1xf32, #tpu.memory_space<vmem>>, %arg4: memref<32x16xf32, #tpu.memory_space<vmem>>, %arg5: memref<16x1xf32, #tpu.memory_space<vmem>>, %arg6: memref<16x1xf32, #tpu.memory_space<vmem>>, %arg7: memref<1x1xf32, #tpu.memory_space<vmem>>, %arg8: memref<1x4096xf32, #tpu.memory_space<vmem>>) attributes {dimension_semantics = [#tpu.dimension_semantics<arbitrary>], iteration_bounds = array<i64: 4>, scalar_prefetch = 0 : i64, scratch_operands = 0 : i64, tpu.core_type = #tpu.core_type<tc>, window_params = [{transform_indices = @transform_0, window_bounds = array<i64: 64, 4096>}, {pipeline_mode = #tpu.pipeline_mode<synchronous>, transform_indices = @transform_1, window_bounds = array<i64: 64, 32>}, {pipeline_mode = #tpu.pipeline_mode<synchronous>, transform_indices = @transform_2, window_bounds = array<i64: 32, 1>}, {pipeline_mode = #tpu.pipeline_mode<synchronous>, transform_indices = @transform_3, window_bounds = array<i64: 32, 16>}, {pipeline_mode = #tpu.pipeline_mode<synchronous>, transform_indices = @transform_4, window_bounds = array<i64: 16, 1>}, {pipeline_mode = #tpu.pipeline_mode<synchronous>, transform_indices = @transform_5, window_bounds = array<i64: 16, 1>}, {pipeline_mode = #tpu.pipeline_mode<synchronous>, transform_indices = @transform_6, window_bounds = array<i64: 1, 1>}, {transform_indices = @transform_7, window_bounds = array<i64: 1, 4096>}]} {
    %get3A = arith.constant 0 : index
    %get3A_0 = arith.constant 0 : index
    %get3A_1 = vector.load %arg2[%get3A, %get3A_0] : memref<64x32xf32, #tpu.memory_space<vmem>>, vector<64x32xf32>
    %get3A_2 = arith.constant 0 : index
    %get3A_3 = arith.constant 0 : index
    %get3A_4 = vector.load %arg1[%get3A_2, %get3A_3] : memref<64x4096xf32, #tpu.memory_space<vmem>>, vector<64x4096xf32>
    %dot_general3A = arith.constant dense<0.000000e+00> : vector<32x4096xf32>
    %dot_general3A_5 = tpu.matmul %get3A_1, %get3A_4, %dot_general3A {dimension_numbers = #tpu.dot_dimension_numbers<[0], [0], [1], [1], [0, 1, 1, 1], [], []>, transpose_lhs_hint = false} : vector<64x32xf32>, vector<64x4096xf32>, vector<32x4096xf32> -> vector<32x4096xf32>
    %get3A_6 = arith.constant 0 : index
    %get3A_7 = arith.constant 0 : index
    %get3A_8 = vector.load %arg3[%get3A_6, %get3A_7] : memref<32x1xf32, #tpu.memory_space<vmem>>, vector<32x1xf32>
    %add3A = vector.broadcast %get3A_8 : vector<32x1xf32> to vector<32x4096xf32>
    %add3A_9 = arith.addf %dot_general3A_5, %add3A : vector<32x4096xf32>
    %max3A = arith.constant 0.000000e+00 : f32
    %max3A_10 = vector.broadcast %max3A : f32 to vector<32x4096xf32>
    %max3A_11 = arith.maximumf %add3A_9, %max3A_10 : vector<32x4096xf32>
    %get3A_12 = arith.constant 0 : index
    %get3A_13 = arith.constant 0 : index
    %get3A_14 = vector.load %arg4[%get3A_12, %get3A_13] : memref<32x16xf32, #tpu.memory_space<vmem>>, vector<32x16xf32>
    %dot_general3A_15 = arith.constant dense<0.000000e+00> : vector<16x4096xf32>
    %dot_general3A_16 = tpu.matmul %get3A_14, %max3A_11, %dot_general3A_15 {dimension_numbers = #tpu.dot_dimension_numbers<[0], [0], [1], [1], [0, 1, 1, 1], [], []>, transpose_lhs_hint = false} : vector<32x16xf32>, vector<32x4096xf32>, vector<16x4096xf32> -> vector<16x4096xf32>
    %get3A_17 = arith.constant 0 : index
    %get3A_18 = arith.constant 0 : index
    %get3A_19 = vector.load %arg5[%get3A_17, %get3A_18] : memref<16x1xf32, #tpu.memory_space<vmem>>, vector<16x1xf32>
    %add3A_20 = vector.broadcast %get3A_19 : vector<16x1xf32> to vector<16x4096xf32>
    %add3A_21 = arith.addf %dot_general3A_16, %add3A_20 : vector<16x4096xf32>
    %max3A_22 = arith.constant 0.000000e+00 : f32
    %max3A_23 = vector.broadcast %max3A_22 : f32 to vector<16x4096xf32>
    %max3A_24 = arith.maximumf %add3A_21, %max3A_23 : vector<16x4096xf32>
    %get3A_25 = arith.constant 0 : index
    %get3A_26 = arith.constant 0 : index
    %get3A_27 = vector.load %arg6[%get3A_25, %get3A_26] : memref<16x1xf32, #tpu.memory_space<vmem>>, vector<16x1xf32>
    %dot_general3A_28 = arith.constant dense<0.000000e+00> : vector<1x4096xf32>
    %dot_general3A_29 = tpu.matmul %get3A_27, %max3A_24, %dot_general3A_28 {dimension_numbers = #tpu.dot_dimension_numbers<[0], [0], [1], [1], [0, 1, 1, 1], [], []>, transpose_lhs_hint = false} : vector<16x1xf32>, vector<16x4096xf32>, vector<1x4096xf32> -> vector<1x4096xf32>
    %get3A_30 = arith.constant 0 : index
    %get3A_31 = arith.constant 0 : index
    %get3A_32 = vector.load %arg7[%get3A_30, %get3A_31] : memref<1x1xf32, #tpu.memory_space<vmem>>, vector<1x1xf32>
    %add3A_33 = vector.broadcast %get3A_32 : vector<1x1xf32> to vector<1x4096xf32>
    %add3A_34 = arith.addf %dot_general3A_29, %add3A_33 : vector<1x4096xf32>
    %max3A_35 = arith.constant 0.000000e+00 : f32
    %max3A_36 = vector.broadcast %max3A_35 : f32 to vector<1x4096xf32>
    %max3A_37 = arith.maximumf %add3A_34, %max3A_36 : vector<1x4096xf32>
    %swap3A = arith.constant 0 : index
    %swap3A_38 = arith.constant 0 : index
    %swap3A_39 = vector.load %arg8[%swap3A, %swap3A_38] : memref<1x4096xf32, #tpu.memory_space<vmem>>, vector<1x4096xf32>
    tpu.vector_store %arg8[%swap3A, %swap3A_38], %max3A_37 {strides = array<i32>} : memref<1x4096xf32, #tpu.memory_space<vmem>>, vector<1x4096xf32>,
    return
  }
  func.func @transform_0(%arg0: i32) -> (i32, i32) {
    %c0_i32 = arith.constant 0 : i32
    %c0_i32_0 = arith.constant 0 : i32
    return %c0_i32, %arg0 : i32, i32
  }
  func.func @transform_1(%arg0: i32) -> (i32, i32) {
    %c0_i32 = arith.constant 0 : i32
    %c0_i32_0 = arith.constant 0 : i32
    %c0_i32_1 = arith.constant 0 : i32
    return %c0_i32, %c0_i32_0 : i32, i32
  }
  func.func @transform_2(%arg0: i32) -> (i32, i32) {
    %c0_i32 = arith.constant 0 : i32
    %c0_i32_0 = arith.constant 0 : i32
    %c0_i32_1 = arith.constant 0 : i32
    return %c0_i32, %c0_i32_0 : i32, i32
  }
  func.func @transform_3(%arg0: i32) -> (i32, i32) {
    %c0_i32 = arith.constant 0 : i32
    %c0_i32_0 = arith.constant 0 : i32
    %c0_i32_1 = arith.constant 0 : i32
    return %c0_i32, %c0_i32_0 : i32, i32
  }
  func.func @transform_4(%arg0: i32) -> (i32, i32) {
    %c0_i32 = arith.constant 0 : i32
    %c0_i32_0 = arith.constant 0 : i32
    %c0_i32_1 = arith.constant 0 : i32
    return %c0_i32, %c0_i32_0 : i32, i32
  }
  func.func @transform_5(%arg0: i32) -> (i32, i32) {
    %c0_i32 = arith.constant 0 : i32
    %c0_i32_0 = arith.constant 0 : i32
    %c0_i32_1 = arith.constant 0 : i32
    return %c0_i32, %c0_i32_0 : i32, i32
  }
  func.func @transform_6(%arg0: i32) -> (i32, i32) {
    %c0_i32 = arith.constant 0 : i32
    %c0_i32_0 = arith.constant 0 : i32
    %c0_i32_1 = arith.constant 0 : i32
    return %c0_i32, %c0_i32_0 : i32, i32
  }
  func.func @transform_7(%arg0: i32) -> (i32, i32) {
    %c0_i32 = arith.constant 0 : i32
    %c0_i32_0 = arith.constant 0 : i32
    return %c0_i32, %arg0 : i32, i32
  }
}

</mosaic_0001>

<sc_bundles>
// kernel: kernel.4.cloned.1.call-start
scs
__scs_entry_jumppad:
0x0: {  	(pc) =	sbr.rel $0x88, $3  }
0x1: {  	(tag) =	ssettag $0x0;
	lr =	simm.s32 $0x1  }
0x2: {  	[smem:$0x3F97] =	sst lr;
	_ =	strace $0xD0000000  }
0x3: {  	_ = 	snop  }
0x4: {  	_ = 	snop  }
0x5: {  	_ = 	snop  }
0x6: {  	_ = 	snop  }
0x7: {  	_ = 	snop  }
__scs_overlays_trampoline_lowered:
0x8: {  	[smem:$0x3FA6] =	sst s0  }
0x9: {  	[smem:$0x3FA7] =	sst s1  }
0xa: {  	[smem:$0x3FA8] =	sst s2  }
0xb: {  	[smem:$0x3FA9] =	sst s3  }
0xc: {  	[smem:$0x3FAA] =	sst s4  }
0xd: {  	[smem:$0x3FAB] =	sst s5  }
0xe: {  	[smem:$0x3FAC] =	sst s6  }
0xf: {  	[smem:$0x3FAD] =	sst s7  }
0x10: {  	[smem:$0x3FAE] =	sst s8  }
0x11: {  	[smem:$0x3FAF] =	sst s9;
	s0 =	simm.s32 @!p0 $0x0  }
0x12: {  	s1 =	sld [smem:$0x3F95];
	s0 =	simm.s32 @p0 $0x1  }
0x13: {  	[smem:$0x3FB0] =	sst s0;
	s0 =	simm.s32 @!p1 $0x0  }
0x14: {  	s2 =	sld [smem:$0x3F94];
	s0 =	simm.s32 @p1 $0x1  }
0x15: {  	[smem:$0x3FB1] =	sst s0;
	s0 =	simm.s32 @!p2 $0x0  }
0x16: {  	s3 =	sld [smem:$0x3FDB];
	s0 =	simm.s32 @p2 $0x1  }
0x17: {  	s4 =	simm.s32 $0x1BF5;
	[smem:$0x3FB3] =	sst s0  }
0x18: {  	s0 =	sld [smem:$0x3F96];
	_ =	swait.ge [sflag:s4], $0x0  }
0x19: {  	s7 =	sld [smem:$0x3F97]  }
0x1a: {  	s8 =	sadd.s32 $0xFFFFE003, lr  }
0x1b: {  	s9 =	sadd.s32 $0xFFFFFEF7, lr;
	s5 =	simm.s32 $0xFFFFFFFF;
	p2 =	slt.u32 s8, $0xFFFFF086  }
0x1c: {  	p1 =	slt.u32 s9, $0xF7A;
	s5 =	simm.s32 @!p2 $0x0  }
0x1d: {  	s5 =	simm.s32 @p1 $0x1;
	p0 =	seq.s32 s7, s2  }
0x1e: {  	s7 =	smul.u32 @!p0 $0xF7A, s2;
	p2 =	seq.s32 @!p0 s5, $0x0  }
0x1f: {  	s9 =	smul.u32 $0xF7A, s1;
	s8 =	simm.s32 @!p0 $0x1BF5;
	p2 =	por !p2, p0  }
0x20: {  	[sflag:s8] =	ssyncset.s32 @!p0 $0xFFFFF086;
	s6 =	sadd.s32 @!p0 s3, s7;
	s7 =	simm.s32 @!p0 $0x108  }
0x21: {  	s3 =	sadd.s32 s3, s9;
	s6 =	sadd.s32 @!p0 $0x88, s6;
	s7 =	simm.s32 @p2 $0x1082  }
0x22: {  	[simem:s7], [sflag:s8] =	dma.local @!p0 [hbm:s6], $0xF7A  }
0x23: {  	s9 =	sor.u32 $0xD0000000, s2;
	s6 =	simm.s32 $0x108;
	_ =	swait.ge @!p0 [sflag:s8], $0x0  }
0x24: {  	s3 =	sadd.s32 $0x88, s3;
	s6 =	simm.s32 @!p1 $0x1082;
	[sflag:s4] =	ssyncset.s32 $0xFFFFF086  }
0x25: {  	[simem:s6], [sflag:s4] =	dma.local [hbm:s3], $0xF7A  }
0x26: {  	[smem:$0x3F97] =	sst s1;
	(tag) =	ssettag s2;
	_ =	strace s9  }
0x27: {  	s1 =	sld [smem:$0x3FA7]  }
0x28: {  	s2 =	sld [smem:$0x3FA8]  }
0x29: {  	s4 =	sld [smem:$0x3FAA]  }
0x2a: {  	p0 =	seq.s32 s5, $0x0;
	s5 =	sld [smem:$0x3FAB]  }
0x2b: {  	s6 =	sld [smem:$0x3FAC]  }
0x2c: {  	s7 =	sld [smem:$0x3FAD]  }
0x2d: {  	s3 =	simm.s32 $0x108;
	s8 =	sld [smem:$0x3FAE]  }
0x2e: {  	s3 =	simm.s32 @!p0 $0x1082;
	s9 =	sld [smem:$0x3FAF]  }
0x2f: {  	lr =	sadd.s32 s0, s3;
	s0 =	sld [smem:$0x3FA6]  }
0x30: {  	s3 =	sld [smem:$0x3FA9]  }
0x31: {  	[smem:$0x3FB2] =	sst s10  }
0x32: {  	s10 =	sld [smem:$0x3FB0];
	_ =	sdelay $0x3  }
0x33: {  	p0 =	seq.s32 s10, $0x1;
	s10 =	sld [smem:$0x3FB2];
	_ =	sdelay $0x3  }
0x34: {  	[smem:$0x3FB2] =	sst s10  }
0x35: {  	s10 =	sld [smem:$0x3FB1];
	_ =	sdelay $0x3  }
0x36: {  	p1 =	seq.s32 s10, $0x1;
	s10 =	sld [smem:$0x3FB2];
	_ =	sdelay $0x3  }
0x37: {  	[smem:$0x3FB2] =	sst s10  }
0x38: {  	s10 =	sld [smem:$0x3FB3]  }
0x39: {  	_ = 	snop;
	(pc) =	sbr.ind lr, $3  }
0x3a: {  	_ = 	snop  }
0x3b: {  	_ = 	snop  }
0x3c: {  	p2 =	seq.s32 s10, $0x1;
	s10 =	sld [smem:$0x3FB2]  }
0x3d: {  	_ =	shalt  }
0x3e: {  	_ =	shalt  }
0x3f: {  	_ =	shalt  }
0x40: {  	_ =	shalt  }
0x41: {  	_ =	shalt  }
0x42: {  	_ =	shalt  }
0x43: {  	_ =	shalt  }
0x44: {  	_ =	shalt  }
0x45: {  	_ =	shalt  }
0x46: {  	_ =	shalt  }
0x47: {  	_ =	shalt  }
0x48: {  	_ =	shalt  }
0x49: {  	_ =	shalt  }
0x4a: {  	_ =	shalt  }
0x4b: {  	_ =	shalt  }
0x4c: {  	_ =	shalt  }
0x4d: {  	_ =	shalt  }
0x4e: {  	_ =	shalt  }
0x4f: {  	_ =	shalt  }
0x50: {  	_ =	shalt  }
0x51: {  	_ =	shalt  }
0x52: {  	_ =	shalt  }
0x53: {  	_ =	shalt  }
0x54: {  	_ =	shalt  }
0x55: {  	_ =	shalt  }
0x56: {  	_ =	shalt  }
0x57: {  	_ =	shalt  }
0x58: {  	_ =	shalt  }
0x59: {  	_ =	shalt  }
0x5a: {  	_ =	shalt  }
0x5b: {  	_ =	shalt  }
0x5c: {  	_ =	shalt  }
0x5d: {  	_ =	shalt  }
0x5e: {  	_ =	shalt  }
0x5f: {  	_ =	shalt  }
0x60: {  	_ =	shalt  }
0x61: {  	_ =	shalt  }
0x62: {  	_ =	shalt  }
0x63: {  	_ =	shalt  }
0x64: {  	_ =	shalt  }
0x65: {  	_ =	shalt  }
0x66: {  	_ =	shalt  }
0x67: {  	_ =	shalt  }
0x68: {  	_ =	shalt  }
0x69: {  	_ =	shalt  }
0x6a: {  	_ =	shalt  }
0x6b: {  	_ =	shalt  }
0x6c: {  	_ =	shalt  }
0x6d: {  	_ =	shalt  }
0x6e: {  	_ =	shalt  }
0x6f: {  	_ =	shalt  }
0x70: {  	_ =	shalt  }
0x71: {  	_ =	shalt  }
0x72: {  	_ =	shalt  }
0x73: {  	_ =	shalt  }
0x74: {  	_ =	shalt  }
0x75: {  	_ =	shalt  }
0x76: {  	_ =	shalt  }
0x77: {  	_ =	shalt  }
0x78: {  	_ =	shalt  }
0x79: {  	_ =	shalt  }
0x7a: {  	_ =	shalt  }
0x7b: {  	_ =	shalt  }
0x7c: {  	_ =	shalt  }
0x7d: {  	_ =	shalt  }
0x7e: {  	_ =	shalt  }
0x7f: {  	_ =	shalt  }
0x80: {  	_ =	shalt  }
0x81: {  	_ =	shalt  }
0x82: {  	_ =	shalt  }
0x83: {  	_ =	shalt  }
0x84: {  	_ =	shalt  }
0x85: {  	_ =	shalt  }
0x86: {  	_ =	shalt  }
0x87: {  	_ =	shalt  }
.Lfunc_end0:
.L_simem_size_0:
called_computation_lowered:
.L_overlay_start_0:
0x88: {  	s2 =	sld [smem:$0x3FD9]  }
0x89: {  	s3 =	sld [smem:$0x3FFE];
	_ =	sdelay $0x1  }
0x8a: {  	s1 =	srdreg.scid  }
0x8b: {  	s0 =	sand.u32 $0x1, s1  }
0x8c: {  	s17 =	sshll.u32 s0, $0xA;
	s2 =	sadd.s32 s3, s2  }
0x8d: {  	s2 =	sadd.s32 s2, s17  }
0x8e: {  	[smem:$0x3FBE] =	sst s2  }
0x8f: {  	_ = 	snop  }
0x90: {  	s2 =	sld [smem:$0x3FD0];
	(tm) =	ssettm $0x1  }
0x91: {  	s18 =	sld [smem:$0x3FFB];
	_ =	sdelay $0x3  }
0x92: {  	_ =	strace s18  }
0x93: {  	s3 =	sld [smem:$0x3FFC];
	_ =	sdelay $0x3  }
0x94: {  	_ =	strace s3  }
0x95: {  	s3 =	sld [smem:$0x3FFD];
	_ =	sdelay $0x3  }
0x96: {  	_ =	strace s3  }
0x97: {  	_ =	strace $0x8FFFFFFF  }
0x98: {  	s19 =	sld [smem:$0x3FDB];
	_ =	sdelay $0x1  }
0x99: {  	s4 =	simm.s32 $_scs_section_size  }
0x9a: {  	s5 =	simm.s32 $_size__tile_overlayer_lowered;
	s6 =	simm.s32 $_tile_overlayer_lowered  }
0x9b: {  	s22 =	simm.s32 $0x1BFF;
	s21 =	sshll.u32 s6, $0x1;
	s3 =	sadd.s32 s4, s19  }
0x9c: {  	s7 =	simm.s32 $0x0;
	s20 =	sshll.u32 s5, $0x1;
	s5 =	sadd.s32 s21, s3  }
0x9d: {  	[timem:s7], [sflag:s22] =	dma.local [hbm:s5], s20  }
0x9e: {  	_ =	swait.ge [sflag:s22], s20  }
0x9f: {  	s4 =	ssub.s32 $0x0, s20;
	[sflag:s22] =	ssyncset.done $0x0  }
0xa0: {  	[sflag:s22] =	ssyncadd.s32 s4;
	_ =	sdelay $0x1  }
0xa1: {  	s23 =	simm.s32 $0x1B8B  }
0xa2: {  	_ =	swait.ge [sflag:s23], $0x1  }
0xa3: {  	[sflag:s23] =	ssyncset.done $0x0  }
0xa4: {  	s25 =	simm.s32 $0x1B8E;
	s24 =	sld [smem:$0x3FFE];
	[sflag:s23] =	ssyncadd.s32 $0xFFFFFFFF  }
0xa5: {  	s26 =	simm.s32 $execute0_lowered;
	[smem:$0x3FD2] =	sst s25  }
0xa6: {  	s5 =	sshll.u32 s26, $0x1;
	_ =	strace $0x80000046;
	[dreg:$0x1] =	wrdreg $0xFFFFFFFF  }
0xa7: {  	s28 =	simm.s32 $_size_execute0_lowered;
	s3 =	sadd.s32 s3, s5;
	[dreg:$0x0] =	wrdreg $0x0  }
0xa8: {  	s5 =	sshll.u32 s28, $0x1;
	[dreg:$0x2] =	wrdreg s3  }
0xa9: {  	[dreg:$0x3] =	wrdreg s5  }
0xaa: {  	[dreg:$0x4] =	wrdreg $0xC0  }
0xab: {  	_ =	task [dreg:s7], $0x5FFFF  }
0xac: {  	[dreg:$0x1] =	wrdreg $0xFFFFFFFF  }
0xad: {  	[dreg:$0x0] =	wrdreg $0x60  }
0xae: {  	[dreg:$0x2] =	wrdreg s24  }
0xaf: {  	[dreg:$0x3] =	wrdreg s2  }
0xb0: {  	[dreg:$0x4] =	wrdreg $0x9  }
0xb1: {  	_ =	task.clear_ibuf [dreg:s7], $0x5FFFF;
	_ =	strace $0x90000046  }
0xb2: {  	s29 =	simm.s32 $0x9;
	_ =	strace $0x80000048  }
0xb3: {  	_ =	swait.ge [sflag:s29], $0x1  }
0xb4: {  	[sflag:s29] =	ssyncadd.s32 $0xFFFFFFFF  }
0xb5: {  	_ =	strace $0x90000048  }
0xb6: {  	_ =	sfence  }
0xb7: {  	s30 =	sld [smem:$0x0];
	_ =	sdelay $0x2  }
0xb8: {  	s31 =	sshll.u32 s1, $0xD;
	s1 =	sshrl.u32 s1, $0x2  }
0xb9: {  	s3 =	sand.u32 $0x4000, s31;
	s1 =	sadd.s32 s1, s30  }
0xba: {  	s0 =	sor.u32 s3, s0;
	s1 =	sshll.u32 s1, $0x11  }
0xbb: {  	s0 =	sor.u32 s1, s0  }
0xbc: {  	s0 =	sadd.s32 $0x8F2B, s0  }
0xbd: {  	[sflag:s0] =	ssyncadd.remote.s32 $0x1  }
0xbe: {  	_ =	sfence.sel $0xFFFF  }
0xbf: {  	[dreg:$0x0] =	wrdreg $0xFFFFFFFF;
	(pc) =	sbr.abs _section_cstart, $3  }
0xc0: {  	[dreg:$0x1] =	wrdreg $0xFFFFFFFF  }
0xc1: {  	_ =	task.clear_ibuf [dreg:s7], $0x2FFFF;
	_ =	strace $0x9FFFFFFF  }
0xc2: {  	(tm) =	ssettm $0x7FFFFFFF  }
0xc3: {  	_ =	shalt  }
tec
execute0_lowered:
.L_overlay_start_1:
0x0: {  	(tag) =	ssettag $0x1  }
0x1: {  	s4 =	rddreg [dreg:$0x0];
	s1 =	srdreg.scid  }
0x2: {  	s0 =	stileid.u32;
	s2 =	rddreg [dreg:$0x1];
	s3 =	simm.s32 $0x0  }
0x3: {  	s9 =	simm.s32 $0x1;
	s10 =	simm.s32 $0xA00;
	s11 =	simm.s32 $0x1000  }
0x4: {  	s12 =	simm.s32 $0x20000;
	s5 =	sand.u32 $0x1, s1;
	s6 =	sshll.u32 s0, $0x1  }
0x5: {  	s13 =	simm.s32 $0x3B80;
	s1 =	rddreg [dreg:$0x2];
	s6 =	sor.u32 s5, s6  }
0x6: {  	s14 =	simm.s32 $0x0;
	[smem:$0x7FF] =	sst s3;
	s7 =	smul.u32 $0x140, s6  }
0x7: {  	_ =	strace $0x80000047;
	s5 =	ssub.s32 $0x2, s5;
	s6 =	sshll.u32 s6, $0x9  }
0x8: {  	s31 =	sshrl.u32 s5, $0x1;
	s6 =	sadd.s32 s6, s4;
	s7 =	sadd.s32 s7, s4  }
0x9: {  	v0 =	vlaneseq.u32;
	s8 =	ssub.s32 s5, s31;
	s6 =	sadd.s32 $0x6600, s6;
	s4 =	sadd.s32 $0x1600, s7  }
0xa: {  	v0 =	vmul.u32 $0x5, v0;
	s5 =	sadd.s32 $0x3E00, s7;
	s7 =	smax.u32 s8, $0x1;
	s8 =	simm.s32 $0x1400  }
.LBB2_1:
0xb: {  	[tilespmem:s8], [sflag:$0x1] =	stream.linear.gather [hbm4b:s2+s3], $0x2780, $0x38;
	[tilespmem:$0xBB80] =	vst v63  }
0xc: {  	_ =	swait.ge [sflag:s9], $0x2780  }
0xd: {  	[sflag:s9] =	ssyncset.done $0x0  }
0xe: {  	[sflag:s9] =	ssyncadd.s32 $0xFFFFD880  }
0xf: {  	[tilespmem:s3], [sflag:$0x1] =	stream.linear.gather [hbm4b:s4+s3], $0xA00, $0x38;
	[tilespmem:$0xBB80] =	vst v63  }
0x10: {  	_ =	swait.ge [sflag:s9], $0xA00  }
0x11: {  	[sflag:s9] =	ssyncset.done $0x0  }
0x12: {  	[sflag:s9] =	ssyncadd.s32 $0xFFFFF600  }
0x13: {  	[tilespmem:s10], [sflag:$0x1] =	stream.linear.gather [hbm4b:s5+s3], $0xA00, $0x38;
	[tilespmem:$0xBB80] =	vst v63  }
0x14: {  	_ =	swait.ge [sflag:s9], $0xA00  }
0x15: {  	s15 =	simm.s32 $0x4;
	[sflag:s9] =	ssyncset.done $0x0  }
0x16: {  	s16 =	simm.s32 $0x0;
	s17 =	simm.s32 $0x0;
	[sflag:s9] =	ssyncadd.s32 $0xFFFFF600  }
.LBB2_2:
0x17: {  	s18 =	sadd.s32 $0xFFFFFFFC, s15  }
0x18: {  	s26 =	sadd.s32 $0xFFFFFFFD, s15;
	v1 =	vadd.s32 s18, v0  }
0x19: {  	s28 =	sadd.s32 $0xFFFFFFFE, s15;
	v2 =	vadd.s32 s26, v0  }
0x1a: {  	s29 =	sadd.s32 $0xFFFFFFFF, s15;
	v3 =	vadd.s32 s28, v0  }
0x1b: {  	v4 =	vadd.s32 s29, v0;
	_ =	sdelay $0x1  }
0x1c: {  	v5 =	vld.idx.msk [tilespmem:v1+s3+$0x0], $0xffff  }
0x1d: {  	v7 =	vld.idx.msk [tilespmem:v2+s3+$0x0], $0xffff  }
0x1e: {  	v8 =	vld.idx.msk [tilespmem:v3+s3+$0x0], $0xffff  }
0x1f: {  	v9 =	vld.idx.msk [tilespmem:v4+s3+$0x0], $0xffff  }
0x20: {  	v1 =	vld.idx.msk [tilespmem:v1+s10+$0x0], $0xffff  }
0x21: {  	v10 =	vadd.s32 s15, v0;
	v2 =	vld.idx.msk [tilespmem:v2+s10+$0x0], $0xffff  }
0x22: {  	v3 =	vld.idx.msk [tilespmem:v3+s10+$0x0], $0xffff;
	v6 =	vmul.u32 $0x21, v5  }
0x23: {  	v36 =	vld.idx.msk [tilespmem:v4+s10+$0x0], $0xffff;
	v7 =	vmul.u32 $0x21, v7  }
0x24: {  	v8 =	vmul.u32 $0x21, v8  }
0x25: {  	v4 =	vmul.u32 $0x21, v9;
	v1 =	vmul.u32 $0x21, v1  }
0x26: {  	v37 =	vld.idx.msk [tilespmem:v10+s3+$0x0], $0xffff;
	v2 =	vmul.u32 $0x21, v2  }
0x27: {  	v12 =	vld.idx.msk [tilespmem:v10+s10+$0x0], $0xffff;
	v3 =	vmul.u32 $0x21, v3;
	v11 =	vadd.s32 $0x1398, v1  }
0x28: {  	v5 =	vmul.u32 $0x21, v36;
	v13 =	vadd.s32 $0x1398, v2;
	v14 =	vld.idx.msk [tilespmem:v6+s8+$0x0], $0xffff  }
0x29: {  	v15 =	vadd.s32 $0x1398, v3;
	v16 =	vld.idx.msk [tilespmem:v7+s8+$0x0], $0xffff  }
0x2a: {  	v17 =	vadd.s32 $0x1398, v5;
	v18 =	vld.idx.msk [tilespmem:v8+s8+$0x0], $0xffff  }
0x2b: {  	v19 =	vld.idx.msk [tilespmem:v4+s8+$0x0], $0xffff  }
0x2c: {  	v10 =	vmul.u32 $0x21, v37;
	v9 =	vmul.u32 $0x21, v12;
	v11 =	vld.idx.msk [tilespmem:v11+s8+$0x0], $0xffff  }
0x2d: {  	v38 =	vld.idx.msk [tilespmem:v13+s8+$0x0], $0xffff  }
0x2e: {  	v39 =	vadd.s32 $0x1398, v9;
	v15 =	vld.idx.msk [tilespmem:v15+s8+$0x0], $0xffff  }
0x2f: {  	v17 =	vld.idx.msk [tilespmem:v17+s8+$0x0], $0xffff;
	_ =	sdelay $0x2  }
0x30: {  	v20 =	vld.idx.msk [tilespmem:v10+s8+$0x0], $0xffff  }
0x31: {  	v13 =	vld.idx.msk [tilespmem:v39+s8+$0x0], $0xffff;
	v14 =	vadd.f32 v16, v14;
	v40 =	vadd.f32 v19, v18  }
0x32: {  	v11 =	vadd.f32 v38, v11;
	v41 =	vadd.f32 v17, v15  }
0x33: {  	v14 =	vadd.f32 v40, v14  }
0x34: {  	v42 =	vadd.s32 $0x1, v6;
	v11 =	vadd.f32 v41, v11  }
0x35: {  	s30 =	sand.u32 $0x70, s16;
	s19 =	sand.u32 $0xC00, s17;
	v43 =	vadd.s32 $0x1, v7;
	v14 =	vadd.f32 v14, v20  }
0x36: {  	s18 =	sor.u32 s30, s19;
	v44 =	vadd.s32 $0x1, v8;
	v11 =	vadd.f32 v11, v13  }
0x37: {  	v45 =	vadd.s32 $0x1, v4;
	[tilespmem:s18+$0x3B80] =	vst v14  }
0x38: {  	v46 =	vadd.s32 $0x1399, v1;
	[tilespmem:s18+$0x7B80] =	vst v11  }
0x39: {  	v47 =	vadd.s32 $0x1399, v2;
	v12 =	vld.idx.msk [tilespmem:v42+s8+$0x0], $0xffff  }
0x3a: {  	v48 =	vadd.s32 $0x1399, v3;
	v15 =	vld.idx.msk [tilespmem:v43+s8+$0x0], $0xffff  }
0x3b: {  	v49 =	vadd.s32 $0x1399, v5;
	v13 =	vld.idx.msk [tilespmem:v44+s8+$0x0], $0xffff  }
0x3c: {  	v14 =	vld.idx.msk [tilespmem:v45+s8+$0x0], $0xffff  }
0x3d: {  	v11 =	vld.idx.msk [tilespmem:v46+s8+$0x0], $0xffff  }
0x3e: {  	v50 =	vadd.s32 $0x1, v10;
	v16 =	vld.idx.msk [tilespmem:v47+s8+$0x0], $0xffff  }
0x3f: {  	v51 =	vadd.s32 $0x1399, v9;
	v17 =	vld.idx.msk [tilespmem:v48+s8+$0x0], $0xffff  }
0x40: {  	v18 =	vld.idx.msk [tilespmem:v49+s8+$0x0], $0xffff;
	_ =	sdelay $0x2  }
0x41: {  	v19 =	vld.idx.msk [tilespmem:v50+s8+$0x0], $0xffff  }
0x42: {  	v52 =	vld.idx.msk [tilespmem:v51+s8+$0x0], $0xffff;
	v12 =	vadd.f32 v15, v12;
	v13 =	vadd.f32 v14, v13  }
0x43: {  	v11 =	vadd.f32 v16, v11;
	v53 =	vadd.f32 v18, v17  }
0x44: {  	v12 =	vadd.f32 v13, v12  }
0x45: {  	v54 =	vadd.s32 $0x2, v6;
	v11 =	vadd.f32 v53, v11  }
0x46: {  	v55 =	vadd.s32 $0x2, v7;
	v12 =	vadd.f32 v12, v19  }
0x47: {  	v56 =	vadd.s32 $0x2, v8;
	v11 =	vadd.f32 v11, v52  }
0x48: {  	v57 =	vadd.s32 $0x2, v4;
	[tilespmem:s18+$0x3C00] =	vst v12  }
0x49: {  	v58 =	vadd.s32 $0x139A, v1;
	[tilespmem:s18+$0x7C00] =	vst v11  }
0x4a: {  	v59 =	vadd.s32 $0x139A, v2;
	v13 =	vld.idx.msk [tilespmem:v54+s8+$0x0], $0xffff  }
0x4b: {  	v60 =	vadd.s32 $0x139A, v3;
	v15 =	vld.idx.msk [tilespmem:v55+s8+$0x0], $0xffff  }
0x4c: {  	v61 =	vadd.s32 $0x139A, v5;
	v14 =	vld.idx.msk [tilespmem:v56+s8+$0x0], $0xffff  }
0x4d: {  	v12 =	vld.idx.msk [tilespmem:v57+s8+$0x0], $0xffff  }
0x4e: {  	v11 =	vld.idx.msk [tilespmem:v58+s8+$0x0], $0xffff  }
0x4f: {  	v62 =	vadd.s32 $0x2, v10;
	v16 =	vld.idx.msk [tilespmem:v59+s8+$0x0], $0xffff  }
0x50: {  	v63 =	vadd.s32 $0x139A, v9;
	v17 =	vld.idx.msk [tilespmem:v60+s8+$0x0], $0xffff  }
0x51: {  	v18 =	vld.idx.msk [tilespmem:v61+s8+$0x0], $0xffff;
	_ =	sdelay $0x2  }
0x52: {  	v19 =	vld.idx.msk [tilespmem:v62+s8+$0x0], $0xffff  }
0x53: {  	v24 =	vld.idx.msk [tilespmem:v63+s8+$0x0], $0xffff;
	v13 =	vadd.f32 v15, v13;
	v12 =	vadd.f32 v12, v14  }
0x54: {  	v11 =	vadd.f32 v16, v11;
	v25 =	vadd.f32 v18, v17  }
0x55: {  	v12 =	vadd.f32 v12, v13  }
0x56: {  	v26 =	vadd.s32 $0x3, v6;
	v11 =	vadd.f32 v25, v11  }
0x57: {  	v27 =	vadd.s32 $0x3, v7;
	v12 =	vadd.f32 v12, v19  }
0x58: {  	v28 =	vadd.s32 $0x3, v8;
	v11 =	vadd.f32 v11, v24  }
0x59: {  	v29 =	vadd.s32 $0x3, v4;
	[tilespmem:s18+$0x3C80] =	vst v12  }
0x5a: {  	v30 =	vadd.s32 $0x139B, v1;
	[tilespmem:s18+$0x7C80] =	vst v11  }
0x5b: {  	v31 =	vadd.s32 $0x139B, v2;
	v13 =	vld.idx.msk [tilespmem:v26+s8+$0x0], $0xffff  }
0x5c: {  	v32 =	vadd.s32 $0x139B, v3;
	v15 =	vld.idx.msk [tilespmem:v27+s8+$0x0], $0xffff  }
0x5d: {  	v33 =	vadd.s32 $0x139B, v5;
	v14 =	vld.idx.msk [tilespmem:v28+s8+$0x0], $0xffff  }
0x5e: {  	v12 =	vld.idx.msk [tilespmem:v29+s8+$0x0], $0xffff  }
0x5f: {  	v11 =	vld.idx.msk [tilespmem:v30+s8+$0x0], $0xffff  }
0x60: {  	v34 =	vadd.s32 $0x3, v10;
	v16 =	vld.idx.msk [tilespmem:v31+s8+$0x0], $0xffff  }
0x61: {  	v35 =	vadd.s32 $0x139B, v9;
	v17 =	vld.idx.msk [tilespmem:v32+s8+$0x0], $0xffff  }
0x62: {  	v18 =	vld.idx.msk [tilespmem:v33+s8+$0x0], $0xffff;
	_ =	sdelay $0x2  }
0x63: {  	v19 =	vld.idx.msk [tilespmem:v34+s8+$0x0], $0xffff  }
0x64: {  	v36 =	vld.idx.msk [tilespmem:v35+s8+$0x0], $0xffff;
	v13 =	vadd.f32 v15, v13;
	v12 =	vadd.f32 v12, v14  }
0x65: {  	v11 =	vadd.f32 v16, v11;
	v37 =	vadd.f32 v18, v17  }
0x66: {  	v12 =	vadd.f32 v12, v13  }
0x67: {  	v38 =	vadd.s32 $0x4, v6;
	v11 =	vadd.f32 v37, v11  }
0x68: {  	v39 =	vadd.s32 $0x4, v7;
	v12 =	vadd.f32 v12, v19  }
0x69: {  	v40 =	vadd.s32 $0x4, v8;
	v11 =	vadd.f32 v11, v36  }
0x6a: {  	v41 =	vadd.s32 $0x4, v4;
	[tilespmem:s18+$0x3D00] =	vst v12  }
0x6b: {  	v42 =	vadd.s32 $0x139C, v1;
	[tilespmem:s18+$0x7D00] =	vst v11  }
0x6c: {  	v43 =	vadd.s32 $0x139C, v2;
	v13 =	vld.idx.msk [tilespmem:v38+s8+$0x0], $0xffff  }
0x6d: {  	v44 =	vadd.s32 $0x139C, v3;
	v15 =	vld.idx.msk [tilespmem:v39+s8+$0x0], $0xffff  }
0x6e: {  	v45 =	vadd.s32 $0x139C, v5;
	v14 =	vld.idx.msk [tilespmem:v40+s8+$0x0], $0xffff  }
0x6f: {  	v12 =	vld.idx.msk [tilespmem:v41+s8+$0x0], $0xffff  }
0x70: {  	v11 =	vld.idx.msk [tilespmem:v42+s8+$0x0], $0xffff  }
0x71: {  	v46 =	vadd.s32 $0x4, v10;
	v16 =	vld.idx.msk [tilespmem:v43+s8+$0x0], $0xffff  }
0x72: {  	v47 =	vadd.s32 $0x139C, v9;
	v17 =	vld.idx.msk [tilespmem:v44+s8+$0x0], $0xffff  }
0x73: {  	v18 =	vld.idx.msk [tilespmem:v45+s8+$0x0], $0xffff;
	_ =	sdelay $0x2  }
0x74: {  	v19 =	vld.idx.msk [tilespmem:v46+s8+$0x0], $0xffff  }
0x75: {  	v48 =	vld.idx.msk [tilespmem:v47+s8+$0x0], $0xffff;
	v13 =	vadd.f32 v15, v13;
	v12 =	vadd.f32 v12, v14  }
0x76: {  	v11 =	vadd.f32 v16, v11;
	v49 =	vadd.f32 v18, v17  }
0x77: {  	v12 =	vadd.f32 v12, v13  }
0x78: {  	v50 =	vadd.s32 $0x5, v6;
	v11 =	vadd.f32 v49, v11  }
0x79: {  	v51 =	vadd.s32 $0x5, v7;
	v12 =	vadd.f32 v12, v19  }
0x7a: {  	v52 =	vadd.s32 $0x5, v8;
	v11 =	vadd.f32 v11, v48  }
0x7b: {  	v53 =	vadd.s32 $0x5, v4;
	[tilespmem:s18+$0x3D80] =	vst v12  }
0x7c: {  	v54 =	vadd.s32 $0x139D, v1;
	[tilespmem:s18+$0x7D80] =	vst v11  }
0x7d: {  	v55 =	vadd.s32 $0x139D, v2;
	v13 =	vld.idx.msk [tilespmem:v50+s8+$0x0], $0xffff  }
0x7e: {  	v56 =	vadd.s32 $0x139D, v3;
	v15 =	vld.idx.msk [tilespmem:v51+s8+$0x0], $0xffff  }
0x7f: {  	v57 =	vadd.s32 $0x139D, v5;
	v14 =	vld.idx.msk [tilespmem:v52+s8+$0x0], $0xffff  }
0x80: {  	v12 =	vld.idx.msk [tilespmem:v53+s8+$0x0], $0xffff  }
0x81: {  	v11 =	vld.idx.msk [tilespmem:v54+s8+$0x0], $0xffff  }
0x82: {  	v58 =	vadd.s32 $0x5, v10;
	v16 =	vld.idx.msk [tilespmem:v55+s8+$0x0], $0xffff  }
0x83: {  	v59 =	vadd.s32 $0x139D, v9;
	v17 =	vld.idx.msk [tilespmem:v56+s8+$0x0], $0xffff  }
0x84: {  	v18 =	vld.idx.msk [tilespmem:v57+s8+$0x0], $0xffff;
	_ =	sdelay $0x2  }
0x85: {  	v19 =	vld.idx.msk [tilespmem:v58+s8+$0x0], $0xffff  }
0x86: {  	v60 =	vld.idx.msk [tilespmem:v59+s8+$0x0], $0xffff;
	v13 =	vadd.f32 v15, v13;
	v12 =	vadd.f32 v12, v14  }
0x87: {  	v11 =	vadd.f32 v16, v11;
	v61 =	vadd.f32 v18, v17  }
0x88: {  	v12 =	vadd.f32 v12, v13  }
0x89: {  	v62 =	vadd.s32 $0x6, v6;
	v11 =	vadd.f32 v61, v11  }
0x8a: {  	v63 =	vadd.s32 $0x6, v7;
	v12 =	vadd.f32 v12, v19  }
0x8b: {  	v20 =	vadd.s32 $0x6, v8;
	v11 =	vadd.f32 v11, v60  }
0x8c: {  	v21 =	vadd.s32 $0x6, v4;
	[tilespmem:s18+$0x3E00] =	vst v12  }
0x8d: {  	v22 =	vadd.s32 $0x139E, v1;
	[tilespmem:s18+$0x7E00] =	vst v11  }
0x8e: {  	v23 =	vadd.s32 $0x139E, v2;
	v13 =	vld.idx.msk [tilespmem:v62+s8+$0x0], $0xffff  }
0x8f: {  	v24 =	vadd.s32 $0x139E, v3;
	v15 =	vld.idx.msk [tilespmem:v63+s8+$0x0], $0xffff  }
0x90: {  	v25 =	vadd.s32 $0x139E, v5;
	v14 =	vld.idx.msk [tilespmem:v20+s8+$0x0], $0xffff  }
0x91: {  	v12 =	vld.idx.msk [tilespmem:v21+s8+$0x0], $0xffff  }
0x92: {  	v11 =	vld.idx.msk [tilespmem:v22+s8+$0x0], $0xffff  }
0x93: {  	v26 =	vadd.s32 $0x6, v10;
	v16 =	vld.idx.msk [tilespmem:v23+s8+$0x0], $0xffff  }
0x94: {  	v27 =	vadd.s32 $0x139E, v9;
	v17 =	vld.idx.msk [tilespmem:v24+s8+$0x0], $0xffff  }
0x95: {  	v18 =	vld.idx.msk [tilespmem:v25+s8+$0x0], $0xffff;
	_ =	sdelay $0x2  }
0x96: {  	v19 =	vld.idx.msk [tilespmem:v26+s8+$0x0], $0xffff  }
0x97: {  	v28 =	vld.idx.msk [tilespmem:v27+s8+$0x0], $0xffff;
	v13 =	vadd.f32 v15, v13;
	v12 =	vadd.f32 v12, v14  }
0x98: {  	v11 =	vadd.f32 v16, v11;
	v29 =	vadd.f32 v18, v17  }
0x99: {  	v12 =	vadd.f32 v12, v13  }
0x9a: {  	v30 =	vadd.s32 $0x7, v6;
	v11 =	vadd.f32 v29, v11  }
0x9b: {  	v31 =	vadd.s32 $0x7, v7;
	v12 =	vadd.f32 v12, v19  }
0x9c: {  	v32 =	vadd.s32 $0x7, v8;
	v11 =	vadd.f32 v11, v28  }
0x9d: {  	v33 =	vadd.s32 $0x7, v4;
	[tilespmem:s18+$0x3E80] =	vst v12  }
0x9e: {  	v34 =	vadd.s32 $0x139F, v1;
	[tilespmem:s18+$0x7E80] =	vst v11  }
0x9f: {  	v35 =	vadd.s32 $0x139F, v2;
	v13 =	vld.idx.msk [tilespmem:v30+s8+$0x0], $0xffff  }
0xa0: {  	v36 =	vadd.s32 $0x139F, v3;
	v15 =	vld.idx.msk [tilespmem:v31+s8+$0x0], $0xffff  }
0xa1: {  	v37 =	vadd.s32 $0x139F, v5;
	v14 =	vld.idx.msk [tilespmem:v32+s8+$0x0], $0xffff  }
0xa2: {  	v12 =	vld.idx.msk [tilespmem:v33+s8+$0x0], $0xffff  }
0xa3: {  	v11 =	vld.idx.msk [tilespmem:v34+s8+$0x0], $0xffff  }
0xa4: {  	v38 =	vadd.s32 $0x7, v10;
	v16 =	vld.idx.msk [tilespmem:v35+s8+$0x0], $0xffff  }
0xa5: {  	v39 =	vadd.s32 $0x139F, v9;
	v17 =	vld.idx.msk [tilespmem:v36+s8+$0x0], $0xffff  }
0xa6: {  	v18 =	vld.idx.msk [tilespmem:v37+s8+$0x0], $0xffff;
	_ =	sdelay $0x2  }
0xa7: {  	v19 =	vld.idx.msk [tilespmem:v38+s8+$0x0], $0xffff  }
0xa8: {  	v40 =	vld.idx.msk [tilespmem:v39+s8+$0x0], $0xffff;
	v13 =	vadd.f32 v15, v13;
	v12 =	vadd.f32 v12, v14  }
0xa9: {  	v11 =	vadd.f32 v16, v11;
	v41 =	vadd.f32 v18, v17  }
0xaa: {  	v12 =	vadd.f32 v12, v13  }
0xab: {  	v42 =	vadd.s32 $0x8, v6;
	v11 =	vadd.f32 v41, v11  }
0xac: {  	s31 =	sor.u32 s17, s16;
	v43 =	vadd.s32 $0x8, v7;
	v12 =	vadd.f32 v12, v19  }
0xad: {  	s19 =	sor.u32 $0x380, s31;
	v44 =	vadd.s32 $0x8, v8;
	v11 =	vadd.f32 v11, v40  }
0xae: {  	v45 =	vadd.s32 $0x8, v4;
	[tilespmem:s19+$0x3B80] =	vst v12  }
0xaf: {  	v46 =	vadd.s32 $0x13A0, v1;
	[tilespmem:s18+$0x7F00] =	vst v11  }
0xb0: {  	v47 =	vadd.s32 $0x13A0, v2;
	v13 =	vld.idx.msk [tilespmem:v42+s8+$0x0], $0xffff  }
0xb1: {  	v48 =	vadd.s32 $0x13A0, v3;
	v15 =	vld.idx.msk [tilespmem:v43+s8+$0x0], $0xffff  }
0xb2: {  	v49 =	vadd.s32 $0x13A0, v5;
	v14 =	vld.idx.msk [tilespmem:v44+s8+$0x0], $0xffff  }
0xb3: {  	v12 =	vld.idx.msk [tilespmem:v45+s8+$0x0], $0xffff  }
0xb4: {  	v11 =	vld.idx.msk [tilespmem:v46+s8+$0x0], $0xffff  }
0xb5: {  	v50 =	vadd.s32 $0x8, v10;
	v16 =	vld.idx.msk [tilespmem:v47+s8+$0x0], $0xffff  }
0xb6: {  	v51 =	vadd.s32 $0x13A0, v9;
	v17 =	vld.idx.msk [tilespmem:v48+s8+$0x0], $0xffff  }
0xb7: {  	v18 =	vld.idx.msk [tilespmem:v49+s8+$0x0], $0xffff;
	_ =	sdelay $0x2  }
0xb8: {  	v19 =	vld.idx.msk [tilespmem:v50+s8+$0x0], $0xffff  }
0xb9: {  	v52 =	vld.idx.msk [tilespmem:v51+s8+$0x0], $0xffff;
	v13 =	vadd.f32 v15, v13;
	v12 =	vadd.f32 v12, v14  }
0xba: {  	v11 =	vadd.f32 v16, v11;
	v53 =	vadd.f32 v18, v17  }
0xbb: {  	v12 =	vadd.f32 v12, v13  }
0xbc: {  	v54 =	vadd.s32 $0x9, v6;
	v11 =	vadd.f32 v53, v11  }
0xbd: {  	v55 =	vadd.s32 $0x9, v7;
	v12 =	vadd.f32 v12, v19  }
0xbe: {  	v56 =	vadd.s32 $0x9, v8;
	v11 =	vadd.f32 v11, v52  }
0xbf: {  	v57 =	vadd.s32 $0x9, v4;
	[tilespmem:s18+$0x4B80] =	vst v12  }
0xc0: {  	v58 =	vadd.s32 $0x13A1, v1;
	[tilespmem:s18+$0x8B80] =	vst v11  }
0xc1: {  	v59 =	vadd.s32 $0x13A1, v2;
	v13 =	vld.idx.msk [tilespmem:v54+s8+$0x0], $0xffff  }
0xc2: {  	v60 =	vadd.s32 $0x13A1, v3;
	v15 =	vld.idx.msk [tilespmem:v55+s8+$0x0], $0xffff  }
0xc3: {  	v61 =	vadd.s32 $0x13A1, v5;
	v14 =	vld.idx.msk [tilespmem:v56+s8+$0x0], $0xffff  }
0xc4: {  	v12 =	vld.idx.msk [tilespmem:v57+s8+$0x0], $0xffff  }
0xc5: {  	v11 =	vld.idx.msk [tilespmem:v58+s8+$0x0], $0xffff  }
0xc6: {  	v62 =	vadd.s32 $0x9, v10;
	v16 =	vld.idx.msk [tilespmem:v59+s8+$0x0], $0xffff  }
0xc7: {  	v63 =	vadd.s32 $0x13A1, v9;
	v17 =	vld.idx.msk [tilespmem:v60+s8+$0x0], $0xffff  }
0xc8: {  	v18 =	vld.idx.msk [tilespmem:v61+s8+$0x0], $0xffff;
	_ =	sdelay $0x2  }
0xc9: {  	v19 =	vld.idx.msk [tilespmem:v62+s8+$0x0], $0xffff  }
0xca: {  	v22 =	vld.idx.msk [tilespmem:v63+s8+$0x0], $0xffff;
	v13 =	vadd.f32 v15, v13;
	v12 =	vadd.f32 v12, v14  }
0xcb: {  	v11 =	vadd.f32 v16, v11;
	v23 =	vadd.f32 v18, v17  }
0xcc: {  	v12 =	vadd.f32 v12, v13  }
0xcd: {  	v24 =	vadd.s32 $0xA, v6;
	v11 =	vadd.f32 v23, v11  }
0xce: {  	v25 =	vadd.s32 $0xA, v7;
	v12 =	vadd.f32 v12, v19  }
0xcf: {  	v26 =	vadd.s32 $0xA, v8;
	v11 =	vadd.f32 v11, v22  }
0xd0: {  	v27 =	vadd.s32 $0xA, v4;
	[tilespmem:s18+$0x4C00] =	vst v12  }
0xd1: {  	v28 =	vadd.s32 $0x13A2, v1;
	[tilespmem:s18+$0x8C00] =	vst v11  }
0xd2: {  	v29 =	vadd.s32 $0x13A2, v2;
	v13 =	vld.idx.msk [tilespmem:v24+s8+$0x0], $0xffff  }
0xd3: {  	v30 =	vadd.s32 $0x13A2, v3;
	v15 =	vld.idx.msk [tilespmem:v25+s8+$0x0], $0xffff  }
0xd4: {  	v31 =	vadd.s32 $0x13A2, v5;
	v14 =	vld.idx.msk [tilespmem:v26+s8+$0x0], $0xffff  }
0xd5: {  	v12 =	vld.idx.msk [tilespmem:v27+s8+$0x0], $0xffff  }
0xd6: {  	v11 =	vld.idx.msk [tilespmem:v28+s8+$0x0], $0xffff  }
0xd7: {  	v32 =	vadd.s32 $0xA, v10;
	v16 =	vld.idx.msk [tilespmem:v29+s8+$0x0], $0xffff  }
0xd8: {  	v33 =	vadd.s32 $0x13A2, v9;
	v17 =	vld.idx.msk [tilespmem:v30+s8+$0x0], $0xffff  }
0xd9: {  	v18 =	vld.idx.msk [tilespmem:v31+s8+$0x0], $0xffff;
	_ =	sdelay $0x2  }
0xda: {  	v19 =	vld.idx.msk [tilespmem:v32+s8+$0x0], $0xffff  }
0xdb: {  	v34 =	vld.idx.msk [tilespmem:v33+s8+$0x0], $0xffff;
	v13 =	vadd.f32 v15, v13;
	v12 =	vadd.f32 v12, v14  }
0xdc: {  	v11 =	vadd.f32 v16, v11;
	v35 =	vadd.f32 v18, v17  }
0xdd: {  	v12 =	vadd.f32 v12, v13  }
0xde: {  	v36 =	vadd.s32 $0xB, v6;
	v11 =	vadd.f32 v35, v11  }
0xdf: {  	v37 =	vadd.s32 $0xB, v7;
	v12 =	vadd.f32 v12, v19  }
0xe0: {  	v38 =	vadd.s32 $0xB, v8;
	v11 =	vadd.f32 v11, v34  }
0xe1: {  	v39 =	vadd.s32 $0xB, v4;
	[tilespmem:s18+$0x4C80] =	vst v12  }
0xe2: {  	v40 =	vadd.s32 $0x13A3, v1;
	[tilespmem:s18+$0x8C80] =	vst v11  }
0xe3: {  	v41 =	vadd.s32 $0x13A3, v2;
	v13 =	vld.idx.msk [tilespmem:v36+s8+$0x0], $0xffff  }
0xe4: {  	v42 =	vadd.s32 $0x13A3, v3;
	v15 =	vld.idx.msk [tilespmem:v37+s8+$0x0], $0xffff  }
0xe5: {  	v43 =	vadd.s32 $0x13A3, v5;
	v14 =	vld.idx.msk [tilespmem:v38+s8+$0x0], $0xffff  }
0xe6: {  	v12 =	vld.idx.msk [tilespmem:v39+s8+$0x0], $0xffff  }
0xe7: {  	v11 =	vld.idx.msk [tilespmem:v40+s8+$0x0], $0xffff  }
0xe8: {  	v44 =	vadd.s32 $0xB, v10;
	v16 =	vld.idx.msk [tilespmem:v41+s8+$0x0], $0xffff  }
0xe9: {  	v45 =	vadd.s32 $0x13A3, v9;
	v17 =	vld.idx.msk [tilespmem:v42+s8+$0x0], $0xffff  }
0xea: {  	v18 =	vld.idx.msk [tilespmem:v43+s8+$0x0], $0xffff;
	_ =	sdelay $0x2  }
0xeb: {  	v19 =	vld.idx.msk [tilespmem:v44+s8+$0x0], $0xffff  }
0xec: {  	v46 =	vld.idx.msk [tilespmem:v45+s8+$0x0], $0xffff;
	v13 =	vadd.f32 v15, v13;
	v12 =	vadd.f32 v12, v14  }
0xed: {  	v11 =	vadd.f32 v16, v11;
	v47 =	vadd.f32 v18, v17  }
0xee: {  	v12 =	vadd.f32 v12, v13  }
0xef: {  	v48 =	vadd.s32 $0xC, v6;
	v11 =	vadd.f32 v47, v11  }
0xf0: {  	v49 =	vadd.s32 $0xC, v7;
	v12 =	vadd.f32 v12, v19  }
0xf1: {  	v50 =	vadd.s32 $0xC, v8;
	v11 =	vadd.f32 v11, v46  }
0xf2: {  	v51 =	vadd.s32 $0xC, v4;
	[tilespmem:s18+$0x4D00] =	vst v12  }
0xf3: {  	v52 =	vadd.s32 $0x13A4, v1;
	[tilespmem:s18+$0x8D00] =	vst v11  }
0xf4: {  	v53 =	vadd.s32 $0x13A4, v2;
	v13 =	vld.idx.msk [tilespmem:v48+s8+$0x0], $0xffff  }
0xf5: {  	v54 =	vadd.s32 $0x13A4, v3;
	v15 =	vld.idx.msk [tilespmem:v49+s8+$0x0], $0xffff  }
0xf6: {  	v55 =	vadd.s32 $0x13A4, v5;
	v14 =	vld.idx.msk [tilespmem:v50+s8+$0x0], $0xffff  }
0xf7: {  	v12 =	vld.idx.msk [tilespmem:v51+s8+$0x0], $0xffff  }
0xf8: {  	v11 =	vld.idx.msk [tilespmem:v52+s8+$0x0], $0xffff  }
0xf9: {  	v56 =	vadd.s32 $0xC, v10;
	v16 =	vld.idx.msk [tilespmem:v53+s8+$0x0], $0xffff  }
0xfa: {  	v57 =	vadd.s32 $0x13A4, v9;
	v17 =	vld.idx.msk [tilespmem:v54+s8+$0x0], $0xffff  }
0xfb: {  	v18 =	vld.idx.msk [tilespmem:v55+s8+$0x0], $0xffff;
	_ =	sdelay $0x2  }
0xfc: {  	v19 =	vld.idx.msk [tilespmem:v56+s8+$0x0], $0xffff  }
0xfd: {  	v58 =	vld.idx.msk [tilespmem:v57+s8+$0x0], $0xffff;
	v13 =	vadd.f32 v15, v13;
	v12 =	vadd.f32 v12, v14  }
0xfe: {  	v11 =	vadd.f32 v16, v11;
	v59 =	vadd.f32 v18, v17  }
0xff: {  	v12 =	vadd.f32 v12, v13  }
0x100: {  	v60 =	vadd.s32 $0xD, v6;
	v11 =	vadd.f32 v59, v11  }
0x101: {  	v61 =	vadd.s32 $0xD, v7;
	v12 =	vadd.f32 v12, v19  }
0x102: {  	v62 =	vadd.s32 $0xD, v8;
	v11 =	vadd.f32 v11, v58  }
0x103: {  	v63 =	vadd.s32 $0xD, v4;
	[tilespmem:s18+$0x4D80] =	vst v12  }
0x104: {  	v21 =	vadd.s32 $0x13A5, v1;
	[tilespmem:s18+$0x8D80] =	vst v11  }
0x105: {  	v22 =	vadd.s32 $0x13A5, v2;
	v13 =	vld.idx.msk [tilespmem:v60+s8+$0x0], $0xffff  }
0x106: {  	v23 =	vadd.s32 $0x13A5, v3;
	v15 =	vld.idx.msk [tilespmem:v61+s8+$0x0], $0xffff  }
0x107: {  	v24 =	vadd.s32 $0x13A5, v5;
	v14 =	vld.idx.msk [tilespmem:v62+s8+$0x0], $0xffff  }
0x108: {  	v12 =	vld.idx.msk [tilespmem:v63+s8+$0x0], $0xffff  }
0x109: {  	v11 =	vld.idx.msk [tilespmem:v21+s8+$0x0], $0xffff  }
0x10a: {  	v25 =	vadd.s32 $0xD, v10;
	v16 =	vld.idx.msk [tilespmem:v22+s8+$0x0], $0xffff  }
0x10b: {  	v26 =	vadd.s32 $0x13A5, v9;
	v17 =	vld.idx.msk [tilespmem:v23+s8+$0x0], $0xffff  }
0x10c: {  	v18 =	vld.idx.msk [tilespmem:v24+s8+$0x0], $0xffff;
	_ =	sdelay $0x2  }
0x10d: {  	v19 =	vld.idx.msk [tilespmem:v25+s8+$0x0], $0xffff  }
0x10e: {  	v27 =	vld.idx.msk [tilespmem:v26+s8+$0x0], $0xffff;
	v13 =	vadd.f32 v15, v13;
	v12 =	vadd.f32 v12, v14  }
0x10f: {  	v11 =	vadd.f32 v16, v11;
	v28 =	vadd.f32 v18, v17  }
0x110: {  	v12 =	vadd.f32 v12, v13  }
0x111: {  	v29 =	vadd.s32 $0xE, v6;
	v11 =	vadd.f32 v28, v11  }
0x112: {  	v30 =	vadd.s32 $0xE, v7;
	v12 =	vadd.f32 v12, v19  }
0x113: {  	v31 =	vadd.s32 $0xE, v8;
	v11 =	vadd.f32 v11, v27  }
0x114: {  	v32 =	vadd.s32 $0xE, v4;
	[tilespmem:s18+$0x4E00] =	vst v12  }
0x115: {  	v33 =	vadd.s32 $0x13A6, v1;
	[tilespmem:s18+$0x8E00] =	vst v11  }
0x116: {  	v34 =	vadd.s32 $0x13A6, v2;
	v13 =	vld.idx.msk [tilespmem:v29+s8+$0x0], $0xffff  }
0x117: {  	v35 =	vadd.s32 $0x13A6, v3;
	v15 =	vld.idx.msk [tilespmem:v30+s8+$0x0], $0xffff  }
0x118: {  	v36 =	vadd.s32 $0x13A6, v5;
	v14 =	vld.idx.msk [tilespmem:v31+s8+$0x0], $0xffff  }
0x119: {  	v12 =	vld.idx.msk [tilespmem:v32+s8+$0x0], $0xffff  }
0x11a: {  	v11 =	vld.idx.msk [tilespmem:v33+s8+$0x0], $0xffff  }
0x11b: {  	v37 =	vadd.s32 $0xE, v10;
	v16 =	vld.idx.msk [tilespmem:v34+s8+$0x0], $0xffff  }
0x11c: {  	v38 =	vadd.s32 $0x13A6, v9;
	v17 =	vld.idx.msk [tilespmem:v35+s8+$0x0], $0xffff  }
0x11d: {  	v18 =	vld.idx.msk [tilespmem:v36+s8+$0x0], $0xffff;
	_ =	sdelay $0x2  }
0x11e: {  	v19 =	vld.idx.msk [tilespmem:v37+s8+$0x0], $0xffff  }
0x11f: {  	v39 =	vld.idx.msk [tilespmem:v38+s8+$0x0], $0xffff;
	v13 =	vadd.f32 v15, v13;
	v12 =	vadd.f32 v12, v14  }
0x120: {  	v11 =	vadd.f32 v16, v11;
	v40 =	vadd.f32 v18, v17  }
0x121: {  	v12 =	vadd.f32 v12, v13  }
0x122: {  	v41 =	vadd.s32 $0xF, v6;
	v11 =	vadd.f32 v40, v11  }
0x123: {  	v42 =	vadd.s32 $0xF, v7;
	v12 =	vadd.f32 v12, v19  }
0x124: {  	v43 =	vadd.s32 $0xF, v8;
	v11 =	vadd.f32 v11, v39  }
0x125: {  	v44 =	vadd.s32 $0xF, v4;
	[tilespmem:s18+$0x4E80] =	vst v12  }
0x126: {  	v45 =	vadd.s32 $0x13A7, v1;
	[tilespmem:s18+$0x8E80] =	vst v11  }
0x127: {  	v46 =	vadd.s32 $0x13A7, v2;
	v13 =	vld.idx.msk [tilespmem:v41+s8+$0x0], $0xffff  }
0x128: {  	v47 =	vadd.s32 $0x13A7, v3;
	v15 =	vld.idx.msk [tilespmem:v42+s8+$0x0], $0xffff  }
0x129: {  	v48 =	vadd.s32 $0x13A7, v5;
	v14 =	vld.idx.msk [tilespmem:v43+s8+$0x0], $0xffff  }
0x12a: {  	v12 =	vld.idx.msk [tilespmem:v44+s8+$0x0], $0xffff  }
0x12b: {  	v11 =	vld.idx.msk [tilespmem:v45+s8+$0x0], $0xffff  }
0x12c: {  	v49 =	vadd.s32 $0xF, v10;
	v16 =	vld.idx.msk [tilespmem:v46+s8+$0x0], $0xffff  }
0x12d: {  	v50 =	vadd.s32 $0x13A7, v9;
	v17 =	vld.idx.msk [tilespmem:v47+s8+$0x0], $0xffff  }
0x12e: {  	v18 =	vld.idx.msk [tilespmem:v48+s8+$0x0], $0xffff;
	_ =	sdelay $0x2  }
0x12f: {  	v19 =	vld.idx.msk [tilespmem:v49+s8+$0x0], $0xffff  }
0x130: {  	v51 =	vld.idx.msk [tilespmem:v50+s8+$0x0], $0xffff;
	v13 =	vadd.f32 v15, v13;
	v12 =	vadd.f32 v12, v14  }
0x131: {  	v11 =	vadd.f32 v16, v11;
	v52 =	vadd.f32 v18, v17  }
0x132: {  	v12 =	vadd.f32 v12, v13  }
0x133: {  	v53 =	vadd.s32 $0x10, v6;
	v11 =	vadd.f32 v52, v11  }
0x134: {  	v54 =	vadd.s32 $0x10, v7;
	v12 =	vadd.f32 v12, v19  }
0x135: {  	v55 =	vadd.s32 $0x10, v8;
	v11 =	vadd.f32 v11, v51  }
0x136: {  	v56 =	vadd.s32 $0x10, v4;
	[tilespmem:s18+$0x4F00] =	vst v12  }
0x137: {  	v57 =	vadd.s32 $0x13A8, v1;
	[tilespmem:s18+$0x8F00] =	vst v11  }
0x138: {  	v58 =	vadd.s32 $0x13A8, v2;
	v13 =	vld.idx.msk [tilespmem:v53+s8+$0x0], $0xffff  }
0x139: {  	v59 =	vadd.s32 $0x13A8, v3;
	v15 =	vld.idx.msk [tilespmem:v54+s8+$0x0], $0xffff  }
0x13a: {  	v60 =	vadd.s32 $0x13A8, v5;
	v14 =	vld.idx.msk [tilespmem:v55+s8+$0x0], $0xffff  }
0x13b: {  	v12 =	vld.idx.msk [tilespmem:v56+s8+$0x0], $0xffff  }
0x13c: {  	v11 =	vld.idx.msk [tilespmem:v57+s8+$0x0], $0xffff  }
0x13d: {  	v61 =	vadd.s32 $0x10, v10;
	v16 =	vld.idx.msk [tilespmem:v58+s8+$0x0], $0xffff  }
0x13e: {  	v62 =	vadd.s32 $0x13A8, v9;
	v17 =	vld.idx.msk [tilespmem:v59+s8+$0x0], $0xffff  }
0x13f: {  	v18 =	vld.idx.msk [tilespmem:v60+s8+$0x0], $0xffff;
	_ =	sdelay $0x2  }
0x140: {  	v19 =	vld.idx.msk [tilespmem:v61+s8+$0x0], $0xffff  }
0x141: {  	v63 =	vld.idx.msk [tilespmem:v62+s8+$0x0], $0xffff;
	v13 =	vadd.f32 v15, v13;
	v12 =	vadd.f32 v12, v14  }
0x142: {  	v11 =	vadd.f32 v16, v11;
	v18 =	vadd.f32 v18, v17  }
0x143: {  	v12 =	vadd.f32 v12, v13  }
0x144: {  	v20 =	vadd.s32 $0x11, v6;
	v11 =	vadd.f32 v18, v11  }
0x145: {  	v21 =	vadd.s32 $0x11, v7;
	v12 =	vadd.f32 v12, v19  }
0x146: {  	v22 =	vadd.s32 $0x11, v8;
	v11 =	vadd.f32 v11, v63  }
0x147: {  	v23 =	vadd.s32 $0x11, v4;
	[tilespmem:s18+$0x5B80] =	vst v12  }
0x148: {  	v24 =	vadd.s32 $0x13A9, v1;
	[tilespmem:s18+$0x9B80] =	vst v11  }
0x149: {  	v25 =	vadd.s32 $0x13A9, v2;
	v13 =	vld.idx.msk [tilespmem:v20+s8+$0x0], $0xffff  }
0x14a: {  	v26 =	vadd.s32 $0x13A9, v3;
	v15 =	vld.idx.msk [tilespmem:v21+s8+$0x0], $0xffff  }
0x14b: {  	v27 =	vadd.s32 $0x13A9, v5;
	v14 =	vld.idx.msk [tilespmem:v22+s8+$0x0], $0xffff  }
0x14c: {  	v12 =	vld.idx.msk [tilespmem:v23+s8+$0x0], $0xffff  }
0x14d: {  	v11 =	vld.idx.msk [tilespmem:v24+s8+$0x0], $0xffff  }
0x14e: {  	v28 =	vadd.s32 $0x11, v10;
	v16 =	vld.idx.msk [tilespmem:v25+s8+$0x0], $0xffff  }
0x14f: {  	v29 =	vadd.s32 $0x13A9, v9;
	v17 =	vld.idx.msk [tilespmem:v26+s8+$0x0], $0xffff  }
0x150: {  	v18 =	vld.idx.msk [tilespmem:v27+s8+$0x0], $0xffff;
	_ =	sdelay $0x2  }
0x151: {  	v19 =	vld.idx.msk [tilespmem:v28+s8+$0x0], $0xffff  }
0x152: {  	v30 =	vld.idx.msk [tilespmem:v29+s8+$0x0], $0xffff;
	v13 =	vadd.f32 v15, v13;
	v12 =	vadd.f32 v12, v14  }
0x153: {  	v11 =	vadd.f32 v16, v11;
	v31 =	vadd.f32 v18, v17  }
0x154: {  	v12 =	vadd.f32 v12, v13  }
0x155: {  	v32 =	vadd.s32 $0x12, v6;
	v11 =	vadd.f32 v31, v11  }
0x156: {  	v33 =	vadd.s32 $0x12, v7;
	v12 =	vadd.f32 v12, v19  }
0x157: {  	v34 =	vadd.s32 $0x12, v8;
	v11 =	vadd.f32 v11, v30  }
0x158: {  	v35 =	vadd.s32 $0x12, v4;
	[tilespmem:s18+$0x5C00] =	vst v12  }
0x159: {  	v36 =	vadd.s32 $0x13AA, v1;
	[tilespmem:s18+$0x9C00] =	vst v11  }
0x15a: {  	v37 =	vadd.s32 $0x13AA, v2;
	v13 =	vld.idx.msk [tilespmem:v32+s8+$0x0], $0xffff  }
0x15b: {  	v38 =	vadd.s32 $0x13AA, v3;
	v15 =	vld.idx.msk [tilespmem:v33+s8+$0x0], $0xffff  }
0x15c: {  	v39 =	vadd.s32 $0x13AA, v5;
	v14 =	vld.idx.msk [tilespmem:v34+s8+$0x0], $0xffff  }
0x15d: {  	v12 =	vld.idx.msk [tilespmem:v35+s8+$0x0], $0xffff  }
0x15e: {  	v11 =	vld.idx.msk [tilespmem:v36+s8+$0x0], $0xffff  }
0x15f: {  	v40 =	vadd.s32 $0x12, v10;
	v16 =	vld.idx.msk [tilespmem:v37+s8+$0x0], $0xffff  }
0x160: {  	v41 =	vadd.s32 $0x13AA, v9;
	v17 =	vld.idx.msk [tilespmem:v38+s8+$0x0], $0xffff  }
0x161: {  	v18 =	vld.idx.msk [tilespmem:v39+s8+$0x0], $0xffff;
	_ =	sdelay $0x2  }
0x162: {  	v19 =	vld.idx.msk [tilespmem:v40+s8+$0x0], $0xffff  }
0x163: {  	v42 =	vld.idx.msk [tilespmem:v41+s8+$0x0], $0xffff;
	v13 =	vadd.f32 v15, v13;
	v12 =	vadd.f32 v12, v14  }
0x164: {  	v11 =	vadd.f32 v16, v11;
	v43 =	vadd.f32 v18, v17  }
0x165: {  	v12 =	vadd.f32 v12, v13  }
0x166: {  	v44 =	vadd.s32 $0x13, v6;
	v11 =	vadd.f32 v43, v11  }
0x167: {  	v45 =	vadd.s32 $0x13, v7;
	v12 =	vadd.f32 v12, v19  }
0x168: {  	v46 =	vadd.s32 $0x13, v8;
	v11 =	vadd.f32 v11, v42  }
0x169: {  	v47 =	vadd.s32 $0x13, v4;
	[tilespmem:s18+$0x5C80] =	vst v12  }
0x16a: {  	v48 =	vadd.s32 $0x13AB, v1;
	[tilespmem:s18+$0x9C80] =	vst v11  }
0x16b: {  	v49 =	vadd.s32 $0x13AB, v2;
	v13 =	vld.idx.msk [tilespmem:v44+s8+$0x0], $0xffff  }
0x16c: {  	v50 =	vadd.s32 $0x13AB, v3;
	v15 =	vld.idx.msk [tilespmem:v45+s8+$0x0], $0xffff  }
0x16d: {  	v51 =	vadd.s32 $0x13AB, v5;
	v14 =	vld.idx.msk [tilespmem:v46+s8+$0x0], $0xffff  }
0x16e: {  	v12 =	vld.idx.msk [tilespmem:v47+s8+$0x0], $0xffff  }
0x16f: {  	v11 =	vld.idx.msk [tilespmem:v48+s8+$0x0], $0xffff  }
0x170: {  	v52 =	vadd.s32 $0x13, v10;
	v16 =	vld.idx.msk [tilespmem:v49+s8+$0x0], $0xffff  }
0x171: {  	v53 =	vadd.s32 $0x13AB, v9;
	v17 =	vld.idx.msk [tilespmem:v50+s8+$0x0], $0xffff  }
0x172: {  	v18 =	vld.idx.msk [tilespmem:v51+s8+$0x0], $0xffff;
	_ =	sdelay $0x2  }
0x173: {  	v19 =	vld.idx.msk [tilespmem:v52+s8+$0x0], $0xffff  }
0x174: {  	v54 =	vld.idx.msk [tilespmem:v53+s8+$0x0], $0xffff;
	v13 =	vadd.f32 v15, v13;
	v12 =	vadd.f32 v12, v14  }
0x175: {  	v11 =	vadd.f32 v16, v11;
	v55 =	vadd.f32 v18, v17  }
0x176: {  	v12 =	vadd.f32 v12, v13  }
0x177: {  	v56 =	vadd.s32 $0x14, v6;
	v11 =	vadd.f32 v55, v11  }
0x178: {  	v57 =	vadd.s32 $0x14, v7;
	v12 =	vadd.f32 v12, v19  }
0x179: {  	v58 =	vadd.s32 $0x14, v8;
	v11 =	vadd.f32 v11, v54  }
0x17a: {  	v59 =	vadd.s32 $0x14, v4;
	[tilespmem:s18+$0x5D00] =	vst v12  }
0x17b: {  	v60 =	vadd.s32 $0x13AC, v1;
	[tilespmem:s18+$0x9D00] =	vst v11  }
0x17c: {  	v61 =	vadd.s32 $0x13AC, v2;
	v13 =	vld.idx.msk [tilespmem:v56+s8+$0x0], $0xffff  }
0x17d: {  	v62 =	vadd.s32 $0x13AC, v3;
	v15 =	vld.idx.msk [tilespmem:v57+s8+$0x0], $0xffff  }
0x17e: {  	v63 =	vadd.s32 $0x13AC, v5;
	v14 =	vld.idx.msk [tilespmem:v58+s8+$0x0], $0xffff  }
0x17f: {  	v12 =	vld.idx.msk [tilespmem:v59+s8+$0x0], $0xffff  }
0x180: {  	v11 =	vld.idx.msk [tilespmem:v60+s8+$0x0], $0xffff  }
0x181: {  	v24 =	vadd.s32 $0x14, v10;
	v16 =	vld.idx.msk [tilespmem:v61+s8+$0x0], $0xffff  }
0x182: {  	v25 =	vadd.s32 $0x13AC, v9;
	v17 =	vld.idx.msk [tilespmem:v62+s8+$0x0], $0xffff  }
0x183: {  	v18 =	vld.idx.msk [tilespmem:v63+s8+$0x0], $0xffff;
	_ =	sdelay $0x2  }
0x184: {  	v19 =	vld.idx.msk [tilespmem:v24+s8+$0x0], $0xffff  }
0x185: {  	v26 =	vld.idx.msk [tilespmem:v25+s8+$0x0], $0xffff;
	v13 =	vadd.f32 v15, v13;
	v12 =	vadd.f32 v12, v14  }
0x186: {  	v11 =	vadd.f32 v16, v11;
	v27 =	vadd.f32 v18, v17  }
0x187: {  	v12 =	vadd.f32 v12, v13  }
0x188: {  	v28 =	vadd.s32 $0x15, v6;
	v11 =	vadd.f32 v27, v11  }
0x189: {  	v29 =	vadd.s32 $0x15, v7;
	v12 =	vadd.f32 v12, v19  }
0x18a: {  	v30 =	vadd.s32 $0x15, v8;
	v11 =	vadd.f32 v11, v26  }
0x18b: {  	v31 =	vadd.s32 $0x15, v4;
	[tilespmem:s18+$0x5D80] =	vst v12  }
0x18c: {  	v32 =	vadd.s32 $0x13AD, v1;
	[tilespmem:s18+$0x9D80] =	vst v11  }
0x18d: {  	v33 =	vadd.s32 $0x13AD, v2;
	v13 =	vld.idx.msk [tilespmem:v28+s8+$0x0], $0xffff  }
0x18e: {  	v34 =	vadd.s32 $0x13AD, v3;
	v15 =	vld.idx.msk [tilespmem:v29+s8+$0x0], $0xffff  }
0x18f: {  	v35 =	vadd.s32 $0x13AD, v5;
	v14 =	vld.idx.msk [tilespmem:v30+s8+$0x0], $0xffff  }
0x190: {  	v12 =	vld.idx.msk [tilespmem:v31+s8+$0x0], $0xffff  }
0x191: {  	v11 =	vld.idx.msk [tilespmem:v32+s8+$0x0], $0xffff  }
0x192: {  	v36 =	vadd.s32 $0x15, v10;
	v16 =	vld.idx.msk [tilespmem:v33+s8+$0x0], $0xffff  }
0x193: {  	v37 =	vadd.s32 $0x13AD, v9;
	v17 =	vld.idx.msk [tilespmem:v34+s8+$0x0], $0xffff  }
0x194: {  	v18 =	vld.idx.msk [tilespmem:v35+s8+$0x0], $0xffff;
	_ =	sdelay $0x2  }
0x195: {  	v19 =	vld.idx.msk [tilespmem:v36+s8+$0x0], $0xffff  }
0x196: {  	v38 =	vld.idx.msk [tilespmem:v37+s8+$0x0], $0xffff;
	v13 =	vadd.f32 v15, v13;
	v12 =	vadd.f32 v12, v14  }
0x197: {  	v11 =	vadd.f32 v16, v11;
	v39 =	vadd.f32 v18, v17  }
0x198: {  	v12 =	vadd.f32 v12, v13  }
0x199: {  	v40 =	vadd.s32 $0x16, v6;
	v11 =	vadd.f32 v39, v11  }
0x19a: {  	v41 =	vadd.s32 $0x16, v7;
	v12 =	vadd.f32 v12, v19  }
0x19b: {  	v42 =	vadd.s32 $0x16, v8;
	v11 =	vadd.f32 v11, v38  }
0x19c: {  	v43 =	vadd.s32 $0x16, v4;
	[tilespmem:s18+$0x5E00] =	vst v12  }
0x19d: {  	v44 =	vadd.s32 $0x13AE, v1;
	[tilespmem:s18+$0x9E00] =	vst v11  }
0x19e: {  	v45 =	vadd.s32 $0x13AE, v2;
	v13 =	vld.idx.msk [tilespmem:v40+s8+$0x0], $0xffff  }
0x19f: {  	v46 =	vadd.s32 $0x13AE, v3;
	v15 =	vld.idx.msk [tilespmem:v41+s8+$0x0], $0xffff  }
0x1a0: {  	v47 =	vadd.s32 $0x13AE, v5;
	v14 =	vld.idx.msk [tilespmem:v42+s8+$0x0], $0xffff  }
0x1a1: {  	v12 =	vld.idx.msk [tilespmem:v43+s8+$0x0], $0xffff  }
0x1a2: {  	v11 =	vld.idx.msk [tilespmem:v44+s8+$0x0], $0xffff  }
0x1a3: {  	v48 =	vadd.s32 $0x16, v10;
	v16 =	vld.idx.msk [tilespmem:v45+s8+$0x0], $0xffff  }
0x1a4: {  	v49 =	vadd.s32 $0x13AE, v9;
	v17 =	vld.idx.msk [tilespmem:v46+s8+$0x0], $0xffff  }
0x1a5: {  	v18 =	vld.idx.msk [tilespmem:v47+s8+$0x0], $0xffff;
	_ =	sdelay $0x2  }
0x1a6: {  	v19 =	vld.idx.msk [tilespmem:v48+s8+$0x0], $0xffff  }
0x1a7: {  	v50 =	vld.idx.msk [tilespmem:v49+s8+$0x0], $0xffff;
	v13 =	vadd.f32 v15, v13;
	v12 =	vadd.f32 v12, v14  }
0x1a8: {  	v11 =	vadd.f32 v16, v11;
	v51 =	vadd.f32 v18, v17  }
0x1a9: {  	v12 =	vadd.f32 v12, v13  }
0x1aa: {  	v52 =	vadd.s32 $0x17, v6;
	v11 =	vadd.f32 v51, v11  }
0x1ab: {  	v53 =	vadd.s32 $0x17, v7;
	v12 =	vadd.f32 v12, v19  }
0x1ac: {  	v54 =	vadd.s32 $0x17, v8;
	v11 =	vadd.f32 v11, v50  }
0x1ad: {  	v55 =	vadd.s32 $0x17, v4;
	[tilespmem:s18+$0x5E80] =	vst v12  }
0x1ae: {  	v56 =	vadd.s32 $0x13AF, v1;
	[tilespmem:s18+$0x9E80] =	vst v11  }
0x1af: {  	v57 =	vadd.s32 $0x13AF, v2;
	v13 =	vld.idx.msk [tilespmem:v52+s8+$0x0], $0xffff  }
0x1b0: {  	v58 =	vadd.s32 $0x13AF, v3;
	v15 =	vld.idx.msk [tilespmem:v53+s8+$0x0], $0xffff  }
0x1b1: {  	v59 =	vadd.s32 $0x13AF, v5;
	v14 =	vld.idx.msk [tilespmem:v54+s8+$0x0], $0xffff  }
0x1b2: {  	v12 =	vld.idx.msk [tilespmem:v55+s8+$0x0], $0xffff  }
0x1b3: {  	v11 =	vld.idx.msk [tilespmem:v56+s8+$0x0], $0xffff  }
0x1b4: {  	v60 =	vadd.s32 $0x17, v10;
	v16 =	vld.idx.msk [tilespmem:v57+s8+$0x0], $0xffff  }
0x1b5: {  	v61 =	vadd.s32 $0x13AF, v9;
	v17 =	vld.idx.msk [tilespmem:v58+s8+$0x0], $0xffff  }
0x1b6: {  	v18 =	vld.idx.msk [tilespmem:v59+s8+$0x0], $0xffff;
	_ =	sdelay $0x2  }
0x1b7: {  	v19 =	vld.idx.msk [tilespmem:v60+s8+$0x0], $0xffff  }
0x1b8: {  	v62 =	vld.idx.msk [tilespmem:v61+s8+$0x0], $0xffff;
	v13 =	vadd.f32 v15, v13;
	v12 =	vadd.f32 v12, v14  }
0x1b9: {  	v11 =	vadd.f32 v16, v11;
	v63 =	vadd.f32 v18, v17  }
0x1ba: {  	v12 =	vadd.f32 v12, v13  }
0x1bb: {  	v18 =	vadd.s32 $0x18, v6;
	v11 =	vadd.f32 v63, v11  }
0x1bc: {  	v20 =	vadd.s32 $0x18, v7;
	v12 =	vadd.f32 v12, v19  }
0x1bd: {  	v21 =	vadd.s32 $0x18, v8;
	v11 =	vadd.f32 v11, v62  }
0x1be: {  	v22 =	vadd.s32 $0x18, v4;
	[tilespmem:s18+$0x5F00] =	vst v12  }
0x1bf: {  	v23 =	vadd.s32 $0x13B0, v1;
	[tilespmem:s18+$0x9F00] =	vst v11  }
0x1c0: {  	v24 =	vadd.s32 $0x13B0, v2;
	v13 =	vld.idx.msk [tilespmem:v18+s8+$0x0], $0xffff  }
0x1c1: {  	v25 =	vadd.s32 $0x13B0, v3;
	v15 =	vld.idx.msk [tilespmem:v20+s8+$0x0], $0xffff  }
0x1c2: {  	v26 =	vadd.s32 $0x13B0, v5;
	v14 =	vld.idx.msk [tilespmem:v21+s8+$0x0], $0xffff  }
0x1c3: {  	v12 =	vld.idx.msk [tilespmem:v22+s8+$0x0], $0xffff  }
0x1c4: {  	v11 =	vld.idx.msk [tilespmem:v23+s8+$0x0], $0xffff  }
0x1c5: {  	v27 =	vadd.s32 $0x18, v10;
	v16 =	vld.idx.msk [tilespmem:v24+s8+$0x0], $0xffff  }
0x1c6: {  	v28 =	vadd.s32 $0x13B0, v9;
	v17 =	vld.idx.msk [tilespmem:v25+s8+$0x0], $0xffff  }
0x1c7: {  	v18 =	vld.idx.msk [tilespmem:v26+s8+$0x0], $0xffff;
	_ =	sdelay $0x2  }
0x1c8: {  	v19 =	vld.idx.msk [tilespmem:v27+s8+$0x0], $0xffff  }
0x1c9: {  	v29 =	vld.idx.msk [tilespmem:v28+s8+$0x0], $0xffff;
	v13 =	vadd.f32 v15, v13;
	v12 =	vadd.f32 v12, v14  }
0x1ca: {  	v11 =	vadd.f32 v16, v11;
	v30 =	vadd.f32 v18, v17  }
0x1cb: {  	v12 =	vadd.f32 v12, v13  }
0x1cc: {  	v31 =	vadd.s32 $0x19, v6;
	v11 =	vadd.f32 v30, v11  }
0x1cd: {  	v32 =	vadd.s32 $0x19, v7;
	v12 =	vadd.f32 v12, v19  }
0x1ce: {  	v33 =	vadd.s32 $0x19, v8;
	v11 =	vadd.f32 v11, v29  }
0x1cf: {  	v34 =	vadd.s32 $0x19, v4;
	[tilespmem:s18+$0x6B80] =	vst v12  }
0x1d0: {  	v35 =	vadd.s32 $0x13B1, v1;
	[tilespmem:s18+$0xAB80] =	vst v11  }
0x1d1: {  	v36 =	vadd.s32 $0x13B1, v2;
	v13 =	vld.idx.msk [tilespmem:v31+s8+$0x0], $0xffff  }
0x1d2: {  	v37 =	vadd.s32 $0x13B1, v3;
	v15 =	vld.idx.msk [tilespmem:v32+s8+$0x0], $0xffff  }
0x1d3: {  	v38 =	vadd.s32 $0x13B1, v5;
	v14 =	vld.idx.msk [tilespmem:v33+s8+$0x0], $0xffff  }
0x1d4: {  	v12 =	vld.idx.msk [tilespmem:v34+s8+$0x0], $0xffff  }
0x1d5: {  	v11 =	vld.idx.msk [tilespmem:v35+s8+$0x0], $0xffff  }
0x1d6: {  	v39 =	vadd.s32 $0x19, v10;
	v16 =	vld.idx.msk [tilespmem:v36+s8+$0x0], $0xffff  }
0x1d7: {  	v40 =	vadd.s32 $0x13B1, v9;
	v17 =	vld.idx.msk [tilespmem:v37+s8+$0x0], $0xffff  }
0x1d8: {  	v18 =	vld.idx.msk [tilespmem:v38+s8+$0x0], $0xffff;
	_ =	sdelay $0x2  }
0x1d9: {  	v19 =	vld.idx.msk [tilespmem:v39+s8+$0x0], $0xffff  }
0x1da: {  	v41 =	vld.idx.msk [tilespmem:v40+s8+$0x0], $0xffff;
	v13 =	vadd.f32 v15, v13;
	v12 =	vadd.f32 v12, v14  }
0x1db: {  	v11 =	vadd.f32 v16, v11;
	v42 =	vadd.f32 v18, v17  }
0x1dc: {  	v12 =	vadd.f32 v12, v13  }
0x1dd: {  	v43 =	vadd.s32 $0x1A, v6;
	v11 =	vadd.f32 v42, v11  }
0x1de: {  	v44 =	vadd.s32 $0x1A, v7;
	v12 =	vadd.f32 v12, v19  }
0x1df: {  	v45 =	vadd.s32 $0x1A, v8;
	v11 =	vadd.f32 v11, v41  }
0x1e0: {  	v46 =	vadd.s32 $0x1A, v4;
	[tilespmem:s18+$0x6C00] =	vst v12  }
0x1e1: {  	v47 =	vadd.s32 $0x13B2, v1;
	[tilespmem:s18+$0xAC00] =	vst v11  }
0x1e2: {  	v48 =	vadd.s32 $0x13B2, v2;
	v13 =	vld.idx.msk [tilespmem:v43+s8+$0x0], $0xffff  }
0x1e3: {  	v49 =	vadd.s32 $0x13B2, v3;
	v15 =	vld.idx.msk [tilespmem:v44+s8+$0x0], $0xffff  }
0x1e4: {  	v50 =	vadd.s32 $0x13B2, v5;
	v14 =	vld.idx.msk [tilespmem:v45+s8+$0x0], $0xffff  }
0x1e5: {  	v12 =	vld.idx.msk [tilespmem:v46+s8+$0x0], $0xffff  }
0x1e6: {  	v11 =	vld.idx.msk [tilespmem:v47+s8+$0x0], $0xffff  }
0x1e7: {  	v51 =	vadd.s32 $0x1A, v10;
	v16 =	vld.idx.msk [tilespmem:v48+s8+$0x0], $0xffff  }
0x1e8: {  	v52 =	vadd.s32 $0x13B2, v9;
	v17 =	vld.idx.msk [tilespmem:v49+s8+$0x0], $0xffff  }
0x1e9: {  	v18 =	vld.idx.msk [tilespmem:v50+s8+$0x0], $0xffff;
	_ =	sdelay $0x2  }
0x1ea: {  	v19 =	vld.idx.msk [tilespmem:v51+s8+$0x0], $0xffff  }
0x1eb: {  	v53 =	vld.idx.msk [tilespmem:v52+s8+$0x0], $0xffff;
	v13 =	vadd.f32 v15, v13;
	v12 =	vadd.f32 v12, v14  }
0x1ec: {  	v11 =	vadd.f32 v16, v11;
	v54 =	vadd.f32 v18, v17  }
0x1ed: {  	v12 =	vadd.f32 v12, v13  }
0x1ee: {  	v55 =	vadd.s32 $0x1B, v6;
	v11 =	vadd.f32 v54, v11  }
0x1ef: {  	v56 =	vadd.s32 $0x1B, v7;
	v12 =	vadd.f32 v12, v19  }
0x1f0: {  	v57 =	vadd.s32 $0x1B, v8;
	v11 =	vadd.f32 v11, v53  }
0x1f1: {  	v58 =	vadd.s32 $0x1B, v4;
	[tilespmem:s18+$0x6C80] =	vst v12  }
0x1f2: {  	v59 =	vadd.s32 $0x13B3, v1;
	[tilespmem:s18+$0xAC80] =	vst v11  }
0x1f3: {  	v60 =	vadd.s32 $0x13B3, v2;
	v13 =	vld.idx.msk [tilespmem:v55+s8+$0x0], $0xffff  }
0x1f4: {  	v61 =	vadd.s32 $0x13B3, v3;
	v15 =	vld.idx.msk [tilespmem:v56+s8+$0x0], $0xffff  }
0x1f5: {  	v62 =	vadd.s32 $0x13B3, v5;
	v14 =	vld.idx.msk [tilespmem:v57+s8+$0x0], $0xffff  }
0x1f6: {  	v12 =	vld.idx.msk [tilespmem:v58+s8+$0x0], $0xffff  }
0x1f7: {  	v11 =	vld.idx.msk [tilespmem:v59+s8+$0x0], $0xffff  }
0x1f8: {  	v63 =	vadd.s32 $0x1B, v10;
	v16 =	vld.idx.msk [tilespmem:v60+s8+$0x0], $0xffff  }
0x1f9: {  	v24 =	vadd.s32 $0x13B3, v9;
	v17 =	vld.idx.msk [tilespmem:v61+s8+$0x0], $0xffff  }
0x1fa: {  	v18 =	vld.idx.msk [tilespmem:v62+s8+$0x0], $0xffff;
	_ =	sdelay $0x2  }
0x1fb: {  	v19 =	vld.idx.msk [tilespmem:v63+s8+$0x0], $0xffff  }
0x1fc: {  	v25 =	vld.idx.msk [tilespmem:v24+s8+$0x0], $0xffff;
	v13 =	vadd.f32 v15, v13;
	v12 =	vadd.f32 v12, v14  }
0x1fd: {  	v11 =	vadd.f32 v16, v11;
	v26 =	vadd.f32 v18, v17  }
0x1fe: {  	v12 =	vadd.f32 v12, v13  }
0x1ff: {  	v27 =	vadd.s32 $0x1C, v6;
	v11 =	vadd.f32 v26, v11  }
0x200: {  	v28 =	vadd.s32 $0x1C, v7;
	v12 =	vadd.f32 v12, v19  }
0x201: {  	v29 =	vadd.s32 $0x1C, v8;
	v11 =	vadd.f32 v11, v25  }
0x202: {  	v30 =	vadd.s32 $0x1C, v4;
	[tilespmem:s18+$0x6D00] =	vst v12  }
0x203: {  	v31 =	vadd.s32 $0x13B4, v1;
	[tilespmem:s18+$0xAD00] =	vst v11  }
0x204: {  	v32 =	vadd.s32 $0x13B4, v2;
	v13 =	vld.idx.msk [tilespmem:v27+s8+$0x0], $0xffff  }
0x205: {  	v33 =	vadd.s32 $0x13B4, v3;
	v15 =	vld.idx.msk [tilespmem:v28+s8+$0x0], $0xffff  }
0x206: {  	v34 =	vadd.s32 $0x13B4, v5;
	v14 =	vld.idx.msk [tilespmem:v29+s8+$0x0], $0xffff  }
0x207: {  	v12 =	vld.idx.msk [tilespmem:v30+s8+$0x0], $0xffff  }
0x208: {  	v11 =	vld.idx.msk [tilespmem:v31+s8+$0x0], $0xffff  }
0x209: {  	v35 =	vadd.s32 $0x1C, v10;
	v16 =	vld.idx.msk [tilespmem:v32+s8+$0x0], $0xffff  }
0x20a: {  	v36 =	vadd.s32 $0x13B4, v9;
	v17 =	vld.idx.msk [tilespmem:v33+s8+$0x0], $0xffff  }
0x20b: {  	v18 =	vld.idx.msk [tilespmem:v34+s8+$0x0], $0xffff;
	_ =	sdelay $0x2  }
0x20c: {  	v19 =	vld.idx.msk [tilespmem:v35+s8+$0x0], $0xffff  }
0x20d: {  	v37 =	vld.idx.msk [tilespmem:v36+s8+$0x0], $0xffff;
	v13 =	vadd.f32 v15, v13;
	v12 =	vadd.f32 v12, v14  }
0x20e: {  	v11 =	vadd.f32 v16, v11;
	v38 =	vadd.f32 v18, v17  }
0x20f: {  	v12 =	vadd.f32 v12, v13  }
0x210: {  	v39 =	vadd.s32 $0x1D, v6;
	v11 =	vadd.f32 v38, v11  }
0x211: {  	v40 =	vadd.s32 $0x1D, v7;
	v12 =	vadd.f32 v12, v19  }
0x212: {  	v41 =	vadd.s32 $0x1D, v8;
	v11 =	vadd.f32 v11, v37  }
0x213: {  	v42 =	vadd.s32 $0x1D, v4;
	[tilespmem:s18+$0x6D80] =	vst v12  }
0x214: {  	v43 =	vadd.s32 $0x13B5, v1;
	[tilespmem:s18+$0xAD80] =	vst v11  }
0x215: {  	v44 =	vadd.s32 $0x13B5, v2;
	v13 =	vld.idx.msk [tilespmem:v39+s8+$0x0], $0xffff  }
0x216: {  	v45 =	vadd.s32 $0x13B5, v3;
	v15 =	vld.idx.msk [tilespmem:v40+s8+$0x0], $0xffff  }
0x217: {  	v46 =	vadd.s32 $0x13B5, v5;
	v14 =	vld.idx.msk [tilespmem:v41+s8+$0x0], $0xffff  }
0x218: {  	v12 =	vld.idx.msk [tilespmem:v42+s8+$0x0], $0xffff  }
0x219: {  	v11 =	vld.idx.msk [tilespmem:v43+s8+$0x0], $0xffff  }
0x21a: {  	v47 =	vadd.s32 $0x1D, v10;
	v16 =	vld.idx.msk [tilespmem:v44+s8+$0x0], $0xffff  }
0x21b: {  	v48 =	vadd.s32 $0x13B5, v9;
	v17 =	vld.idx.msk [tilespmem:v45+s8+$0x0], $0xffff  }
0x21c: {  	v18 =	vld.idx.msk [tilespmem:v46+s8+$0x0], $0xffff;
	_ =	sdelay $0x2  }
0x21d: {  	v19 =	vld.idx.msk [tilespmem:v47+s8+$0x0], $0xffff  }
0x21e: {  	v49 =	vld.idx.msk [tilespmem:v48+s8+$0x0], $0xffff;
	v13 =	vadd.f32 v15, v13;
	v12 =	vadd.f32 v12, v14  }
0x21f: {  	v11 =	vadd.f32 v16, v11;
	v50 =	vadd.f32 v18, v17  }
0x220: {  	v12 =	vadd.f32 v12, v13  }
0x221: {  	v51 =	vadd.s32 $0x1E, v6;
	v11 =	vadd.f32 v50, v11  }
0x222: {  	v52 =	vadd.s32 $0x1E, v7;
	v12 =	vadd.f32 v12, v19  }
0x223: {  	v53 =	vadd.s32 $0x1E, v8;
	v11 =	vadd.f32 v11, v49  }
0x224: {  	v54 =	vadd.s32 $0x1E, v4;
	[tilespmem:s18+$0x6E00] =	vst v12  }
0x225: {  	v55 =	vadd.s32 $0x13B6, v1;
	[tilespmem:s18+$0xAE00] =	vst v11  }
0x226: {  	v56 =	vadd.s32 $0x13B6, v2;
	v13 =	vld.idx.msk [tilespmem:v51+s8+$0x0], $0xffff  }
0x227: {  	v57 =	vadd.s32 $0x13B6, v3;
	v15 =	vld.idx.msk [tilespmem:v52+s8+$0x0], $0xffff  }
0x228: {  	v58 =	vadd.s32 $0x13B6, v5;
	v14 =	vld.idx.msk [tilespmem:v53+s8+$0x0], $0xffff  }
0x229: {  	v12 =	vld.idx.msk [tilespmem:v54+s8+$0x0], $0xffff  }
0x22a: {  	v11 =	vld.idx.msk [tilespmem:v55+s8+$0x0], $0xffff  }
0x22b: {  	v59 =	vadd.s32 $0x1E, v10;
	v16 =	vld.idx.msk [tilespmem:v56+s8+$0x0], $0xffff  }
0x22c: {  	v60 =	vadd.s32 $0x13B6, v9;
	v17 =	vld.idx.msk [tilespmem:v57+s8+$0x0], $0xffff  }
0x22d: {  	v18 =	vld.idx.msk [tilespmem:v58+s8+$0x0], $0xffff;
	_ =	sdelay $0x2  }
0x22e: {  	v19 =	vld.idx.msk [tilespmem:v59+s8+$0x0], $0xffff  }
0x22f: {  	v61 =	vld.idx.msk [tilespmem:v60+s8+$0x0], $0xffff;
	v13 =	vadd.f32 v15, v13;
	v12 =	vadd.f32 v12, v14  }
0x230: {  	v11 =	vadd.f32 v16, v11;
	v62 =	vadd.f32 v18, v17  }
0x231: {  	v12 =	vadd.f32 v12, v13  }
0x232: {  	v6 =	vadd.s32 $0x1F, v6;
	v11 =	vadd.f32 v62, v11  }
0x233: {  	v7 =	vadd.s32 $0x1F, v7;
	v12 =	vadd.f32 v12, v19  }
0x234: {  	v8 =	vadd.s32 $0x1F, v8;
	v11 =	vadd.f32 v11, v61  }
0x235: {  	v4 =	vadd.s32 $0x1F, v4;
	[tilespmem:s18+$0x6E80] =	vst v12  }
0x236: {  	v1 =	vadd.s32 $0x13B7, v1;
	[tilespmem:s18+$0xAE80] =	vst v11  }
0x237: {  	v2 =	vadd.s32 $0x13B7, v2;
	v6 =	vld.idx.msk [tilespmem:v6+s8+$0x0], $0xffff  }
0x238: {  	v3 =	vadd.s32 $0x13B7, v3;
	v7 =	vld.idx.msk [tilespmem:v7+s8+$0x0], $0xffff  }
0x239: {  	v5 =	vadd.s32 $0x13B7, v5;
	v8 =	vld.idx.msk [tilespmem:v8+s8+$0x0], $0xffff  }
0x23a: {  	v4 =	vld.idx.msk [tilespmem:v4+s8+$0x0], $0xffff  }
0x23b: {  	v1 =	vld.idx.msk [tilespmem:v1+s8+$0x0], $0xffff  }
0x23c: {  	v10 =	vadd.s32 $0x1F, v10;
	v2 =	vld.idx.msk [tilespmem:v2+s8+$0x0], $0xffff  }
0x23d: {  	v9 =	vadd.s32 $0x13B7, v9;
	v3 =	vld.idx.msk [tilespmem:v3+s8+$0x0], $0xffff  }
0x23e: {  	v5 =	vld.idx.msk [tilespmem:v5+s8+$0x0], $0xffff;
	_ =	sdelay $0x2  }
0x23f: {  	v10 =	vld.idx.msk [tilespmem:v10+s8+$0x0], $0xffff  }
0x240: {  	v63 =	vld.idx.msk [tilespmem:v9+s8+$0x0], $0xffff;
	v6 =	vadd.f32 v7, v6;
	v4 =	vadd.f32 v4, v8  }
0x241: {  	v1 =	vadd.f32 v2, v1;
	v2 =	vadd.f32 v5, v3  }
0x242: {  	p0 =	sne.s32 s15, $0x9B4;
	v3 =	vadd.f32 v4, v6  }
.Ltmp0:
0x243: {  	v1 =	vadd.f32 v2, v1;
	(pc) =	sbr.rel @p0 .LBB2_2-.Ltmp0, $4  }
0x244: {  	v2 =	vadd.f32 v3, v10  }
0x245: {  	v1 =	vadd.f32 v1, v63  }
0x246: {  	[tilespmem:s18+$0x6F00] =	vst v2  }
0x247: {  	s17 =	sadd.s32 $0x80, s17;
	s16 =	sadd.s32 $0x10, s16;
	s15 =	sadd.s32 $0x50, s15;
	[tilespmem:s18+$0xAF00] =	vst v1  }
0x248: {  	s14 =	sadd.s32 $0x1, s14  }
0x249: {  	p0 =	sne.s32 s14, s7  }
.Ltmp1:
0x24a: {  	_ = 	snop;
	(pc) =	sbr.rel @p0 .LBB2_1-.Ltmp1, $4  }
0x24b: {  	[hbm4b:s6+s11] =	stream.strided.scatter [tilespmem:s13], [sflag:$0x1], $0x8000, s12, s11, $0x38;
	[tilespmem:$0xBB80] =	vst v63  }
0x24c: {  	_ =	swait.ge [sflag:s9], $0x8000  }
0x24d: {  	[sflag:s9] =	ssyncset.done $0x0  }
0x24e: {  	[sflag:s9] =	ssyncadd.s32 $0xFFFF8000  }
0x24f: {  	_ =	sfence.sel $0x180000  }
0x250: {  	[bflag:$0x0] =	sbarrier.arrive $0xFFFF  }
0x251: {  	p0 =	sne.s32 s0, $0x0;
	_ =	strace $0x90000047  }
0x252: {  	s0 =	sadd.s32 @!p0 $0x100000, s1;
	[bflag:$0x2] =	sbarrier.arrive $0xFFFF  }
0x253: {  	[sflag:s0] =	ssyncadd.tile.s32 @!p0 $0x1;
	_ =	shalt  }
.Lfunc_end2:
_tile_overlayer_lowered:
.L_overlay_start_2:
0x254: {  	(tag) =	ssettag $0x2  }
0x255: {  	s0 =	rddreg [dreg:$0x0];
	s2 =	stileid.u32  }
0x256: {  	s1 =	rddreg [dreg:$0x1];
	p0 =	sne.s32 s2, $0x0  }
0x257: {  	s3 =	rddreg [dreg:$0x2];
	[bflag:$0x3] =	sbarrier.arrive $0xFFFF;
	s2 =	simm.s32 @!p0 $0x1C01  }
0x258: {  	[timem:s3], [sflag:s2] =	dma.local @!p0 [hbm:s0], s1  }
0x259: {  	s0 =	simm.s32 @!p0 $0x1  }
0x25a: {  	_ =	swait.ge @!p0 [sflag:s0], s1  }
0x25b: {  	s1 =	ssub.s32 @!p0 $0x0, s1;
	[sflag:s0] =	ssyncset.done @!p0 $0x0  }
0x25c: {  	[sflag:s0] =	ssyncadd.s32 @!p0 s1  }
0x25d: {  	[bflag:$0x3] =	sbarrier.arrive $0xFFFF  }
0x25e: {  	_ =	shalt  }

</sc_bundles>
